<compile_context>
chip_gen: v7x
topology: tpu7x:2x2x1
jax: 0.10.2.dev20260603
libtpu: 0.0.44.dev20260713+nightly
codegen_flags: <defaults>
</compile_context>

<pallas_src>
import functools
import math

import jax
import jax.numpy as jnp
from jax import lax
from jax.experimental import pallas as pl
from jax.experimental.pallas import tpu as pltpu
from jax.experimental.pallas import tpu_sc as plsc

NC = 2
NS = 16
NW = NC * NS
LANES = 16

def _z():
    return jnp.int32(0)


def _pre_body(nf_ref, wpre_ref, h_ref, *, scale):
    h_ref[...] = jnp.dot(nf_ref[...], wpre_ref[...],
                         preferred_element_type=jnp.float32) * scale


def _pre_linear(nf, w_pre):
    n, c = nf.shape
    bn = 1000
    scale = 1.0 / math.sqrt(c)
    return pl.pallas_call(
        functools.partial(_pre_body, scale=scale),
        grid=(n // bn,),
        in_specs=[
            pl.BlockSpec((bn, c), lambda i: (i, _z())),
            pl.BlockSpec((c, c), lambda i: (_z(), _z())),
        ],
        out_specs=pl.BlockSpec((bn, c), lambda i: (i, _z())),
        out_shape=jax.ShapeDtypeStruct((n, c), jnp.float32),
    )(nf, w_pre)


def _coeff_body(rb_ref, sph_ref, w1_ref, w2_ref, w3_ref, coeff_ref):
    w = jax.nn.silu(jnp.dot(rb_ref[...], w1_ref[...],
                            preferred_element_type=jnp.float32))
    w = jax.nn.silu(jnp.dot(w, w2_ref[...],
                            preferred_element_type=jnp.float32))
    w = jnp.dot(w, w3_ref[...], preferred_element_type=jnp.float32)
    coeff_ref[...] = w * sph_ref[...]


def _edge_coeff(rb, sph, w1, w2, w3):
    e, r = rb.shape
    h = w1.shape[1]
    c = w3.shape[1]
    be = 8192
    return pl.pallas_call(
        _coeff_body,
        grid=(e // be,),
        in_specs=[
            pl.BlockSpec((be, r), lambda i: (i, _z())),
            pl.BlockSpec((be, 1), lambda i: (i, _z())),
            pl.BlockSpec((r, h), lambda i: (_z(), _z())),
            pl.BlockSpec((h, h), lambda i: (_z(), _z())),
            pl.BlockSpec((h, c), lambda i: (_z(), _z())),
        ],
        out_specs=pl.BlockSpec((be, c), lambda i: (i, _z())),
        out_shape=jax.ShapeDtypeStruct((e, c), jnp.float32),
    )(rb, sph, w1, w2, w3)


def _sc_aggregate(h, coeff, src3d, dst3d, *, n, c, e_pad, k, grp):
    epw = e_pad // NW
    nchunk = epw // k
    ngrp = nchunk // grp
    zrows = 32
    n_pad = ((n + NS * zrows - 1) // (NS * zrows)) * (NS * zrows)
    rpt = n_pad // NS
    assert rpt % zrows == 0 and nchunk % grp == 0 and grp % 8 == 0

    mesh = plsc.VectorSubcoreMesh(core_axis_name="c", subcore_axis_name="s")

    @functools.partial(
        pl.kernel,
        out_type=jax.ShapeDtypeStruct((NC, n_pad, c), jnp.float32),
        mesh=mesh,
        scratch_types=[
            pltpu.VMEM((grp, k), jnp.int32),
            pltpu.VMEM((grp, k), jnp.int32),
            pltpu.VMEM((k, c), jnp.float32),
            pltpu.VMEM((k, c), jnp.float32),
            pltpu.VMEM((zrows, c), jnp.float32),
            pltpu.VMEM_SHARED((n_pad, c), jnp.float32),
            pltpu.SemaphoreType.DMA,
        ],
    )
    def body(h_hbm, coeff_hbm, src_hbm, dst_hbm, out_hbm,
             src_v, dst_v, gbuf, cbuf, zbuf, acc, sem):
        cid = lax.axis_index("c").astype(jnp.int32)
        sid = lax.axis_index("s").astype(jnp.int32)
        wid = cid * jnp.int32(NS) + sid
        zero = jnp.zeros((LANES,), jnp.float32)

        def zrow(i, carry):
            for q in range(c // LANES):
                zbuf[i, pl.ds(q * LANES, LANES)] = zero
            return carry
        lax.fori_loop(jnp.int32(0), jnp.int32(zrows), zrow, jnp.int32(0))
        for t in range(rpt // zrows):
            pltpu.sync_copy(zbuf, acc.at[pl.ds(sid * rpt + t * zrows, zrows)])
        plsc.subcore_barrier()

        cbase = wid * jnp.int32(epw)

        def group(g, carry):
            pltpu.sync_copy(src_hbm.at[wid, pl.ds(g * grp, grp)], src_v)
            pltpu.sync_copy(dst_hbm.at[wid, pl.ds(g * grp, grp)], dst_v)

            def chunk(jj, carry2):
                pltpu.async_copy(h_hbm.at[src_v.at[jj]], gbuf, sem).wait()
                pltpu.sync_copy(
                    coeff_hbm.at[pl.ds(cbase + (g * grp + jj) * jnp.int32(k), k)],
                    cbuf)

                def mrow(r2, carry3):
                    for q in range(c // LANES):
                        sl = pl.ds(q * LANES, LANES)
                        gbuf[r2, sl] = gbuf[r2, sl] * cbuf[r2, sl]
                    return carry3
                lax.fori_loop(jnp.int32(0), jnp.int32(k), mrow, jnp.int32(0))
                pltpu.sync_copy(gbuf, acc.at[dst_v.at[jj]], add=True)
                return carry2
            lax.fori_loop(jnp.int32(0), jnp.int32(grp), chunk, jnp.int32(0))
            return carry
        lax.fori_loop(jnp.int32(0), jnp.int32(ngrp), group, jnp.int32(0))

        plsc.subcore_barrier()
        pltpu.sync_copy(acc.at[pl.ds(sid * rpt, rpt)],
                        out_hbm.at[cid, pl.ds(sid * rpt, rpt)])

    return body(h, coeff, src3d, dst3d)


def _post_body(p_ref, nf_ref, attr_ref, wpost_ref, wc_ref, wres_ref,
               wout_ref, out_ref, *, a_dim, c, inv_sqrt_c, inv_sqrt_ca):
    total = p_ref[0] + p_ref[1]
    node = jnp.dot(total, wpost_ref[...],
                   preferred_element_type=jnp.float32) * inv_sqrt_c
    attr = attr_ref[...]
    a1 = jnp.dot(attr, wc_ref[0], preferred_element_type=jnp.float32)
    a2 = jnp.dot(attr, wc_ref[1], preferred_element_type=jnp.float32)
    a3 = jnp.dot(attr, wc_ref[2], preferred_element_type=jnp.float32)
    node2 = node * node
    poly = a1 * node + a2 * node2 + a3 * node2 * node
    nf = nf_ref[...]
    upd = jnp.zeros_like(poly)
    for a in range(a_dim):
        upd = upd + jnp.dot(nf * attr[:, a][:, None], wres_ref[a],
                            preferred_element_type=jnp.float32)
    contracted = poly + upd * inv_sqrt_ca
    out_ref[...] = jnp.dot(contracted, wout_ref[...],
                           preferred_element_type=jnp.float32) * inv_sqrt_c


def _post(partials, nf, attr, w_post, wc_stack, wres_t, w_out):
    n, c = nf.shape
    a_dim = attr.shape[1]
    bn = 1000
    return pl.pallas_call(
        functools.partial(_post_body, a_dim=a_dim, c=c,
                          inv_sqrt_c=1.0 / math.sqrt(c),
                          inv_sqrt_ca=1.0 / math.sqrt(c * a_dim)),
        grid=(n // bn,),
        in_specs=[
            pl.BlockSpec((NC, bn, c), lambda i: (_z(), i, _z())),
            pl.BlockSpec((bn, c), lambda i: (i, _z())),
            pl.BlockSpec((bn, a_dim), lambda i: (i, _z())),
            pl.BlockSpec((c, c), lambda i: (_z(), _z())),
            pl.BlockSpec((3, a_dim, c), lambda i: (_z(), _z(), _z())),
            pl.BlockSpec((a_dim, c, c), lambda i: (_z(), _z(), _z())),
            pl.BlockSpec((c, c), lambda i: (_z(), _z())),
        ],
        out_specs=pl.BlockSpec((bn, c), lambda i: (i, _z())),
        out_shape=jax.ShapeDtypeStruct((n, c), jnp.float32),
    )(partials, nf, attr, w_post, wc_stack, wres_t, w_out)


def kernel(node_features, node_attributes, sph_harmonics, radial_basis,
           edge_index, W_pre, W1, W2, W3, W_post, W_c1, W_c2, W_c3,
           W_res, W_out):
    n, c = node_features.shape
    e = edge_index.shape[1]
    k = 64
    grp = 8
    e_pad = -(-e // (NW * k * grp)) * (NW * k * grp)
    pad = e_pad - e

    h = _pre_linear(node_features, W_pre)
    rb_p = jnp.pad(radial_basis, ((0, pad), (0, 0))) if pad else radial_basis
    sph_p = jnp.pad(sph_harmonics, ((0, pad), (0, 0))) if pad else sph_harmonics
    coeff = _edge_coeff(rb_p, sph_p, W1, W2, W3)

    src = edge_index[0].astype(jnp.int32)
    dst = edge_index[1].astype(jnp.int32)
    if pad:
        src = jnp.pad(src, (0, pad))
        dst = jnp.pad(dst, (0, pad))
    src3d = src.reshape(NW, e_pad // (NW * k), k)
    dst3d = dst.reshape(NW, e_pad // (NW * k), k)
    partials = _sc_aggregate(h, coeff, src3d, dst3d, n=n, c=c,
                             e_pad=e_pad, k=k, grp=grp)
    partials = partials[:, :n, :]

    wc_stack = jnp.stack([W_c1, W_c2, W_c3])
    wres_t = jnp.transpose(W_res, (1, 0, 2))
    return _post(partials, node_features, node_attributes, W_post,
                 wc_stack, wres_t, W_out)

# --- scband reference (transcript-rebuilt; emitter-appended) ---
"""Pipeline reference for scband-macelayer-28879360098431 (READ-ONLY COPY).

The authoritative reference and input builder live on the scoring server;
editing this copy changes nothing except your own understanding.
"""

import jax, jax.numpy as jnp
import numpy as np
jax.config.update('jax_enable_x64', True)

N = 10000   # nodes
E = 320000  # edges
C = 128     # channels
A = 4       # node attributes (one-hot species dim)
R = 8       # radial basis features
H = 64      # MLP hidden width


def setup_inputs(seed: int = 0) -> dict:
    key = jax.random.key(seed)
    ks = jax.random.split(key, 16)
    inp = {}
    inp['node_features'] = jax.random.normal(ks[0], (N, C), dtype=jnp.float32)
    inp['node_attributes'] = jax.random.uniform(ks[1], (N, A), dtype=jnp.float32)
    inp['sph_harmonics'] = jax.random.normal(ks[2], (E, 1), dtype=jnp.float32)
    inp['radial_basis'] = jax.random.normal(ks[3], (E, R), dtype=jnp.float32)
    inp['edge_index'] = jax.random.randint(ks[4], (2, E), 0, N, dtype=jnp.int64)
    # learned parameters (scalar 0e irreps -> all equivariant ops reduce to channel-mixing linears / bilinears)
    inp['W_pre'] = jax.random.normal(ks[5], (C, C), dtype=jnp.float32)
    inp['W1'] = jax.random.normal(ks[6], (R, H), dtype=jnp.float32) / float(np.sqrt(R))
    inp['W2'] = jax.random.normal(ks[7], (H, H), dtype=jnp.float32) / float(np.sqrt(H))
    inp['W3'] = jax.random.normal(ks[8], (H, C), dtype=jnp.float32) / float(np.sqrt(H))
    inp['W_post'] = jax.random.normal(ks[9], (C, C), dtype=jnp.float32)
    inp['W_c1'] = jax.random.normal(ks[10], (A, C), dtype=jnp.float32)
    inp['W_c2'] = jax.random.normal(ks[11], (A, C), dtype=jnp.float32)
    inp['W_c3'] = jax.random.normal(ks[12], (A, C), dtype=jnp.float32)
    inp['W_res'] = jax.random.normal(ks[13], (C, A, C), dtype=jnp.float32)
    inp['W_out'] = jax.random.normal(ks[14], (C, C), dtype=jnp.float32)
    return inp


def reference(node_features, node_attributes, sph_harmonics, radial_basis, edge_index,
              W_pre, W1, W2, W3, W_post, W_c1, W_c2, W_c3, W_res, W_out):
    src = edge_index[0]
    dst = edge_index[1]
    # --- MACEInteraction ---
    # pre_linear (o3.Linear on 128x0e, fan-in normalized)
    h = (node_features @ W_pre) / float(np.sqrt(C))
    # index_over_neighbours: gather source-node features per edge
    neigh = jnp.take(h, src, axis=0)
    # weight_generator MLP on radial basis -> per-edge tensor-product path weights
    w = jax.nn.silu(radial_basis @ W1)
    w = jax.nn.silu(w @ W2)
    w = w @ W3  # [E, C] = tp.weight_numel paths for 0e x 0e -> 0e
    # channel-wise tensor product with spherical harmonics, weighted per edge
    messages = neigh * sph_harmonics * w  # [E, C]
    # neighbour aggregation: scatter-sum over destination nodes
    total = jax.ops.segment_sum(messages, dst, num_segments=N)
    # post_linear
    node = (total @ W_post) / float(np.sqrt(C))
    # residual=True -> mix_attributes=False, no attribute_mixer; reshape to [N, C, 1] is implicit for 0e
    # --- Contraction (correlation=3): symmetric products with attribute-dependent weights ---
    poly = ((node_attributes @ W_c1) * node
            + (node_attributes @ W_c2) * (node ** 2)
            + (node_attributes @ W_c3) * (node ** 3))
    # --- residual_update: FullyConnectedTensorProduct(features, attributes) -> output ---
    upd = jnp.einsum('nc,na,cao->no', node_features, node_attributes, W_res) / float(np.sqrt(C * A))
    contracted = poly + upd
    # final post_linear
    out = (contracted @ W_out) / float(np.sqrt(C))
    return out

if __name__ == "__main__":
    import jax
    _d = setup_inputs()
    print(jax.jit(kernel)(*tuple(_d.values())))

</pallas_src>

<mosaic_0001>
#map = affine_map<(d0, d1) -> (0, 0)>
#map1 = affine_map<(d0, d1) -> (0, 0, 0)>
module attributes {stable_mosaic.version = 14 : i64} {
  func.func @body(%arg0: i32, %arg1: i32, %arg2: memref<10000x128xf32, #tpu.memory_space<hbm>>, %arg3: memref<327680x128xf32, #tpu.memory_space<hbm>>, %arg4: memref<32x160x64xi32, #tpu.memory_space<hbm>>, %arg5: memref<32x160x64xi32, #tpu.memory_space<hbm>>, %arg6: memref<2x10240x128xf32, #tpu.memory_space<hbm>>, %arg7: memref<8x64xi32, #tpu.memory_space<vmem>>, %arg8: memref<8x64xi32, #tpu.memory_space<vmem>>, %arg9: memref<64x128xf32, #tpu.memory_space<vmem>>, %arg10: memref<64x128xf32, #tpu.memory_space<vmem>>, %arg11: memref<32x128xf32, #tpu.memory_space<vmem>>, %arg12: memref<10240x128xf32, #tpu.memory_space<vmem_shared>>, %arg13: memref<!tpu.dma_semaphore, #tpu.memory_space<semaphore_mem>>) attributes {dimension_semantics = [#tpu.dimension_semantics<core_parallel>, #tpu.dimension_semantics<subcore_parallel>], iteration_bounds = array<i64: 2, 16>, scalar_prefetch = 0 : i64, scratch_operands = 7 : i64, tpu.core_type = #tpu.core_type<sc_vector_subcore>, window_params = [{transform_indices = #map}, {transform_indices = #map}, {transform_indices = #map1}, {transform_indices = #map1}, {transform_indices = #map1}]} {
    %mul3A = arith.constant 16 : i32
    %mul3A_0 = arith.muli %arg0, %mul3A : i32
    %add3A = arith.addi %mul3A_0, %arg1 : i32
    %broadcast_in_dim3A = arith.constant 0.000000e+00 : f32
    %broadcast_in_dim3A_1 = vector.broadcast %broadcast_in_dim3A : f32 to vector<16xf32>
    %while3A = arith.constant 0 : i32
    %while3A_2 = arith.constant 0 : i32
    %while3A_3 = arith.constant 32 : i32
    %while3A_4 = arith.subi %while3A_3, %while3A_2 : i32
    %while3A_5 = arith.addi %while3A_2, %while3A_4 : i32
    %while3A_6 = arith.constant 1 : i32
    %while3A_7 = arith.divsi %while3A_4, %while3A_6 : i32
    %while3A_8 = arith.muli %while3A_7, %while3A_6 : i32
    %while3A_9 = arith.addi %while3A_2, %while3A_8 : i32
    %while3A_10 = arith.constant 1 : i32
    scf.for %while3A_110 = %while3A_2 to %while3A_9 step %while3A_10  : i32 {
      %swap3A = arith.index_cast %while3A_110 : i32 to index
      %swap3A_111 = arith.constant 0 : index
      %swap3A_112 = tpu.vector_load %arg11[%swap3A, %swap3A_111] {strides = array<i32>} : memref<32x128xf32, #tpu.memory_space<vmem>>, vector<1x16xf32>,
      %swap3A_113 = vector.shape_cast %swap3A_112 : vector<1x16xf32> to vector<16xf32>
      %swap3A_114 = vector.shape_cast %broadcast_in_dim3A_1 : vector<16xf32> to vector<1x16xf32>
      tpu.vector_store %arg11[%swap3A, %swap3A_111], %swap3A_114 {strides = array<i32>} : memref<32x128xf32, #tpu.memory_space<vmem>>, vector<1x16xf32>,
      %swap3A_115 = arith.index_cast %while3A_110 : i32 to index
      %swap3A_116 = arith.constant 16 : index
      %swap3A_117 = tpu.vector_load %arg11[%swap3A_115, %swap3A_116] {strides = array<i32>} : memref<32x128xf32, #tpu.memory_space<vmem>>, vector<1x16xf32>,
      %swap3A_118 = vector.shape_cast %swap3A_117 : vector<1x16xf32> to vector<16xf32>
      %swap3A_119 = vector.shape_cast %broadcast_in_dim3A_1 : vector<16xf32> to vector<1x16xf32>
      tpu.vector_store %arg11[%swap3A_115, %swap3A_116], %swap3A_119 {strides = array<i32>} : memref<32x128xf32, #tpu.memory_space<vmem>>, vector<1x16xf32>,
      %swap3A_120 = arith.index_cast %while3A_110 : i32 to index
      %swap3A_121 = arith.constant 32 : index
      %swap3A_122 = tpu.vector_load %arg11[%swap3A_120, %swap3A_121] {strides = array<i32>} : memref<32x128xf32, #tpu.memory_space<vmem>>, vector<1x16xf32>,
      %swap3A_123 = vector.shape_cast %swap3A_122 : vector<1x16xf32> to vector<16xf32>
      %swap3A_124 = vector.shape_cast %broadcast_in_dim3A_1 : vector<16xf32> to vector<1x16xf32>
      tpu.vector_store %arg11[%swap3A_120, %swap3A_121], %swap3A_124 {strides = array<i32>} : memref<32x128xf32, #tpu.memory_space<vmem>>, vector<1x16xf32>,
      %swap3A_125 = arith.index_cast %while3A_110 : i32 to index
      %swap3A_126 = arith.constant 48 : index
      %swap3A_127 = tpu.vector_load %arg11[%swap3A_125, %swap3A_126] {strides = array<i32>} : memref<32x128xf32, #tpu.memory_space<vmem>>, vector<1x16xf32>,
      %swap3A_128 = vector.shape_cast %swap3A_127 : vector<1x16xf32> to vector<16xf32>
      %swap3A_129 = vector.shape_cast %broadcast_in_dim3A_1 : vector<16xf32> to vector<1x16xf32>
      tpu.vector_store %arg11[%swap3A_125, %swap3A_126], %swap3A_129 {strides = array<i32>} : memref<32x128xf32, #tpu.memory_space<vmem>>, vector<1x16xf32>,
      %swap3A_130 = arith.index_cast %while3A_110 : i32 to index
      %swap3A_131 = arith.constant 64 : index
      %swap3A_132 = tpu.vector_load %arg11[%swap3A_130, %swap3A_131] {strides = array<i32>} : memref<32x128xf32, #tpu.memory_space<vmem>>, vector<1x16xf32>,
      %swap3A_133 = vector.shape_cast %swap3A_132 : vector<1x16xf32> to vector<16xf32>
      %swap3A_134 = vector.shape_cast %broadcast_in_dim3A_1 : vector<16xf32> to vector<1x16xf32>
      tpu.vector_store %arg11[%swap3A_130, %swap3A_131], %swap3A_134 {strides = array<i32>} : memref<32x128xf32, #tpu.memory_space<vmem>>, vector<1x16xf32>,
      %swap3A_135 = arith.index_cast %while3A_110 : i32 to index
      %swap3A_136 = arith.constant 80 : index
      %swap3A_137 = tpu.vector_load %arg11[%swap3A_135, %swap3A_136] {strides = array<i32>} : memref<32x128xf32, #tpu.memory_space<vmem>>, vector<1x16xf32>,
      %swap3A_138 = vector.shape_cast %swap3A_137 : vector<1x16xf32> to vector<16xf32>
      %swap3A_139 = vector.shape_cast %broadcast_in_dim3A_1 : vector<16xf32> to vector<1x16xf32>
      tpu.vector_store %arg11[%swap3A_135, %swap3A_136], %swap3A_139 {strides = array<i32>} : memref<32x128xf32, #tpu.memory_space<vmem>>, vector<1x16xf32>,
      %swap3A_140 = arith.index_cast %while3A_110 : i32 to index
      %swap3A_141 = arith.constant 96 : index
      %swap3A_142 = tpu.vector_load %arg11[%swap3A_140, %swap3A_141] {strides = array<i32>} : memref<32x128xf32, #tpu.memory_space<vmem>>, vector<1x16xf32>,
      %swap3A_143 = vector.shape_cast %swap3A_142 : vector<1x16xf32> to vector<16xf32>
      %swap3A_144 = vector.shape_cast %broadcast_in_dim3A_1 : vector<16xf32> to vector<1x16xf32>
      tpu.vector_store %arg11[%swap3A_140, %swap3A_141], %swap3A_144 {strides = array<i32>} : memref<32x128xf32, #tpu.memory_space<vmem>>, vector<1x16xf32>,
      %swap3A_145 = arith.index_cast %while3A_110 : i32 to index
      %swap3A_146 = arith.constant 112 : index
      %swap3A_147 = tpu.vector_load %arg11[%swap3A_145, %swap3A_146] {strides = array<i32>} : memref<32x128xf32, #tpu.memory_space<vmem>>, vector<1x16xf32>,
      %swap3A_148 = vector.shape_cast %swap3A_147 : vector<1x16xf32> to vector<16xf32>
      %swap3A_149 = vector.shape_cast %broadcast_in_dim3A_1 : vector<16xf32> to vector<1x16xf32>
      tpu.vector_store %arg11[%swap3A_145, %swap3A_146], %swap3A_149 {strides = array<i32>} : memref<32x128xf32, #tpu.memory_space<vmem>>, vector<1x16xf32>,
    }
    %while3A_11 = arith.constant 1 : i32
    scf.for %while3A_110 = %while3A_9 to %while3A_5 step %while3A_11  : i32 {
      %swap3A = arith.index_cast %while3A_110 : i32 to index
      %swap3A_111 = arith.constant 0 : index
      %swap3A_112 = tpu.vector_load %arg11[%swap3A, %swap3A_111] {strides = array<i32>} : memref<32x128xf32, #tpu.memory_space<vmem>>, vector<1x16xf32>,
      %swap3A_113 = vector.shape_cast %swap3A_112 : vector<1x16xf32> to vector<16xf32>
      %swap3A_114 = vector.shape_cast %broadcast_in_dim3A_1 : vector<16xf32> to vector<1x16xf32>
      tpu.vector_store %arg11[%swap3A, %swap3A_111], %swap3A_114 {strides = array<i32>} : memref<32x128xf32, #tpu.memory_space<vmem>>, vector<1x16xf32>,
      %swap3A_115 = arith.index_cast %while3A_110 : i32 to index
      %swap3A_116 = arith.constant 16 : index
      %swap3A_117 = tpu.vector_load %arg11[%swap3A_115, %swap3A_116] {strides = array<i32>} : memref<32x128xf32, #tpu.memory_space<vmem>>, vector<1x16xf32>,
      %swap3A_118 = vector.shape_cast %swap3A_117 : vector<1x16xf32> to vector<16xf32>
      %swap3A_119 = vector.shape_cast %broadcast_in_dim3A_1 : vector<16xf32> to vector<1x16xf32>
      tpu.vector_store %arg11[%swap3A_115, %swap3A_116], %swap3A_119 {strides = array<i32>} : memref<32x128xf32, #tpu.memory_space<vmem>>, vector<1x16xf32>,
      %swap3A_120 = arith.index_cast %while3A_110 : i32 to index
      %swap3A_121 = arith.constant 32 : index
      %swap3A_122 = tpu.vector_load %arg11[%swap3A_120, %swap3A_121] {strides = array<i32>} : memref<32x128xf32, #tpu.memory_space<vmem>>, vector<1x16xf32>,
      %swap3A_123 = vector.shape_cast %swap3A_122 : vector<1x16xf32> to vector<16xf32>
      %swap3A_124 = vector.shape_cast %broadcast_in_dim3A_1 : vector<16xf32> to vector<1x16xf32>
      tpu.vector_store %arg11[%swap3A_120, %swap3A_121], %swap3A_124 {strides = array<i32>} : memref<32x128xf32, #tpu.memory_space<vmem>>, vector<1x16xf32>,
      %swap3A_125 = arith.index_cast %while3A_110 : i32 to index
      %swap3A_126 = arith.constant 48 : index
      %swap3A_127 = tpu.vector_load %arg11[%swap3A_125, %swap3A_126] {strides = array<i32>} : memref<32x128xf32, #tpu.memory_space<vmem>>, vector<1x16xf32>,
      %swap3A_128 = vector.shape_cast %swap3A_127 : vector<1x16xf32> to vector<16xf32>
      %swap3A_129 = vector.shape_cast %broadcast_in_dim3A_1 : vector<16xf32> to vector<1x16xf32>
      tpu.vector_store %arg11[%swap3A_125, %swap3A_126], %swap3A_129 {strides = array<i32>} : memref<32x128xf32, #tpu.memory_space<vmem>>, vector<1x16xf32>,
      %swap3A_130 = arith.index_cast %while3A_110 : i32 to index
      %swap3A_131 = arith.constant 64 : index
      %swap3A_132 = tpu.vector_load %arg11[%swap3A_130, %swap3A_131] {strides = array<i32>} : memref<32x128xf32, #tpu.memory_space<vmem>>, vector<1x16xf32>,
      %swap3A_133 = vector.shape_cast %swap3A_132 : vector<1x16xf32> to vector<16xf32>
      %swap3A_134 = vector.shape_cast %broadcast_in_dim3A_1 : vector<16xf32> to vector<1x16xf32>
      tpu.vector_store %arg11[%swap3A_130, %swap3A_131], %swap3A_134 {strides = array<i32>} : memref<32x128xf32, #tpu.memory_space<vmem>>, vector<1x16xf32>,
      %swap3A_135 = arith.index_cast %while3A_110 : i32 to index
      %swap3A_136 = arith.constant 80 : index
      %swap3A_137 = tpu.vector_load %arg11[%swap3A_135, %swap3A_136] {strides = array<i32>} : memref<32x128xf32, #tpu.memory_space<vmem>>, vector<1x16xf32>,
      %swap3A_138 = vector.shape_cast %swap3A_137 : vector<1x16xf32> to vector<16xf32>
      %swap3A_139 = vector.shape_cast %broadcast_in_dim3A_1 : vector<16xf32> to vector<1x16xf32>
      tpu.vector_store %arg11[%swap3A_135, %swap3A_136], %swap3A_139 {strides = array<i32>} : memref<32x128xf32, #tpu.memory_space<vmem>>, vector<1x16xf32>,
      %swap3A_140 = arith.index_cast %while3A_110 : i32 to index
      %swap3A_141 = arith.constant 96 : index
      %swap3A_142 = tpu.vector_load %arg11[%swap3A_140, %swap3A_141] {strides = array<i32>} : memref<32x128xf32, #tpu.memory_space<vmem>>, vector<1x16xf32>,
      %swap3A_143 = vector.shape_cast %swap3A_142 : vector<1x16xf32> to vector<16xf32>
      %swap3A_144 = vector.shape_cast %broadcast_in_dim3A_1 : vector<16xf32> to vector<1x16xf32>
      tpu.vector_store %arg11[%swap3A_140, %swap3A_141], %swap3A_144 {strides = array<i32>} : memref<32x128xf32, #tpu.memory_space<vmem>>, vector<1x16xf32>,
      %swap3A_145 = arith.index_cast %while3A_110 : i32 to index
      %swap3A_146 = arith.constant 112 : index
      %swap3A_147 = tpu.vector_load %arg11[%swap3A_145, %swap3A_146] {strides = array<i32>} : memref<32x128xf32, #tpu.memory_space<vmem>>, vector<1x16xf32>,
      %swap3A_148 = vector.shape_cast %swap3A_147 : vector<1x16xf32> to vector<16xf32>
      %swap3A_149 = vector.shape_cast %broadcast_in_dim3A_1 : vector<16xf32> to vector<1x16xf32>
      tpu.vector_store %arg11[%swap3A_145, %swap3A_146], %swap3A_149 {strides = array<i32>} : memref<32x128xf32, #tpu.memory_space<vmem>>, vector<1x16xf32>,
    }
    %mul3A_12 = arith.constant 640 : i32
    %mul3A_13 = arith.muli %arg1, %mul3A_12 : i32
    %add3A_14 = arith.constant 0 : i32
    %add3A_15 = arith.addi %mul3A_13, %add3A_14 : i32
    "tpu.region"() ({
      %run_scoped3A = tpu.sem_alloc : memref<!tpu.dma_semaphore, #tpu.memory_space<semaphore_mem>>
      %dma_start3A = arith.constant 0 : i32
      %dma_start3A_110 = tpu.memref_slice %arg12[%add3A_15, %dma_start3A] : memref<10240x128xf32, #tpu.memory_space<vmem_shared>> -> memref<32x128xf32, #tpu.memory_space<vmem_shared>>
      %dma_start3A_111 = arith.constant 0 : i32
      %dma_start3A_112 = tpu.memref_slice %arg12[%add3A_15, %dma_start3A_111] : memref<10240x128xf32, #tpu.memory_space<vmem_shared>> -> memref<32x128xf32, #tpu.memory_space<vmem_shared>>
      tpu.enqueue_dma source(%arg11 : memref<32x128xf32, #tpu.memory_space<vmem>>) target(%dma_start3A_112 : memref<32x128xf32, #tpu.memory_space<vmem_shared>>) target_semaphore(%run_scoped3A : memref<!tpu.dma_semaphore, #tpu.memory_space<semaphore_mem>>)
      %dma_wait3A = arith.constant 0 : i32
      %dma_wait3A_113 = tpu.memref_slice %arg12[%add3A_15, %dma_wait3A] : memref<10240x128xf32, #tpu.memory_space<vmem_shared>> -> memref<32x128xf32, #tpu.memory_space<vmem_shared>>
      %dma_wait3A_114 = arith.constant 0 : i32
      %dma_wait3A_115 = tpu.memref_slice %arg12[%add3A_15, %dma_wait3A_114] : memref<10240x128xf32, #tpu.memory_space<vmem_shared>> -> memref<32x128xf32, #tpu.memory_space<vmem_shared>>
      tpu.wait_dma2 semaphore(%run_scoped3A : memref<!tpu.dma_semaphore, #tpu.memory_space<semaphore_mem>>) src(%arg11 : memref<32x128xf32, #tpu.memory_space<vmem>>) dst(%dma_wait3A_115 : memref<32x128xf32, #tpu.memory_space<vmem_shared>>)
      tpu.yield
    }) : () -> ()
    %mul3A_16 = arith.constant 640 : i32
    %mul3A_17 = arith.muli %arg1, %mul3A_16 : i32
    %add3A_18 = arith.constant 32 : i32
    %add3A_19 = arith.addi %mul3A_17, %add3A_18 : i32
    "tpu.region"() ({
      %run_scoped3A = tpu.sem_alloc : memref<!tpu.dma_semaphore, #tpu.memory_space<semaphore_mem>>
      %dma_start3A = arith.constant 0 : i32
      %dma_start3A_110 = tpu.memref_slice %arg12[%add3A_19, %dma_start3A] : memref<10240x128xf32, #tpu.memory_space<vmem_shared>> -> memref<32x128xf32, #tpu.memory_space<vmem_shared>>
      %dma_start3A_111 = arith.constant 0 : i32
      %dma_start3A_112 = tpu.memref_slice %arg12[%add3A_19, %dma_start3A_111] : memref<10240x128xf32, #tpu.memory_space<vmem_shared>> -> memref<32x128xf32, #tpu.memory_space<vmem_shared>>
      tpu.enqueue_dma source(%arg11 : memref<32x128xf32, #tpu.memory_space<vmem>>) target(%dma_start3A_112 : memref<32x128xf32, #tpu.memory_space<vmem_shared>>) target_semaphore(%run_scoped3A : memref<!tpu.dma_semaphore, #tpu.memory_space<semaphore_mem>>)
      %dma_wait3A = arith.constant 0 : i32
      %dma_wait3A_113 = tpu.memref_slice %arg12[%add3A_19, %dma_wait3A] : memref<10240x128xf32, #tpu.memory_space<vmem_shared>> -> memref<32x128xf32, #tpu.memory_space<vmem_shared>>
      %dma_wait3A_114 = arith.constant 0 : i32
      %dma_wait3A_115 = tpu.memref_slice %arg12[%add3A_19, %dma_wait3A_114] : memref<10240x128xf32, #tpu.memory_space<vmem_shared>> -> memref<32x128xf32, #tpu.memory_space<vmem_shared>>
      tpu.wait_dma2 semaphore(%run_scoped3A : memref<!tpu.dma_semaphore, #tpu.memory_space<semaphore_mem>>) src(%arg11 : memref<32x128xf32, #tpu.memory_space<vmem>>) dst(%dma_wait3A_115 : memref<32x128xf32, #tpu.memory_space<vmem_shared>>)
      tpu.yield
    }) : () -> ()
    %mul3A_20 = arith.constant 640 : i32
    %mul3A_21 = arith.muli %arg1, %mul3A_20 : i32
    %add3A_22 = arith.constant 64 : i32
    %add3A_23 = arith.addi %mul3A_21, %add3A_22 : i32
    "tpu.region"() ({
      %run_scoped3A = tpu.sem_alloc : memref<!tpu.dma_semaphore, #tpu.memory_space<semaphore_mem>>
      %dma_start3A = arith.constant 0 : i32
      %dma_start3A_110 = tpu.memref_slice %arg12[%add3A_23, %dma_start3A] : memref<10240x128xf32, #tpu.memory_space<vmem_shared>> -> memref<32x128xf32, #tpu.memory_space<vmem_shared>>
      %dma_start3A_111 = arith.constant 0 : i32
      %dma_start3A_112 = tpu.memref_slice %arg12[%add3A_23, %dma_start3A_111] : memref<10240x128xf32, #tpu.memory_space<vmem_shared>> -> memref<32x128xf32, #tpu.memory_space<vmem_shared>>
      tpu.enqueue_dma source(%arg11 : memref<32x128xf32, #tpu.memory_space<vmem>>) target(%dma_start3A_112 : memref<32x128xf32, #tpu.memory_space<vmem_shared>>) target_semaphore(%run_scoped3A : memref<!tpu.dma_semaphore, #tpu.memory_space<semaphore_mem>>)
      %dma_wait3A = arith.constant 0 : i32
      %dma_wait3A_113 = tpu.memref_slice %arg12[%add3A_23, %dma_wait3A] : memref<10240x128xf32, #tpu.memory_space<vmem_shared>> -> memref<32x128xf32, #tpu.memory_space<vmem_shared>>
      %dma_wait3A_114 = arith.constant 0 : i32
      %dma_wait3A_115 = tpu.memref_slice %arg12[%add3A_23, %dma_wait3A_114] : memref<10240x128xf32, #tpu.memory_space<vmem_shared>> -> memref<32x128xf32, #tpu.memory_space<vmem_shared>>
      tpu.wait_dma2 semaphore(%run_scoped3A : memref<!tpu.dma_semaphore, #tpu.memory_space<semaphore_mem>>) src(%arg11 : memref<32x128xf32, #tpu.memory_space<vmem>>) dst(%dma_wait3A_115 : memref<32x128xf32, #tpu.memory_space<vmem_shared>>)
      tpu.yield
    }) : () -> ()
    %mul3A_24 = arith.constant 640 : i32
    %mul3A_25 = arith.muli %arg1, %mul3A_24 : i32
    %add3A_26 = arith.constant 96 : i32
    %add3A_27 = arith.addi %mul3A_25, %add3A_26 : i32
    "tpu.region"() ({
      %run_scoped3A = tpu.sem_alloc : memref<!tpu.dma_semaphore, #tpu.memory_space<semaphore_mem>>
      %dma_start3A = arith.constant 0 : i32
      %dma_start3A_110 = tpu.memref_slice %arg12[%add3A_27, %dma_start3A] : memref<10240x128xf32, #tpu.memory_space<vmem_shared>> -> memref<32x128xf32, #tpu.memory_space<vmem_shared>>
      %dma_start3A_111 = arith.constant 0 : i32
      %dma_start3A_112 = tpu.memref_slice %arg12[%add3A_27, %dma_start3A_111] : memref<10240x128xf32, #tpu.memory_space<vmem_shared>> -> memref<32x128xf32, #tpu.memory_space<vmem_shared>>
      tpu.enqueue_dma source(%arg11 : memref<32x128xf32, #tpu.memory_space<vmem>>) target(%dma_start3A_112 : memref<32x128xf32, #tpu.memory_space<vmem_shared>>) target_semaphore(%run_scoped3A : memref<!tpu.dma_semaphore, #tpu.memory_space<semaphore_mem>>)
      %dma_wait3A = arith.constant 0 : i32
      %dma_wait3A_113 = tpu.memref_slice %arg12[%add3A_27, %dma_wait3A] : memref<10240x128xf32, #tpu.memory_space<vmem_shared>> -> memref<32x128xf32, #tpu.memory_space<vmem_shared>>
      %dma_wait3A_114 = arith.constant 0 : i32
      %dma_wait3A_115 = tpu.memref_slice %arg12[%add3A_27, %dma_wait3A_114] : memref<10240x128xf32, #tpu.memory_space<vmem_shared>> -> memref<32x128xf32, #tpu.memory_space<vmem_shared>>
      tpu.wait_dma2 semaphore(%run_scoped3A : memref<!tpu.dma_semaphore, #tpu.memory_space<semaphore_mem>>) src(%arg11 : memref<32x128xf32, #tpu.memory_space<vmem>>) dst(%dma_wait3A_115 : memref<32x128xf32, #tpu.memory_space<vmem_shared>>)
      tpu.yield
    }) : () -> ()
    %mul3A_28 = arith.constant 640 : i32
    %mul3A_29 = arith.muli %arg1, %mul3A_28 : i32
    %add3A_30 = arith.constant 128 : i32
    %add3A_31 = arith.addi %mul3A_29, %add3A_30 : i32
    "tpu.region"() ({
      %run_scoped3A = tpu.sem_alloc : memref<!tpu.dma_semaphore, #tpu.memory_space<semaphore_mem>>
      %dma_start3A = arith.constant 0 : i32
      %dma_start3A_110 = tpu.memref_slice %arg12[%add3A_31, %dma_start3A] : memref<10240x128xf32, #tpu.memory_space<vmem_shared>> -> memref<32x128xf32, #tpu.memory_space<vmem_shared>>
      %dma_start3A_111 = arith.constant 0 : i32
      %dma_start3A_112 = tpu.memref_slice %arg12[%add3A_31, %dma_start3A_111] : memref<10240x128xf32, #tpu.memory_space<vmem_shared>> -> memref<32x128xf32, #tpu.memory_space<vmem_shared>>
      tpu.enqueue_dma source(%arg11 : memref<32x128xf32, #tpu.memory_space<vmem>>) target(%dma_start3A_112 : memref<32x128xf32, #tpu.memory_space<vmem_shared>>) target_semaphore(%run_scoped3A : memref<!tpu.dma_semaphore, #tpu.memory_space<semaphore_mem>>)
      %dma_wait3A = arith.constant 0 : i32
      %dma_wait3A_113 = tpu.memref_slice %arg12[%add3A_31, %dma_wait3A] : memref<10240x128xf32, #tpu.memory_space<vmem_shared>> -> memref<32x128xf32, #tpu.memory_space<vmem_shared>>
      %dma_wait3A_114 = arith.constant 0 : i32
      %dma_wait3A_115 = tpu.memref_slice %arg12[%add3A_31, %dma_wait3A_114] : memref<10240x128xf32, #tpu.memory_space<vmem_shared>> -> memref<32x128xf32, #tpu.memory_space<vmem_shared>>
      tpu.wait_dma2 semaphore(%run_scoped3A : memref<!tpu.dma_semaphore, #tpu.memory_space<semaphore_mem>>) src(%arg11 : memref<32x128xf32, #tpu.memory_space<vmem>>) dst(%dma_wait3A_115 : memref<32x128xf32, #tpu.memory_space<vmem_shared>>)
      tpu.yield
    }) : () -> ()
    %mul3A_32 = arith.constant 640 : i32
    %mul3A_33 = arith.muli %arg1, %mul3A_32 : i32
    %add3A_34 = arith.constant 160 : i32
    %add3A_35 = arith.addi %mul3A_33, %add3A_34 : i32
    "tpu.region"() ({
      %run_scoped3A = tpu.sem_alloc : memref<!tpu.dma_semaphore, #tpu.memory_space<semaphore_mem>>
      %dma_start3A = arith.constant 0 : i32
      %dma_start3A_110 = tpu.memref_slice %arg12[%add3A_35, %dma_start3A] : memref<10240x128xf32, #tpu.memory_space<vmem_shared>> -> memref<32x128xf32, #tpu.memory_space<vmem_shared>>
      %dma_start3A_111 = arith.constant 0 : i32
      %dma_start3A_112 = tpu.memref_slice %arg12[%add3A_35, %dma_start3A_111] : memref<10240x128xf32, #tpu.memory_space<vmem_shared>> -> memref<32x128xf32, #tpu.memory_space<vmem_shared>>
      tpu.enqueue_dma source(%arg11 : memref<32x128xf32, #tpu.memory_space<vmem>>) target(%dma_start3A_112 : memref<32x128xf32, #tpu.memory_space<vmem_shared>>) target_semaphore(%run_scoped3A : memref<!tpu.dma_semaphore, #tpu.memory_space<semaphore_mem>>)
      %dma_wait3A = arith.constant 0 : i32
      %dma_wait3A_113 = tpu.memref_slice %arg12[%add3A_35, %dma_wait3A] : memref<10240x128xf32, #tpu.memory_space<vmem_shared>> -> memref<32x128xf32, #tpu.memory_space<vmem_shared>>
      %dma_wait3A_114 = arith.constant 0 : i32
      %dma_wait3A_115 = tpu.memref_slice %arg12[%add3A_35, %dma_wait3A_114] : memref<10240x128xf32, #tpu.memory_space<vmem_shared>> -> memref<32x128xf32, #tpu.memory_space<vmem_shared>>
      tpu.wait_dma2 semaphore(%run_scoped3A : memref<!tpu.dma_semaphore, #tpu.memory_space<semaphore_mem>>) src(%arg11 : memref<32x128xf32, #tpu.memory_space<vmem>>) dst(%dma_wait3A_115 : memref<32x128xf32, #tpu.memory_space<vmem_shared>>)
      tpu.yield
    }) : () -> ()
    %mul3A_36 = arith.constant 640 : i32
    %mul3A_37 = arith.muli %arg1, %mul3A_36 : i32
    %add3A_38 = arith.constant 192 : i32
    %add3A_39 = arith.addi %mul3A_37, %add3A_38 : i32
    "tpu.region"() ({
      %run_scoped3A = tpu.sem_alloc : memref<!tpu.dma_semaphore, #tpu.memory_space<semaphore_mem>>
      %dma_start3A = arith.constant 0 : i32
      %dma_start3A_110 = tpu.memref_slice %arg12[%add3A_39, %dma_start3A] : memref<10240x128xf32, #tpu.memory_space<vmem_shared>> -> memref<32x128xf32, #tpu.memory_space<vmem_shared>>
      %dma_start3A_111 = arith.constant 0 : i32
      %dma_start3A_112 = tpu.memref_slice %arg12[%add3A_39, %dma_start3A_111] : memref<10240x128xf32, #tpu.memory_space<vmem_shared>> -> memref<32x128xf32, #tpu.memory_space<vmem_shared>>
      tpu.enqueue_dma source(%arg11 : memref<32x128xf32, #tpu.memory_space<vmem>>) target(%dma_start3A_112 : memref<32x128xf32, #tpu.memory_space<vmem_shared>>) target_semaphore(%run_scoped3A : memref<!tpu.dma_semaphore, #tpu.memory_space<semaphore_mem>>)
      %dma_wait3A = arith.constant 0 : i32
      %dma_wait3A_113 = tpu.memref_slice %arg12[%add3A_39, %dma_wait3A] : memref<10240x128xf32, #tpu.memory_space<vmem_shared>> -> memref<32x128xf32, #tpu.memory_space<vmem_shared>>
      %dma_wait3A_114 = arith.constant 0 : i32
      %dma_wait3A_115 = tpu.memref_slice %arg12[%add3A_39, %dma_wait3A_114] : memref<10240x128xf32, #tpu.memory_space<vmem_shared>> -> memref<32x128xf32, #tpu.memory_space<vmem_shared>>
      tpu.wait_dma2 semaphore(%run_scoped3A : memref<!tpu.dma_semaphore, #tpu.memory_space<semaphore_mem>>) src(%arg11 : memref<32x128xf32, #tpu.memory_space<vmem>>) dst(%dma_wait3A_115 : memref<32x128xf32, #tpu.memory_space<vmem_shared>>)
      tpu.yield
    }) : () -> ()
    %mul3A_40 = arith.constant 640 : i32
    %mul3A_41 = arith.muli %arg1, %mul3A_40 : i32
    %add3A_42 = arith.constant 224 : i32
    %add3A_43 = arith.addi %mul3A_41, %add3A_42 : i32
    "tpu.region"() ({
      %run_scoped3A = tpu.sem_alloc : memref<!tpu.dma_semaphore, #tpu.memory_space<semaphore_mem>>
      %dma_start3A = arith.constant 0 : i32
      %dma_start3A_110 = tpu.memref_slice %arg12[%add3A_43, %dma_start3A] : memref<10240x128xf32, #tpu.memory_space<vmem_shared>> -> memref<32x128xf32, #tpu.memory_space<vmem_shared>>
      %dma_start3A_111 = arith.constant 0 : i32
      %dma_start3A_112 = tpu.memref_slice %arg12[%add3A_43, %dma_start3A_111] : memref<10240x128xf32, #tpu.memory_space<vmem_shared>> -> memref<32x128xf32, #tpu.memory_space<vmem_shared>>
      tpu.enqueue_dma source(%arg11 : memref<32x128xf32, #tpu.memory_space<vmem>>) target(%dma_start3A_112 : memref<32x128xf32, #tpu.memory_space<vmem_shared>>) target_semaphore(%run_scoped3A : memref<!tpu.dma_semaphore, #tpu.memory_space<semaphore_mem>>)
      %dma_wait3A = arith.constant 0 : i32
      %dma_wait3A_113 = tpu.memref_slice %arg12[%add3A_43, %dma_wait3A] : memref<10240x128xf32, #tpu.memory_space<vmem_shared>> -> memref<32x128xf32, #tpu.memory_space<vmem_shared>>
      %dma_wait3A_114 = arith.constant 0 : i32
      %dma_wait3A_115 = tpu.memref_slice %arg12[%add3A_43, %dma_wait3A_114] : memref<10240x128xf32, #tpu.memory_space<vmem_shared>> -> memref<32x128xf32, #tpu.memory_space<vmem_shared>>
      tpu.wait_dma2 semaphore(%run_scoped3A : memref<!tpu.dma_semaphore, #tpu.memory_space<semaphore_mem>>) src(%arg11 : memref<32x128xf32, #tpu.memory_space<vmem>>) dst(%dma_wait3A_115 : memref<32x128xf32, #tpu.memory_space<vmem_shared>>)
      tpu.yield
    }) : () -> ()
    %mul3A_44 = arith.constant 640 : i32
    %mul3A_45 = arith.muli %arg1, %mul3A_44 : i32
    %add3A_46 = arith.constant 256 : i32
    %add3A_47 = arith.addi %mul3A_45, %add3A_46 : i32
    "tpu.region"() ({
      %run_scoped3A = tpu.sem_alloc : memref<!tpu.dma_semaphore, #tpu.memory_space<semaphore_mem>>
      %dma_start3A = arith.constant 0 : i32
      %dma_start3A_110 = tpu.memref_slice %arg12[%add3A_47, %dma_start3A] : memref<10240x128xf32, #tpu.memory_space<vmem_shared>> -> memref<32x128xf32, #tpu.memory_space<vmem_shared>>
      %dma_start3A_111 = arith.constant 0 : i32
      %dma_start3A_112 = tpu.memref_slice %arg12[%add3A_47, %dma_start3A_111] : memref<10240x128xf32, #tpu.memory_space<vmem_shared>> -> memref<32x128xf32, #tpu.memory_space<vmem_shared>>
      tpu.enqueue_dma source(%arg11 : memref<32x128xf32, #tpu.memory_space<vmem>>) target(%dma_start3A_112 : memref<32x128xf32, #tpu.memory_space<vmem_shared>>) target_semaphore(%run_scoped3A : memref<!tpu.dma_semaphore, #tpu.memory_space<semaphore_mem>>)
      %dma_wait3A = arith.constant 0 : i32
      %dma_wait3A_113 = tpu.memref_slice %arg12[%add3A_47, %dma_wait3A] : memref<10240x128xf32, #tpu.memory_space<vmem_shared>> -> memref<32x128xf32, #tpu.memory_space<vmem_shared>>
      %dma_wait3A_114 = arith.constant 0 : i32
      %dma_wait3A_115 = tpu.memref_slice %arg12[%add3A_47, %dma_wait3A_114] : memref<10240x128xf32, #tpu.memory_space<vmem_shared>> -> memref<32x128xf32, #tpu.memory_space<vmem_shared>>
      tpu.wait_dma2 semaphore(%run_scoped3A : memref<!tpu.dma_semaphore, #tpu.memory_space<semaphore_mem>>) src(%arg11 : memref<32x128xf32, #tpu.memory_space<vmem>>) dst(%dma_wait3A_115 : memref<32x128xf32, #tpu.memory_space<vmem_shared>>)
      tpu.yield
    }) : () -> ()
    %mul3A_48 = arith.constant 640 : i32
    %mul3A_49 = arith.muli %arg1, %mul3A_48 : i32
    %add3A_50 = arith.constant 288 : i32
    %add3A_51 = arith.addi %mul3A_49, %add3A_50 : i32
    "tpu.region"() ({
      %run_scoped3A = tpu.sem_alloc : memref<!tpu.dma_semaphore, #tpu.memory_space<semaphore_mem>>
      %dma_start3A = arith.constant 0 : i32
      %dma_start3A_110 = tpu.memref_slice %arg12[%add3A_51, %dma_start3A] : memref<10240x128xf32, #tpu.memory_space<vmem_shared>> -> memref<32x128xf32, #tpu.memory_space<vmem_shared>>
      %dma_start3A_111 = arith.constant 0 : i32
      %dma_start3A_112 = tpu.memref_slice %arg12[%add3A_51, %dma_start3A_111] : memref<10240x128xf32, #tpu.memory_space<vmem_shared>> -> memref<32x128xf32, #tpu.memory_space<vmem_shared>>
      tpu.enqueue_dma source(%arg11 : memref<32x128xf32, #tpu.memory_space<vmem>>) target(%dma_start3A_112 : memref<32x128xf32, #tpu.memory_space<vmem_shared>>) target_semaphore(%run_scoped3A : memref<!tpu.dma_semaphore, #tpu.memory_space<semaphore_mem>>)
      %dma_wait3A = arith.constant 0 : i32
      %dma_wait3A_113 = tpu.memref_slice %arg12[%add3A_51, %dma_wait3A] : memref<10240x128xf32, #tpu.memory_space<vmem_shared>> -> memref<32x128xf32, #tpu.memory_space<vmem_shared>>
      %dma_wait3A_114 = arith.constant 0 : i32
      %dma_wait3A_115 = tpu.memref_slice %arg12[%add3A_51, %dma_wait3A_114] : memref<10240x128xf32, #tpu.memory_space<vmem_shared>> -> memref<32x128xf32, #tpu.memory_space<vmem_shared>>
      tpu.wait_dma2 semaphore(%run_scoped3A : memref<!tpu.dma_semaphore, #tpu.memory_space<semaphore_mem>>) src(%arg11 : memref<32x128xf32, #tpu.memory_space<vmem>>) dst(%dma_wait3A_115 : memref<32x128xf32, #tpu.memory_space<vmem_shared>>)
      tpu.yield
    }) : () -> ()
    %mul3A_52 = arith.constant 640 : i32
    %mul3A_53 = arith.muli %arg1, %mul3A_52 : i32
    %add3A_54 = arith.constant 320 : i32
    %add3A_55 = arith.addi %mul3A_53, %add3A_54 : i32
    "tpu.region"() ({
      %run_scoped3A = tpu.sem_alloc : memref<!tpu.dma_semaphore, #tpu.memory_space<semaphore_mem>>
      %dma_start3A = arith.constant 0 : i32
      %dma_start3A_110 = tpu.memref_slice %arg12[%add3A_55, %dma_start3A] : memref<10240x128xf32, #tpu.memory_space<vmem_shared>> -> memref<32x128xf32, #tpu.memory_space<vmem_shared>>
      %dma_start3A_111 = arith.constant 0 : i32
      %dma_start3A_112 = tpu.memref_slice %arg12[%add3A_55, %dma_start3A_111] : memref<10240x128xf32, #tpu.memory_space<vmem_shared>> -> memref<32x128xf32, #tpu.memory_space<vmem_shared>>
      tpu.enqueue_dma source(%arg11 : memref<32x128xf32, #tpu.memory_space<vmem>>) target(%dma_start3A_112 : memref<32x128xf32, #tpu.memory_space<vmem_shared>>) target_semaphore(%run_scoped3A : memref<!tpu.dma_semaphore, #tpu.memory_space<semaphore_mem>>)
      %dma_wait3A = arith.constant 0 : i32
      %dma_wait3A_113 = tpu.memref_slice %arg12[%add3A_55, %dma_wait3A] : memref<10240x128xf32, #tpu.memory_space<vmem_shared>> -> memref<32x128xf32, #tpu.memory_space<vmem_shared>>
      %dma_wait3A_114 = arith.constant 0 : i32
      %dma_wait3A_115 = tpu.memref_slice %arg12[%add3A_55, %dma_wait3A_114] : memref<10240x128xf32, #tpu.memory_space<vmem_shared>> -> memref<32x128xf32, #tpu.memory_space<vmem_shared>>
      tpu.wait_dma2 semaphore(%run_scoped3A : memref<!tpu.dma_semaphore, #tpu.memory_space<semaphore_mem>>) src(%arg11 : memref<32x128xf32, #tpu.memory_space<vmem>>) dst(%dma_wait3A_115 : memref<32x128xf32, #tpu.memory_space<vmem_shared>>)
      tpu.yield
    }) : () -> ()
    %mul3A_56 = arith.constant 640 : i32
    %mul3A_57 = arith.muli %arg1, %mul3A_56 : i32
    %add3A_58 = arith.constant 352 : i32
    %add3A_59 = arith.addi %mul3A_57, %add3A_58 : i32
    "tpu.region"() ({
      %run_scoped3A = tpu.sem_alloc : memref<!tpu.dma_semaphore, #tpu.memory_space<semaphore_mem>>
      %dma_start3A = arith.constant 0 : i32
      %dma_start3A_110 = tpu.memref_slice %arg12[%add3A_59, %dma_start3A] : memref<10240x128xf32, #tpu.memory_space<vmem_shared>> -> memref<32x128xf32, #tpu.memory_space<vmem_shared>>
      %dma_start3A_111 = arith.constant 0 : i32
      %dma_start3A_112 = tpu.memref_slice %arg12[%add3A_59, %dma_start3A_111] : memref<10240x128xf32, #tpu.memory_space<vmem_shared>> -> memref<32x128xf32, #tpu.memory_space<vmem_shared>>
      tpu.enqueue_dma source(%arg11 : memref<32x128xf32, #tpu.memory_space<vmem>>) target(%dma_start3A_112 : memref<32x128xf32, #tpu.memory_space<vmem_shared>>) target_semaphore(%run_scoped3A : memref<!tpu.dma_semaphore, #tpu.memory_space<semaphore_mem>>)
      %dma_wait3A = arith.constant 0 : i32
      %dma_wait3A_113 = tpu.memref_slice %arg12[%add3A_59, %dma_wait3A] : memref<10240x128xf32, #tpu.memory_space<vmem_shared>> -> memref<32x128xf32, #tpu.memory_space<vmem_shared>>
      %dma_wait3A_114 = arith.constant 0 : i32
      %dma_wait3A_115 = tpu.memref_slice %arg12[%add3A_59, %dma_wait3A_114] : memref<10240x128xf32, #tpu.memory_space<vmem_shared>> -> memref<32x128xf32, #tpu.memory_space<vmem_shared>>
      tpu.wait_dma2 semaphore(%run_scoped3A : memref<!tpu.dma_semaphore, #tpu.memory_space<semaphore_mem>>) src(%arg11 : memref<32x128xf32, #tpu.memory_space<vmem>>) dst(%dma_wait3A_115 : memref<32x128xf32, #tpu.memory_space<vmem_shared>>)
      tpu.yield
    }) : () -> ()
    %mul3A_60 = arith.constant 640 : i32
    %mul3A_61 = arith.muli %arg1, %mul3A_60 : i32
    %add3A_62 = arith.constant 384 : i32
    %add3A_63 = arith.addi %mul3A_61, %add3A_62 : i32
    "tpu.region"() ({
      %run_scoped3A = tpu.sem_alloc : memref<!tpu.dma_semaphore, #tpu.memory_space<semaphore_mem>>
      %dma_start3A = arith.constant 0 : i32
      %dma_start3A_110 = tpu.memref_slice %arg12[%add3A_63, %dma_start3A] : memref<10240x128xf32, #tpu.memory_space<vmem_shared>> -> memref<32x128xf32, #tpu.memory_space<vmem_shared>>
      %dma_start3A_111 = arith.constant 0 : i32
      %dma_start3A_112 = tpu.memref_slice %arg12[%add3A_63, %dma_start3A_111] : memref<10240x128xf32, #tpu.memory_space<vmem_shared>> -> memref<32x128xf32, #tpu.memory_space<vmem_shared>>
      tpu.enqueue_dma source(%arg11 : memref<32x128xf32, #tpu.memory_space<vmem>>) target(%dma_start3A_112 : memref<32x128xf32, #tpu.memory_space<vmem_shared>>) target_semaphore(%run_scoped3A : memref<!tpu.dma_semaphore, #tpu.memory_space<semaphore_mem>>)
      %dma_wait3A = arith.constant 0 : i32
      %dma_wait3A_113 = tpu.memref_slice %arg12[%add3A_63, %dma_wait3A] : memref<10240x128xf32, #tpu.memory_space<vmem_shared>> -> memref<32x128xf32, #tpu.memory_space<vmem_shared>>
      %dma_wait3A_114 = arith.constant 0 : i32
      %dma_wait3A_115 = tpu.memref_slice %arg12[%add3A_63, %dma_wait3A_114] : memref<10240x128xf32, #tpu.memory_space<vmem_shared>> -> memref<32x128xf32, #tpu.memory_space<vmem_shared>>
      tpu.wait_dma2 semaphore(%run_scoped3A : memref<!tpu.dma_semaphore, #tpu.memory_space<semaphore_mem>>) src(%arg11 : memref<32x128xf32, #tpu.memory_space<vmem>>) dst(%dma_wait3A_115 : memref<32x128xf32, #tpu.memory_space<vmem_shared>>)
      tpu.yield
    }) : () -> ()
    %mul3A_64 = arith.constant 640 : i32
    %mul3A_65 = arith.muli %arg1, %mul3A_64 : i32
    %add3A_66 = arith.constant 416 : i32
    %add3A_67 = arith.addi %mul3A_65, %add3A_66 : i32
    "tpu.region"() ({
      %run_scoped3A = tpu.sem_alloc : memref<!tpu.dma_semaphore, #tpu.memory_space<semaphore_mem>>
      %dma_start3A = arith.constant 0 : i32
      %dma_start3A_110 = tpu.memref_slice %arg12[%add3A_67, %dma_start3A] : memref<10240x128xf32, #tpu.memory_space<vmem_shared>> -> memref<32x128xf32, #tpu.memory_space<vmem_shared>>
      %dma_start3A_111 = arith.constant 0 : i32
      %dma_start3A_112 = tpu.memref_slice %arg12[%add3A_67, %dma_start3A_111] : memref<10240x128xf32, #tpu.memory_space<vmem_shared>> -> memref<32x128xf32, #tpu.memory_space<vmem_shared>>
      tpu.enqueue_dma source(%arg11 : memref<32x128xf32, #tpu.memory_space<vmem>>) target(%dma_start3A_112 : memref<32x128xf32, #tpu.memory_space<vmem_shared>>) target_semaphore(%run_scoped3A : memref<!tpu.dma_semaphore, #tpu.memory_space<semaphore_mem>>)
      %dma_wait3A = arith.constant 0 : i32
      %dma_wait3A_113 = tpu.memref_slice %arg12[%add3A_67, %dma_wait3A] : memref<10240x128xf32, #tpu.memory_space<vmem_shared>> -> memref<32x128xf32, #tpu.memory_space<vmem_shared>>
      %dma_wait3A_114 = arith.constant 0 : i32
      %dma_wait3A_115 = tpu.memref_slice %arg12[%add3A_67, %dma_wait3A_114] : memref<10240x128xf32, #tpu.memory_space<vmem_shared>> -> memref<32x128xf32, #tpu.memory_space<vmem_shared>>
      tpu.wait_dma2 semaphore(%run_scoped3A : memref<!tpu.dma_semaphore, #tpu.memory_space<semaphore_mem>>) src(%arg11 : memref<32x128xf32, #tpu.memory_space<vmem>>) dst(%dma_wait3A_115 : memref<32x128xf32, #tpu.memory_space<vmem_shared>>)
      tpu.yield
    }) : () -> ()
    %mul3A_68 = arith.constant 640 : i32
    %mul3A_69 = arith.muli %arg1, %mul3A_68 : i32
    %add3A_70 = arith.constant 448 : i32
    %add3A_71 = arith.addi %mul3A_69, %add3A_70 : i32
    "tpu.region"() ({
      %run_scoped3A = tpu.sem_alloc : memref<!tpu.dma_semaphore, #tpu.memory_space<semaphore_mem>>
      %dma_start3A = arith.constant 0 : i32
      %dma_start3A_110 = tpu.memref_slice %arg12[%add3A_71, %dma_start3A] : memref<10240x128xf32, #tpu.memory_space<vmem_shared>> -> memref<32x128xf32, #tpu.memory_space<vmem_shared>>
      %dma_start3A_111 = arith.constant 0 : i32
      %dma_start3A_112 = tpu.memref_slice %arg12[%add3A_71, %dma_start3A_111] : memref<10240x128xf32, #tpu.memory_space<vmem_shared>> -> memref<32x128xf32, #tpu.memory_space<vmem_shared>>
      tpu.enqueue_dma source(%arg11 : memref<32x128xf32, #tpu.memory_space<vmem>>) target(%dma_start3A_112 : memref<32x128xf32, #tpu.memory_space<vmem_shared>>) target_semaphore(%run_scoped3A : memref<!tpu.dma_semaphore, #tpu.memory_space<semaphore_mem>>)
      %dma_wait3A = arith.constant 0 : i32
      %dma_wait3A_113 = tpu.memref_slice %arg12[%add3A_71, %dma_wait3A] : memref<10240x128xf32, #tpu.memory_space<vmem_shared>> -> memref<32x128xf32, #tpu.memory_space<vmem_shared>>
      %dma_wait3A_114 = arith.constant 0 : i32
      %dma_wait3A_115 = tpu.memref_slice %arg12[%add3A_71, %dma_wait3A_114] : memref<10240x128xf32, #tpu.memory_space<vmem_shared>> -> memref<32x128xf32, #tpu.memory_space<vmem_shared>>
      tpu.wait_dma2 semaphore(%run_scoped3A : memref<!tpu.dma_semaphore, #tpu.memory_space<semaphore_mem>>) src(%arg11 : memref<32x128xf32, #tpu.memory_space<vmem>>) dst(%dma_wait3A_115 : memref<32x128xf32, #tpu.memory_space<vmem_shared>>)
      tpu.yield
    }) : () -> ()
    %mul3A_72 = arith.constant 640 : i32
    %mul3A_73 = arith.muli %arg1, %mul3A_72 : i32
    %add3A_74 = arith.constant 480 : i32
    %add3A_75 = arith.addi %mul3A_73, %add3A_74 : i32
    "tpu.region"() ({
      %run_scoped3A = tpu.sem_alloc : memref<!tpu.dma_semaphore, #tpu.memory_space<semaphore_mem>>
      %dma_start3A = arith.constant 0 : i32
      %dma_start3A_110 = tpu.memref_slice %arg12[%add3A_75, %dma_start3A] : memref<10240x128xf32, #tpu.memory_space<vmem_shared>> -> memref<32x128xf32, #tpu.memory_space<vmem_shared>>
      %dma_start3A_111 = arith.constant 0 : i32
      %dma_start3A_112 = tpu.memref_slice %arg12[%add3A_75, %dma_start3A_111] : memref<10240x128xf32, #tpu.memory_space<vmem_shared>> -> memref<32x128xf32, #tpu.memory_space<vmem_shared>>
      tpu.enqueue_dma source(%arg11 : memref<32x128xf32, #tpu.memory_space<vmem>>) target(%dma_start3A_112 : memref<32x128xf32, #tpu.memory_space<vmem_shared>>) target_semaphore(%run_scoped3A : memref<!tpu.dma_semaphore, #tpu.memory_space<semaphore_mem>>)
      %dma_wait3A = arith.constant 0 : i32
      %dma_wait3A_113 = tpu.memref_slice %arg12[%add3A_75, %dma_wait3A] : memref<10240x128xf32, #tpu.memory_space<vmem_shared>> -> memref<32x128xf32, #tpu.memory_space<vmem_shared>>
      %dma_wait3A_114 = arith.constant 0 : i32
      %dma_wait3A_115 = tpu.memref_slice %arg12[%add3A_75, %dma_wait3A_114] : memref<10240x128xf32, #tpu.memory_space<vmem_shared>> -> memref<32x128xf32, #tpu.memory_space<vmem_shared>>
      tpu.wait_dma2 semaphore(%run_scoped3A : memref<!tpu.dma_semaphore, #tpu.memory_space<semaphore_mem>>) src(%arg11 : memref<32x128xf32, #tpu.memory_space<vmem>>) dst(%dma_wait3A_115 : memref<32x128xf32, #tpu.memory_space<vmem_shared>>)
      tpu.yield
    }) : () -> ()
    %mul3A_76 = arith.constant 640 : i32
    %mul3A_77 = arith.muli %arg1, %mul3A_76 : i32
    %add3A_78 = arith.constant 512 : i32
    %add3A_79 = arith.addi %mul3A_77, %add3A_78 : i32
    "tpu.region"() ({
      %run_scoped3A = tpu.sem_alloc : memref<!tpu.dma_semaphore, #tpu.memory_space<semaphore_mem>>
      %dma_start3A = arith.constant 0 : i32
      %dma_start3A_110 = tpu.memref_slice %arg12[%add3A_79, %dma_start3A] : memref<10240x128xf32, #tpu.memory_space<vmem_shared>> -> memref<32x128xf32, #tpu.memory_space<vmem_shared>>
      %dma_start3A_111 = arith.constant 0 : i32
      %dma_start3A_112 = tpu.memref_slice %arg12[%add3A_79, %dma_start3A_111] : memref<10240x128xf32, #tpu.memory_space<vmem_shared>> -> memref<32x128xf32, #tpu.memory_space<vmem_shared>>
      tpu.enqueue_dma source(%arg11 : memref<32x128xf32, #tpu.memory_space<vmem>>) target(%dma_start3A_112 : memref<32x128xf32, #tpu.memory_space<vmem_shared>>) target_semaphore(%run_scoped3A : memref<!tpu.dma_semaphore, #tpu.memory_space<semaphore_mem>>)
      %dma_wait3A = arith.constant 0 : i32
      %dma_wait3A_113 = tpu.memref_slice %arg12[%add3A_79, %dma_wait3A] : memref<10240x128xf32, #tpu.memory_space<vmem_shared>> -> memref<32x128xf32, #tpu.memory_space<vmem_shared>>
      %dma_wait3A_114 = arith.constant 0 : i32
      %dma_wait3A_115 = tpu.memref_slice %arg12[%add3A_79, %dma_wait3A_114] : memref<10240x128xf32, #tpu.memory_space<vmem_shared>> -> memref<32x128xf32, #tpu.memory_space<vmem_shared>>
      tpu.wait_dma2 semaphore(%run_scoped3A : memref<!tpu.dma_semaphore, #tpu.memory_space<semaphore_mem>>) src(%arg11 : memref<32x128xf32, #tpu.memory_space<vmem>>) dst(%dma_wait3A_115 : memref<32x128xf32, #tpu.memory_space<vmem_shared>>)
      tpu.yield
    }) : () -> ()
    %mul3A_80 = arith.constant 640 : i32
    %mul3A_81 = arith.muli %arg1, %mul3A_80 : i32
    %add3A_82 = arith.constant 544 : i32
    %add3A_83 = arith.addi %mul3A_81, %add3A_82 : i32
    "tpu.region"() ({
      %run_scoped3A = tpu.sem_alloc : memref<!tpu.dma_semaphore, #tpu.memory_space<semaphore_mem>>
      %dma_start3A = arith.constant 0 : i32
      %dma_start3A_110 = tpu.memref_slice %arg12[%add3A_83, %dma_start3A] : memref<10240x128xf32, #tpu.memory_space<vmem_shared>> -> memref<32x128xf32, #tpu.memory_space<vmem_shared>>
      %dma_start3A_111 = arith.constant 0 : i32
      %dma_start3A_112 = tpu.memref_slice %arg12[%add3A_83, %dma_start3A_111] : memref<10240x128xf32, #tpu.memory_space<vmem_shared>> -> memref<32x128xf32, #tpu.memory_space<vmem_shared>>
      tpu.enqueue_dma source(%arg11 : memref<32x128xf32, #tpu.memory_space<vmem>>) target(%dma_start3A_112 : memref<32x128xf32, #tpu.memory_space<vmem_shared>>) target_semaphore(%run_scoped3A : memref<!tpu.dma_semaphore, #tpu.memory_space<semaphore_mem>>)
      %dma_wait3A = arith.constant 0 : i32
      %dma_wait3A_113 = tpu.memref_slice %arg12[%add3A_83, %dma_wait3A] : memref<10240x128xf32, #tpu.memory_space<vmem_shared>> -> memref<32x128xf32, #tpu.memory_space<vmem_shared>>
      %dma_wait3A_114 = arith.constant 0 : i32
      %dma_wait3A_115 = tpu.memref_slice %arg12[%add3A_83, %dma_wait3A_114] : memref<10240x128xf32, #tpu.memory_space<vmem_shared>> -> memref<32x128xf32, #tpu.memory_space<vmem_shared>>
      tpu.wait_dma2 semaphore(%run_scoped3A : memref<!tpu.dma_semaphore, #tpu.memory_space<semaphore_mem>>) src(%arg11 : memref<32x128xf32, #tpu.memory_space<vmem>>) dst(%dma_wait3A_115 : memref<32x128xf32, #tpu.memory_space<vmem_shared>>)
      tpu.yield
    }) : () -> ()
    %mul3A_84 = arith.constant 640 : i32
    %mul3A_85 = arith.muli %arg1, %mul3A_84 : i32
    %add3A_86 = arith.constant 576 : i32
    %add3A_87 = arith.addi %mul3A_85, %add3A_86 : i32
    "tpu.region"() ({
      %run_scoped3A = tpu.sem_alloc : memref<!tpu.dma_semaphore, #tpu.memory_space<semaphore_mem>>
      %dma_start3A = arith.constant 0 : i32
      %dma_start3A_110 = tpu.memref_slice %arg12[%add3A_87, %dma_start3A] : memref<10240x128xf32, #tpu.memory_space<vmem_shared>> -> memref<32x128xf32, #tpu.memory_space<vmem_shared>>
      %dma_start3A_111 = arith.constant 0 : i32
      %dma_start3A_112 = tpu.memref_slice %arg12[%add3A_87, %dma_start3A_111] : memref<10240x128xf32, #tpu.memory_space<vmem_shared>> -> memref<32x128xf32, #tpu.memory_space<vmem_shared>>
      tpu.enqueue_dma source(%arg11 : memref<32x128xf32, #tpu.memory_space<vmem>>) target(%dma_start3A_112 : memref<32x128xf32, #tpu.memory_space<vmem_shared>>) target_semaphore(%run_scoped3A : memref<!tpu.dma_semaphore, #tpu.memory_space<semaphore_mem>>)
      %dma_wait3A = arith.constant 0 : i32
      %dma_wait3A_113 = tpu.memref_slice %arg12[%add3A_87, %dma_wait3A] : memref<10240x128xf32, #tpu.memory_space<vmem_shared>> -> memref<32x128xf32, #tpu.memory_space<vmem_shared>>
      %dma_wait3A_114 = arith.constant 0 : i32
      %dma_wait3A_115 = tpu.memref_slice %arg12[%add3A_87, %dma_wait3A_114] : memref<10240x128xf32, #tpu.memory_space<vmem_shared>> -> memref<32x128xf32, #tpu.memory_space<vmem_shared>>
      tpu.wait_dma2 semaphore(%run_scoped3A : memref<!tpu.dma_semaphore, #tpu.memory_space<semaphore_mem>>) src(%arg11 : memref<32x128xf32, #tpu.memory_space<vmem>>) dst(%dma_wait3A_115 : memref<32x128xf32, #tpu.memory_space<vmem_shared>>)
      tpu.yield
    }) : () -> ()
    %mul3A_88 = arith.constant 640 : i32
    %mul3A_89 = arith.muli %arg1, %mul3A_88 : i32
    %add3A_90 = arith.constant 608 : i32
    %add3A_91 = arith.addi %mul3A_89, %add3A_90 : i32
    "tpu.region"() ({
      %run_scoped3A = tpu.sem_alloc : memref<!tpu.dma_semaphore, #tpu.memory_space<semaphore_mem>>
      %dma_start3A = arith.constant 0 : i32
      %dma_start3A_110 = tpu.memref_slice %arg12[%add3A_91, %dma_start3A] : memref<10240x128xf32, #tpu.memory_space<vmem_shared>> -> memref<32x128xf32, #tpu.memory_space<vmem_shared>>
      %dma_start3A_111 = arith.constant 0 : i32
      %dma_start3A_112 = tpu.memref_slice %arg12[%add3A_91, %dma_start3A_111] : memref<10240x128xf32, #tpu.memory_space<vmem_shared>> -> memref<32x128xf32, #tpu.memory_space<vmem_shared>>
      tpu.enqueue_dma source(%arg11 : memref<32x128xf32, #tpu.memory_space<vmem>>) target(%dma_start3A_112 : memref<32x128xf32, #tpu.memory_space<vmem_shared>>) target_semaphore(%run_scoped3A : memref<!tpu.dma_semaphore, #tpu.memory_space<semaphore_mem>>)
      %dma_wait3A = arith.constant 0 : i32
      %dma_wait3A_113 = tpu.memref_slice %arg12[%add3A_91, %dma_wait3A] : memref<10240x128xf32, #tpu.memory_space<vmem_shared>> -> memref<32x128xf32, #tpu.memory_space<vmem_shared>>
      %dma_wait3A_114 = arith.constant 0 : i32
      %dma_wait3A_115 = tpu.memref_slice %arg12[%add3A_91, %dma_wait3A_114] : memref<10240x128xf32, #tpu.memory_space<vmem_shared>> -> memref<32x128xf32, #tpu.memory_space<vmem_shared>>
      tpu.wait_dma2 semaphore(%run_scoped3A : memref<!tpu.dma_semaphore, #tpu.memory_space<semaphore_mem>>) src(%arg11 : memref<32x128xf32, #tpu.memory_space<vmem>>) dst(%dma_wait3A_115 : memref<32x128xf32, #tpu.memory_space<vmem_shared>>)
      tpu.yield
    }) : () -> ()
    %barrier3A = arith.constant 0 : index
    tpu.barrier barrier_id(%barrier3A)
    %mul3A_92 = arith.constant 10240 : i32
    %mul3A_93 = arith.muli %add3A, %mul3A_92 : i32
    %while3A_94 = arith.constant 0 : i32
    %while3A_95 = arith.constant 0 : i32
    %while3A_96 = arith.constant 20 : i32
    %while3A_97 = arith.subi %while3A_96, %while3A_95 : i32
    %while3A_98 = arith.addi %while3A_95, %while3A_97 : i32
    %while3A_99 = arith.constant 1 : i32
    %while3A_100 = arith.divsi %while3A_97, %while3A_99 : i32
    %while3A_101 = arith.muli %while3A_100, %while3A_99 : i32
    %while3A_102 = arith.addi %while3A_95, %while3A_101 : i32
    %while3A_103 = arith.constant 1 : i32
    scf.for %while3A_110 = %while3A_95 to %while3A_102 step %while3A_103  : i32 {
      %mul3A_111 = arith.constant 8 : i32
      %mul3A_112 = arith.muli %while3A_110, %mul3A_111 : i32
      "tpu.region"() ({
        %run_scoped3A = tpu.sem_alloc : memref<!tpu.dma_semaphore, #tpu.memory_space<semaphore_mem>>
        %dma_start3A = arith.constant 0 : i32
        %dma_start3A_126 = tpu.memref_slice %arg4[%add3A, %mul3A_112, %dma_start3A] : memref<32x160x64xi32, #tpu.memory_space<hbm>> -> memref<1x8x64xi32, #tpu.memory_space<hbm>>
        %dma_start3A_127 = tpu.memref_squeeze %dma_start3A_126 : memref<1x8x64xi32, #tpu.memory_space<hbm>> -> memref<8x64xi32, #tpu.memory_space<hbm>>
        %dma_start3A_128 = arith.constant 0 : i32
        %dma_start3A_129 = tpu.memref_slice %arg4[%add3A, %mul3A_112, %dma_start3A_128] : memref<32x160x64xi32, #tpu.memory_space<hbm>> -> memref<1x8x64xi32, #tpu.memory_space<hbm>>
        %dma_start3A_130 = tpu.memref_squeeze %dma_start3A_129 : memref<1x8x64xi32, #tpu.memory_space<hbm>> -> memref<8x64xi32, #tpu.memory_space<hbm>>
        tpu.enqueue_dma source(%dma_start3A_130 : memref<8x64xi32, #tpu.memory_space<hbm>>) target(%arg7 : memref<8x64xi32, #tpu.memory_space<vmem>>) target_semaphore(%run_scoped3A : memref<!tpu.dma_semaphore, #tpu.memory_space<semaphore_mem>>)
        %dma_wait3A = arith.constant 0 : i32
        %dma_wait3A_131 = tpu.memref_slice %arg4[%add3A, %mul3A_112, %dma_wait3A] : memref<32x160x64xi32, #tpu.memory_space<hbm>> -> memref<1x8x64xi32, #tpu.memory_space<hbm>>
        %dma_wait3A_132 = tpu.memref_squeeze %dma_wait3A_131 : memref<1x8x64xi32, #tpu.memory_space<hbm>> -> memref<8x64xi32, #tpu.memory_space<hbm>>
        %dma_wait3A_133 = arith.constant 0 : i32
        %dma_wait3A_134 = tpu.memref_slice %arg4[%add3A, %mul3A_112, %dma_wait3A_133] : memref<32x160x64xi32, #tpu.memory_space<hbm>> -> memref<1x8x64xi32, #tpu.memory_space<hbm>>
        %dma_wait3A_135 = tpu.memref_squeeze %dma_wait3A_134 : memref<1x8x64xi32, #tpu.memory_space<hbm>> -> memref<8x64xi32, #tpu.memory_space<hbm>>
        tpu.wait_dma2 semaphore(%run_scoped3A : memref<!tpu.dma_semaphore, #tpu.memory_space<semaphore_mem>>) src(%dma_wait3A_135 : memref<8x64xi32, #tpu.memory_space<hbm>>) dst(%arg7 : memref<8x64xi32, #tpu.memory_space<vmem>>)
        tpu.yield
      }) : () -> ()
      %mul3A_113 = arith.constant 8 : i32
      %mul3A_114 = arith.muli %while3A_110, %mul3A_113 : i32
      "tpu.region"() ({
        %run_scoped3A = tpu.sem_alloc : memref<!tpu.dma_semaphore, #tpu.memory_space<semaphore_mem>>
        %dma_start3A = arith.constant 0 : i32
        %dma_start3A_126 = tpu.memref_slice %arg5[%add3A, %mul3A_114, %dma_start3A] : memref<32x160x64xi32, #tpu.memory_space<hbm>> -> memref<1x8x64xi32, #tpu.memory_space<hbm>>
        %dma_start3A_127 = tpu.memref_squeeze %dma_start3A_126 : memref<1x8x64xi32, #tpu.memory_space<hbm>> -> memref<8x64xi32, #tpu.memory_space<hbm>>
        %dma_start3A_128 = arith.constant 0 : i32
        %dma_start3A_129 = tpu.memref_slice %arg5[%add3A, %mul3A_114, %dma_start3A_128] : memref<32x160x64xi32, #tpu.memory_space<hbm>> -> memref<1x8x64xi32, #tpu.memory_space<hbm>>
        %dma_start3A_130 = tpu.memref_squeeze %dma_start3A_129 : memref<1x8x64xi32, #tpu.memory_space<hbm>> -> memref<8x64xi32, #tpu.memory_space<hbm>>
        tpu.enqueue_dma source(%dma_start3A_130 : memref<8x64xi32, #tpu.memory_space<hbm>>) target(%arg8 : memref<8x64xi32, #tpu.memory_space<vmem>>) target_semaphore(%run_scoped3A : memref<!tpu.dma_semaphore, #tpu.memory_space<semaphore_mem>>)
        %dma_wait3A = arith.constant 0 : i32
        %dma_wait3A_131 = tpu.memref_slice %arg5[%add3A, %mul3A_114, %dma_wait3A] : memref<32x160x64xi32, #tpu.memory_space<hbm>> -> memref<1x8x64xi32, #tpu.memory_space<hbm>>
        %dma_wait3A_132 = tpu.memref_squeeze %dma_wait3A_131 : memref<1x8x64xi32, #tpu.memory_space<hbm>> -> memref<8x64xi32, #tpu.memory_space<hbm>>
        %dma_wait3A_133 = arith.constant 0 : i32
        %dma_wait3A_134 = tpu.memref_slice %arg5[%add3A, %mul3A_114, %dma_wait3A_133] : memref<32x160x64xi32, #tpu.memory_space<hbm>> -> memref<1x8x64xi32, #tpu.memory_space<hbm>>
        %dma_wait3A_135 = tpu.memref_squeeze %dma_wait3A_134 : memref<1x8x64xi32, #tpu.memory_space<hbm>> -> memref<8x64xi32, #tpu.memory_space<hbm>>
        tpu.wait_dma2 semaphore(%run_scoped3A : memref<!tpu.dma_semaphore, #tpu.memory_space<semaphore_mem>>) src(%dma_wait3A_135 : memref<8x64xi32, #tpu.memory_space<hbm>>) dst(%arg8 : memref<8x64xi32, #tpu.memory_space<vmem>>)
        tpu.yield
      }) : () -> ()
      %while3A_115 = arith.constant 0 : i32
      %while3A_116 = arith.constant 0 : i32
      %while3A_117 = arith.constant 8 : i32
      %while3A_118 = arith.subi %while3A_117, %while3A_116 : i32
      %while3A_119 = arith.addi %while3A_116, %while3A_118 : i32
      %while3A_120 = arith.constant 1 : i32
      %while3A_121 = arith.divsi %while3A_118, %while3A_120 : i32
      %while3A_122 = arith.muli %while3A_121, %while3A_120 : i32
      %while3A_123 = arith.addi %while3A_116, %while3A_122 : i32
      %while3A_124 = arith.constant 1 : i32
      scf.for %while3A_126 = %while3A_116 to %while3A_123 step %while3A_124  : i32 {
        %dma_start3A = arith.constant 0 : i32
        %dma_start3A_127 = tpu.memref_slice %arg7[%while3A_126, %dma_start3A] : memref<8x64xi32, #tpu.memory_space<vmem>> -> memref<1x64xi32, #tpu.memory_space<vmem>>
        %dma_start3A_128 = tpu.memref_squeeze %dma_start3A_127 : memref<1x64xi32, #tpu.memory_space<vmem>> -> memref<64xi32, #tpu.memory_space<vmem>>
        %dma_start3A_129 = arith.constant 0 : i32
        %dma_start3A_130 = arith.constant 0 : i32
        %dma_start3A_131 = tpu.memref_slice %arg2[%dma_start3A_129, %dma_start3A_130] : memref<10000x128xf32, #tpu.memory_space<hbm>> -> memref<10000x128xf32, #tpu.memory_space<hbm>>
        tpu.enqueue_indirect_dma source(%dma_start3A_131 : memref<10000x128xf32, #tpu.memory_space<hbm>>) target(%arg9 : memref<64x128xf32, #tpu.memory_space<vmem>>) offsets(%dma_start3A_128 : memref<64xi32, #tpu.memory_space<vmem>>) semaphore(%arg13 : memref<!tpu.dma_semaphore, #tpu.memory_space<semaphore_mem>>)
        %dma_wait3A = arith.constant 0 : i32
        %dma_wait3A_132 = tpu.memref_slice %arg7[%while3A_126, %dma_wait3A] : memref<8x64xi32, #tpu.memory_space<vmem>> -> memref<1x64xi32, #tpu.memory_space<vmem>>
        %dma_wait3A_133 = tpu.memref_squeeze %dma_wait3A_132 : memref<1x64xi32, #tpu.memory_space<vmem>> -> memref<64xi32, #tpu.memory_space<vmem>>
        %dma_wait3A_134 = arith.constant 0 : i32
        %dma_wait3A_135 = arith.constant 0 : i32
        %dma_wait3A_136 = tpu.memref_slice %arg2[%dma_wait3A_134, %dma_wait3A_135] : memref<10000x128xf32, #tpu.memory_space<hbm>> -> memref<10000x128xf32, #tpu.memory_space<hbm>>
        tpu.wait_indirect_dma semaphore(%arg13 : memref<!tpu.dma_semaphore, #tpu.memory_space<semaphore_mem>>) src(%dma_wait3A_136 : memref<10000x128xf32, #tpu.memory_space<hbm>>) dst(%arg9 : memref<64x128xf32, #tpu.memory_space<vmem>>)
        %mul3A_137 = arith.constant 8 : i32
        %mul3A_138 = arith.muli %while3A_110, %mul3A_137 : i32
        %add3A_139 = arith.addi %mul3A_138, %while3A_126 : i32
        %mul3A_140 = arith.constant 64 : i32
        %mul3A_141 = arith.muli %add3A_139, %mul3A_140 : i32
        %add3A_142 = arith.addi %mul3A_93, %mul3A_141 : i32
        "tpu.region"() ({
          %run_scoped3A = tpu.sem_alloc : memref<!tpu.dma_semaphore, #tpu.memory_space<semaphore_mem>>
          %dma_start3A_154 = arith.constant 0 : i32
          %dma_start3A_155 = tpu.memref_slice %arg3[%add3A_142, %dma_start3A_154] : memref<327680x128xf32, #tpu.memory_space<hbm>> -> memref<64x128xf32, #tpu.memory_space<hbm>>
          %dma_start3A_156 = arith.constant 0 : i32
          %dma_start3A_157 = tpu.memref_slice %arg3[%add3A_142, %dma_start3A_156] : memref<327680x128xf32, #tpu.memory_space<hbm>> -> memref<64x128xf32, #tpu.memory_space<hbm>>
          tpu.enqueue_dma source(%dma_start3A_157 : memref<64x128xf32, #tpu.memory_space<hbm>>) target(%arg10 : memref<64x128xf32, #tpu.memory_space<vmem>>) target_semaphore(%run_scoped3A : memref<!tpu.dma_semaphore, #tpu.memory_space<semaphore_mem>>)
          %dma_wait3A_158 = arith.constant 0 : i32
          %dma_wait3A_159 = tpu.memref_slice %arg3[%add3A_142, %dma_wait3A_158] : memref<327680x128xf32, #tpu.memory_space<hbm>> -> memref<64x128xf32, #tpu.memory_space<hbm>>
          %dma_wait3A_160 = arith.constant 0 : i32
          %dma_wait3A_161 = tpu.memref_slice %arg3[%add3A_142, %dma_wait3A_160] : memref<327680x128xf32, #tpu.memory_space<hbm>> -> memref<64x128xf32, #tpu.memory_space<hbm>>
          tpu.wait_dma2 semaphore(%run_scoped3A : memref<!tpu.dma_semaphore, #tpu.memory_space<semaphore_mem>>) src(%dma_wait3A_161 : memref<64x128xf32, #tpu.memory_space<hbm>>) dst(%arg10 : memref<64x128xf32, #tpu.memory_space<vmem>>)
          tpu.yield
        }) : () -> ()
        %while3A_143 = arith.constant 0 : i32
        %while3A_144 = arith.constant 0 : i32
        %while3A_145 = arith.constant 64 : i32
        %while3A_146 = arith.subi %while3A_145, %while3A_144 : i32
        %while3A_147 = arith.addi %while3A_144, %while3A_146 : i32
        %while3A_148 = arith.constant 1 : i32
        %while3A_149 = arith.divsi %while3A_146, %while3A_148 : i32
        %while3A_150 = arith.muli %while3A_149, %while3A_148 : i32
        %while3A_151 = arith.addi %while3A_144, %while3A_150 : i32
        %while3A_152 = arith.constant 1 : i32
        scf.for %while3A_154 = %while3A_144 to %while3A_151 step %while3A_152  : i32 {
          %get3A = arith.index_cast %while3A_154 : i32 to index
          %get3A_155 = arith.constant 0 : index
          %get3A_156 = tpu.vector_load %arg9[%get3A, %get3A_155] {strides = array<i32>} : memref<64x128xf32, #tpu.memory_space<vmem>>, vector<1x16xf32>,
          %get3A_157 = vector.shape_cast %get3A_156 : vector<1x16xf32> to vector<16xf32>
          %get3A_158 = arith.index_cast %while3A_154 : i32 to index
          %get3A_159 = arith.constant 0 : index
          %get3A_160 = tpu.vector_load %arg10[%get3A_158, %get3A_159] {strides = array<i32>} : memref<64x128xf32, #tpu.memory_space<vmem>>, vector<1x16xf32>,
          %get3A_161 = vector.shape_cast %get3A_160 : vector<1x16xf32> to vector<16xf32>
          %mul3A_162 = arith.mulf %get3A_157, %get3A_161 : vector<16xf32>
          %swap3A = arith.index_cast %while3A_154 : i32 to index
          %swap3A_163 = arith.constant 0 : index
          %swap3A_164 = tpu.vector_load %arg9[%swap3A, %swap3A_163] {strides = array<i32>} : memref<64x128xf32, #tpu.memory_space<vmem>>, vector<1x16xf32>,
          %swap3A_165 = vector.shape_cast %swap3A_164 : vector<1x16xf32> to vector<16xf32>
          %swap3A_166 = vector.shape_cast %mul3A_162 : vector<16xf32> to vector<1x16xf32>
          tpu.vector_store %arg9[%swap3A, %swap3A_163], %swap3A_166 {strides = array<i32>} : memref<64x128xf32, #tpu.memory_space<vmem>>, vector<1x16xf32>,
          %get3A_167 = arith.index_cast %while3A_154 : i32 to index
          %get3A_168 = arith.constant 16 : index
          %get3A_169 = tpu.vector_load %arg9[%get3A_167, %get3A_168] {strides = array<i32>} : memref<64x128xf32, #tpu.memory_space<vmem>>, vector<1x16xf32>,
          %get3A_170 = vector.shape_cast %get3A_169 : vector<1x16xf32> to vector<16xf32>
          %get3A_171 = arith.index_cast %while3A_154 : i32 to index
          %get3A_172 = arith.constant 16 : index
          %get3A_173 = tpu.vector_load %arg10[%get3A_171, %get3A_172] {strides = array<i32>} : memref<64x128xf32, #tpu.memory_space<vmem>>, vector<1x16xf32>,
          %get3A_174 = vector.shape_cast %get3A_173 : vector<1x16xf32> to vector<16xf32>
          %mul3A_175 = arith.mulf %get3A_170, %get3A_174 : vector<16xf32>
          %swap3A_176 = arith.index_cast %while3A_154 : i32 to index
          %swap3A_177 = arith.constant 16 : index
          %swap3A_178 = tpu.vector_load %arg9[%swap3A_176, %swap3A_177] {strides = array<i32>} : memref<64x128xf32, #tpu.memory_space<vmem>>, vector<1x16xf32>,
          %swap3A_179 = vector.shape_cast %swap3A_178 : vector<1x16xf32> to vector<16xf32>
          %swap3A_180 = vector.shape_cast %mul3A_175 : vector<16xf32> to vector<1x16xf32>
          tpu.vector_store %arg9[%swap3A_176, %swap3A_177], %swap3A_180 {strides = array<i32>} : memref<64x128xf32, #tpu.memory_space<vmem>>, vector<1x16xf32>,
          %get3A_181 = arith.index_cast %while3A_154 : i32 to index
          %get3A_182 = arith.constant 32 : index
          %get3A_183 = tpu.vector_load %arg9[%get3A_181, %get3A_182] {strides = array<i32>} : memref<64x128xf32, #tpu.memory_space<vmem>>, vector<1x16xf32>,
          %get3A_184 = vector.shape_cast %get3A_183 : vector<1x16xf32> to vector<16xf32>
          %get3A_185 = arith.index_cast %while3A_154 : i32 to index
          %get3A_186 = arith.constant 32 : index
          %get3A_187 = tpu.vector_load %arg10[%get3A_185, %get3A_186] {strides = array<i32>} : memref<64x128xf32, #tpu.memory_space<vmem>>, vector<1x16xf32>,
          %get3A_188 = vector.shape_cast %get3A_187 : vector<1x16xf32> to vector<16xf32>
          %mul3A_189 = arith.mulf %get3A_184, %get3A_188 : vector<16xf32>
          %swap3A_190 = arith.index_cast %while3A_154 : i32 to index
          %swap3A_191 = arith.constant 32 : index
          %swap3A_192 = tpu.vector_load %arg9[%swap3A_190, %swap3A_191] {strides = array<i32>} : memref<64x128xf32, #tpu.memory_space<vmem>>, vector<1x16xf32>,
          %swap3A_193 = vector.shape_cast %swap3A_192 : vector<1x16xf32> to vector<16xf32>
          %swap3A_194 = vector.shape_cast %mul3A_189 : vector<16xf32> to vector<1x16xf32>
          tpu.vector_store %arg9[%swap3A_190, %swap3A_191], %swap3A_194 {strides = array<i32>} : memref<64x128xf32, #tpu.memory_space<vmem>>, vector<1x16xf32>,
          %get3A_195 = arith.index_cast %while3A_154 : i32 to index
          %get3A_196 = arith.constant 48 : index
          %get3A_197 = tpu.vector_load %arg9[%get3A_195, %get3A_196] {strides = array<i32>} : memref<64x128xf32, #tpu.memory_space<vmem>>, vector<1x16xf32>,
          %get3A_198 = vector.shape_cast %get3A_197 : vector<1x16xf32> to vector<16xf32>
          %get3A_199 = arith.index_cast %while3A_154 : i32 to index
          %get3A_200 = arith.constant 48 : index
          %get3A_201 = tpu.vector_load %arg10[%get3A_199, %get3A_200] {strides = array<i32>} : memref<64x128xf32, #tpu.memory_space<vmem>>, vector<1x16xf32>,
          %get3A_202 = vector.shape_cast %get3A_201 : vector<1x16xf32> to vector<16xf32>
          %mul3A_203 = arith.mulf %get3A_198, %get3A_202 : vector<16xf32>
          %swap3A_204 = arith.index_cast %while3A_154 : i32 to index
          %swap3A_205 = arith.constant 48 : index
          %swap3A_206 = tpu.vector_load %arg9[%swap3A_204, %swap3A_205] {strides = array<i32>} : memref<64x128xf32, #tpu.memory_space<vmem>>, vector<1x16xf32>,
          %swap3A_207 = vector.shape_cast %swap3A_206 : vector<1x16xf32> to vector<16xf32>
          %swap3A_208 = vector.shape_cast %mul3A_203 : vector<16xf32> to vector<1x16xf32>
          tpu.vector_store %arg9[%swap3A_204, %swap3A_205], %swap3A_208 {strides = array<i32>} : memref<64x128xf32, #tpu.memory_space<vmem>>, vector<1x16xf32>,
          %get3A_209 = arith.index_cast %while3A_154 : i32 to index
          %get3A_210 = arith.constant 64 : index
          %get3A_211 = tpu.vector_load %arg9[%get3A_209, %get3A_210] {strides = array<i32>} : memref<64x128xf32, #tpu.memory_space<vmem>>, vector<1x16xf32>,
          %get3A_212 = vector.shape_cast %get3A_211 : vector<1x16xf32> to vector<16xf32>
          %get3A_213 = arith.index_cast %while3A_154 : i32 to index
          %get3A_214 = arith.constant 64 : index
          %get3A_215 = tpu.vector_load %arg10[%get3A_213, %get3A_214] {strides = array<i32>} : memref<64x128xf32, #tpu.memory_space<vmem>>, vector<1x16xf32>,
          %get3A_216 = vector.shape_cast %get3A_215 : vector<1x16xf32> to vector<16xf32>
          %mul3A_217 = arith.mulf %get3A_212, %get3A_216 : vector<16xf32>
          %swap3A_218 = arith.index_cast %while3A_154 : i32 to index
          %swap3A_219 = arith.constant 64 : index
          %swap3A_220 = tpu.vector_load %arg9[%swap3A_218, %swap3A_219] {strides = array<i32>} : memref<64x128xf32, #tpu.memory_space<vmem>>, vector<1x16xf32>,
          %swap3A_221 = vector.shape_cast %swap3A_220 : vector<1x16xf32> to vector<16xf32>
          %swap3A_222 = vector.shape_cast %mul3A_217 : vector<16xf32> to vector<1x16xf32>
          tpu.vector_store %arg9[%swap3A_218, %swap3A_219], %swap3A_222 {strides = array<i32>} : memref<64x128xf32, #tpu.memory_space<vmem>>, vector<1x16xf32>,
          %get3A_223 = arith.index_cast %while3A_154 : i32 to index
          %get3A_224 = arith.constant 80 : index
          %get3A_225 = tpu.vector_load %arg9[%get3A_223, %get3A_224] {strides = array<i32>} : memref<64x128xf32, #tpu.memory_space<vmem>>, vector<1x16xf32>,
          %get3A_226 = vector.shape_cast %get3A_225 : vector<1x16xf32> to vector<16xf32>
          %get3A_227 = arith.index_cast %while3A_154 : i32 to index
          %get3A_228 = arith.constant 80 : index
          %get3A_229 = tpu.vector_load %arg10[%get3A_227, %get3A_228] {strides = array<i32>} : memref<64x128xf32, #tpu.memory_space<vmem>>, vector<1x16xf32>,
          %get3A_230 = vector.shape_cast %get3A_229 : vector<1x16xf32> to vector<16xf32>
          %mul3A_231 = arith.mulf %get3A_226, %get3A_230 : vector<16xf32>
          %swap3A_232 = arith.index_cast %while3A_154 : i32 to index
          %swap3A_233 = arith.constant 80 : index
          %swap3A_234 = tpu.vector_load %arg9[%swap3A_232, %swap3A_233] {strides = array<i32>} : memref<64x128xf32, #tpu.memory_space<vmem>>, vector<1x16xf32>,
          %swap3A_235 = vector.shape_cast %swap3A_234 : vector<1x16xf32> to vector<16xf32>
          %swap3A_236 = vector.shape_cast %mul3A_231 : vector<16xf32> to vector<1x16xf32>
          tpu.vector_store %arg9[%swap3A_232, %swap3A_233], %swap3A_236 {strides = array<i32>} : memref<64x128xf32, #tpu.memory_space<vmem>>, vector<1x16xf32>,
          %get3A_237 = arith.index_cast %while3A_154 : i32 to index
          %get3A_238 = arith.constant 96 : index
          %get3A_239 = tpu.vector_load %arg9[%get3A_237, %get3A_238] {strides = array<i32>} : memref<64x128xf32, #tpu.memory_space<vmem>>, vector<1x16xf32>,
          %get3A_240 = vector.shape_cast %get3A_239 : vector<1x16xf32> to vector<16xf32>
          %get3A_241 = arith.index_cast %while3A_154 : i32 to index
          %get3A_242 = arith.constant 96 : index
          %get3A_243 = tpu.vector_load %arg10[%get3A_241, %get3A_242] {strides = array<i32>} : memref<64x128xf32, #tpu.memory_space<vmem>>, vector<1x16xf32>,
          %get3A_244 = vector.shape_cast %get3A_243 : vector<1x16xf32> to vector<16xf32>
          %mul3A_245 = arith.mulf %get3A_240, %get3A_244 : vector<16xf32>
          %swap3A_246 = arith.index_cast %while3A_154 : i32 to index
          %swap3A_247 = arith.constant 96 : index
          %swap3A_248 = tpu.vector_load %arg9[%swap3A_246, %swap3A_247] {strides = array<i32>} : memref<64x128xf32, #tpu.memory_space<vmem>>, vector<1x16xf32>,
          %swap3A_249 = vector.shape_cast %swap3A_248 : vector<1x16xf32> to vector<16xf32>
          %swap3A_250 = vector.shape_cast %mul3A_245 : vector<16xf32> to vector<1x16xf32>
          tpu.vector_store %arg9[%swap3A_246, %swap3A_247], %swap3A_250 {strides = array<i32>} : memref<64x128xf32, #tpu.memory_space<vmem>>, vector<1x16xf32>,
          %get3A_251 = arith.index_cast %while3A_154 : i32 to index
          %get3A_252 = arith.constant 112 : index
          %get3A_253 = tpu.vector_load %arg9[%get3A_251, %get3A_252] {strides = array<i32>} : memref<64x128xf32, #tpu.memory_space<vmem>>, vector<1x16xf32>,
          %get3A_254 = vector.shape_cast %get3A_253 : vector<1x16xf32> to vector<16xf32>
          %get3A_255 = arith.index_cast %while3A_154 : i32 to index
          %get3A_256 = arith.constant 112 : index
          %get3A_257 = tpu.vector_load %arg10[%get3A_255, %get3A_256] {strides = array<i32>} : memref<64x128xf32, #tpu.memory_space<vmem>>, vector<1x16xf32>,
          %get3A_258 = vector.shape_cast %get3A_257 : vector<1x16xf32> to vector<16xf32>
          %mul3A_259 = arith.mulf %get3A_254, %get3A_258 : vector<16xf32>
          %swap3A_260 = arith.index_cast %while3A_154 : i32 to index
          %swap3A_261 = arith.constant 112 : index
          %swap3A_262 = tpu.vector_load %arg9[%swap3A_260, %swap3A_261] {strides = array<i32>} : memref<64x128xf32, #tpu.memory_space<vmem>>, vector<1x16xf32>,
          %swap3A_263 = vector.shape_cast %swap3A_262 : vector<1x16xf32> to vector<16xf32>
          %swap3A_264 = vector.shape_cast %mul3A_259 : vector<16xf32> to vector<1x16xf32>
          tpu.vector_store %arg9[%swap3A_260, %swap3A_261], %swap3A_264 {strides = array<i32>} : memref<64x128xf32, #tpu.memory_space<vmem>>, vector<1x16xf32>,
        }
        %while3A_153 = arith.constant 1 : i32
        scf.for %while3A_154 = %while3A_151 to %while3A_147 step %while3A_153  : i32 {
          %get3A = arith.index_cast %while3A_154 : i32 to index
          %get3A_155 = arith.constant 0 : index
          %get3A_156 = tpu.vector_load %arg9[%get3A, %get3A_155] {strides = array<i32>} : memref<64x128xf32, #tpu.memory_space<vmem>>, vector<1x16xf32>,
          %get3A_157 = vector.shape_cast %get3A_156 : vector<1x16xf32> to vector<16xf32>
          %get3A_158 = arith.index_cast %while3A_154 : i32 to index
          %get3A_159 = arith.constant 0 : index
          %get3A_160 = tpu.vector_load %arg10[%get3A_158, %get3A_159] {strides = array<i32>} : memref<64x128xf32, #tpu.memory_space<vmem>>, vector<1x16xf32>,
          %get3A_161 = vector.shape_cast %get3A_160 : vector<1x16xf32> to vector<16xf32>
          %mul3A_162 = arith.mulf %get3A_157, %get3A_161 : vector<16xf32>
          %swap3A = arith.index_cast %while3A_154 : i32 to index
          %swap3A_163 = arith.constant 0 : index
          %swap3A_164 = tpu.vector_load %arg9[%swap3A, %swap3A_163] {strides = array<i32>} : memref<64x128xf32, #tpu.memory_space<vmem>>, vector<1x16xf32>,
          %swap3A_165 = vector.shape_cast %swap3A_164 : vector<1x16xf32> to vector<16xf32>
          %swap3A_166 = vector.shape_cast %mul3A_162 : vector<16xf32> to vector<1x16xf32>
          tpu.vector_store %arg9[%swap3A, %swap3A_163], %swap3A_166 {strides = array<i32>} : memref<64x128xf32, #tpu.memory_space<vmem>>, vector<1x16xf32>,
          %get3A_167 = arith.index_cast %while3A_154 : i32 to index
          %get3A_168 = arith.constant 16 : index
          %get3A_169 = tpu.vector_load %arg9[%get3A_167, %get3A_168] {strides = array<i32>} : memref<64x128xf32, #tpu.memory_space<vmem>>, vector<1x16xf32>,
          %get3A_170 = vector.shape_cast %get3A_169 : vector<1x16xf32> to vector<16xf32>
          %get3A_171 = arith.index_cast %while3A_154 : i32 to index
          %get3A_172 = arith.constant 16 : index
          %get3A_173 = tpu.vector_load %arg10[%get3A_171, %get3A_172] {strides = array<i32>} : memref<64x128xf32, #tpu.memory_space<vmem>>, vector<1x16xf32>,
          %get3A_174 = vector.shape_cast %get3A_173 : vector<1x16xf32> to vector<16xf32>
          %mul3A_175 = arith.mulf %get3A_170, %get3A_174 : vector<16xf32>
          %swap3A_176 = arith.index_cast %while3A_154 : i32 to index
          %swap3A_177 = arith.constant 16 : index
          %swap3A_178 = tpu.vector_load %arg9[%swap3A_176, %swap3A_177] {strides = array<i32>} : memref<64x128xf32, #tpu.memory_space<vmem>>, vector<1x16xf32>,
          %swap3A_179 = vector.shape_cast %swap3A_178 : vector<1x16xf32> to vector<16xf32>
          %swap3A_180 = vector.shape_cast %mul3A_175 : vector<16xf32> to vector<1x16xf32>
          tpu.vector_store %arg9[%swap3A_176, %swap3A_177], %swap3A_180 {strides = array<i32>} : memref<64x128xf32, #tpu.memory_space<vmem>>, vector<1x16xf32>,
          %get3A_181 = arith.index_cast %while3A_154 : i32 to index
          %get3A_182 = arith.constant 32 : index
          %get3A_183 = tpu.vector_load %arg9[%get3A_181, %get3A_182] {strides = array<i32>} : memref<64x128xf32, #tpu.memory_space<vmem>>, vector<1x16xf32>,
          %get3A_184 = vector.shape_cast %get3A_183 : vector<1x16xf32> to vector<16xf32>
          %get3A_185 = arith.index_cast %while3A_154 : i32 to index
          %get3A_186 = arith.constant 32 : index
          %get3A_187 = tpu.vector_load %arg10[%get3A_185, %get3A_186] {strides = array<i32>} : memref<64x128xf32, #tpu.memory_space<vmem>>, vector<1x16xf32>,
          %get3A_188 = vector.shape_cast %get3A_187 : vector<1x16xf32> to vector<16xf32>
          %mul3A_189 = arith.mulf %get3A_184, %get3A_188 : vector<16xf32>
          %swap3A_190 = arith.index_cast %while3A_154 : i32 to index
          %swap3A_191 = arith.constant 32 : index
          %swap3A_192 = tpu.vector_load %arg9[%swap3A_190, %swap3A_191] {strides = array<i32>} : memref<64x128xf32, #tpu.memory_space<vmem>>, vector<1x16xf32>,
          %swap3A_193 = vector.shape_cast %swap3A_192 : vector<1x16xf32> to vector<16xf32>
          %swap3A_194 = vector.shape_cast %mul3A_189 : vector<16xf32> to vector<1x16xf32>
          tpu.vector_store %arg9[%swap3A_190, %swap3A_191], %swap3A_194 {strides = array<i32>} : memref<64x128xf32, #tpu.memory_space<vmem>>, vector<1x16xf32>,
          %get3A_195 = arith.index_cast %while3A_154 : i32 to index
          %get3A_196 = arith.constant 48 : index
          %get3A_197 = tpu.vector_load %arg9[%get3A_195, %get3A_196] {strides = array<i32>} : memref<64x128xf32, #tpu.memory_space<vmem>>, vector<1x16xf32>,
          %get3A_198 = vector.shape_cast %get3A_197 : vector<1x16xf32> to vector<16xf32>
          %get3A_199 = arith.index_cast %while3A_154 : i32 to index
          %get3A_200 = arith.constant 48 : index
          %get3A_201 = tpu.vector_load %arg10[%get3A_199, %get3A_200] {strides = array<i32>} : memref<64x128xf32, #tpu.memory_space<vmem>>, vector<1x16xf32>,
          %get3A_202 = vector.shape_cast %get3A_201 : vector<1x16xf32> to vector<16xf32>
          %mul3A_203 = arith.mulf %get3A_198, %get3A_202 : vector<16xf32>
          %swap3A_204 = arith.index_cast %while3A_154 : i32 to index
          %swap3A_205 = arith.constant 48 : index
          %swap3A_206 = tpu.vector_load %arg9[%swap3A_204, %swap3A_205] {strides = array<i32>} : memref<64x128xf32, #tpu.memory_space<vmem>>, vector<1x16xf32>,
          %swap3A_207 = vector.shape_cast %swap3A_206 : vector<1x16xf32> to vector<16xf32>
          %swap3A_208 = vector.shape_cast %mul3A_203 : vector<16xf32> to vector<1x16xf32>
          tpu.vector_store %arg9[%swap3A_204, %swap3A_205], %swap3A_208 {strides = array<i32>} : memref<64x128xf32, #tpu.memory_space<vmem>>, vector<1x16xf32>,
          %get3A_209 = arith.index_cast %while3A_154 : i32 to index
          %get3A_210 = arith.constant 64 : index
          %get3A_211 = tpu.vector_load %arg9[%get3A_209, %get3A_210] {strides = array<i32>} : memref<64x128xf32, #tpu.memory_space<vmem>>, vector<1x16xf32>,
          %get3A_212 = vector.shape_cast %get3A_211 : vector<1x16xf32> to vector<16xf32>
          %get3A_213 = arith.index_cast %while3A_154 : i32 to index
          %get3A_214 = arith.constant 64 : index
          %get3A_215 = tpu.vector_load %arg10[%get3A_213, %get3A_214] {strides = array<i32>} : memref<64x128xf32, #tpu.memory_space<vmem>>, vector<1x16xf32>,
          %get3A_216 = vector.shape_cast %get3A_215 : vector<1x16xf32> to vector<16xf32>
          %mul3A_217 = arith.mulf %get3A_212, %get3A_216 : vector<16xf32>
          %swap3A_218 = arith.index_cast %while3A_154 : i32 to index
          %swap3A_219 = arith.constant 64 : index
          %swap3A_220 = tpu.vector_load %arg9[%swap3A_218, %swap3A_219] {strides = array<i32>} : memref<64x128xf32, #tpu.memory_space<vmem>>, vector<1x16xf32>,
          %swap3A_221 = vector.shape_cast %swap3A_220 : vector<1x16xf32> to vector<16xf32>
          %swap3A_222 = vector.shape_cast %mul3A_217 : vector<16xf32> to vector<1x16xf32>
          tpu.vector_store %arg9[%swap3A_218, %swap3A_219], %swap3A_222 {strides = array<i32>} : memref<64x128xf32, #tpu.memory_space<vmem>>, vector<1x16xf32>,
          %get3A_223 = arith.index_cast %while3A_154 : i32 to index
          %get3A_224 = arith.constant 80 : index
          %get3A_225 = tpu.vector_load %arg9[%get3A_223, %get3A_224] {strides = array<i32>} : memref<64x128xf32, #tpu.memory_space<vmem>>, vector<1x16xf32>,
          %get3A_226 = vector.shape_cast %get3A_225 : vector<1x16xf32> to vector<16xf32>
          %get3A_227 = arith.index_cast %while3A_154 : i32 to index
          %get3A_228 = arith.constant 80 : index
          %get3A_229 = tpu.vector_load %arg10[%get3A_227, %get3A_228] {strides = array<i32>} : memref<64x128xf32, #tpu.memory_space<vmem>>, vector<1x16xf32>,
          %get3A_230 = vector.shape_cast %get3A_229 : vector<1x16xf32> to vector<16xf32>
          %mul3A_231 = arith.mulf %get3A_226, %get3A_230 : vector<16xf32>
          %swap3A_232 = arith.index_cast %while3A_154 : i32 to index
          %swap3A_233 = arith.constant 80 : index
          %swap3A_234 = tpu.vector_load %arg9[%swap3A_232, %swap3A_233] {strides = array<i32>} : memref<64x128xf32, #tpu.memory_space<vmem>>, vector<1x16xf32>,
          %swap3A_235 = vector.shape_cast %swap3A_234 : vector<1x16xf32> to vector<16xf32>
          %swap3A_236 = vector.shape_cast %mul3A_231 : vector<16xf32> to vector<1x16xf32>
          tpu.vector_store %arg9[%swap3A_232, %swap3A_233], %swap3A_236 {strides = array<i32>} : memref<64x128xf32, #tpu.memory_space<vmem>>, vector<1x16xf32>,
          %get3A_237 = arith.index_cast %while3A_154 : i32 to index
          %get3A_238 = arith.constant 96 : index
          %get3A_239 = tpu.vector_load %arg9[%get3A_237, %get3A_238] {strides = array<i32>} : memref<64x128xf32, #tpu.memory_space<vmem>>, vector<1x16xf32>,
          %get3A_240 = vector.shape_cast %get3A_239 : vector<1x16xf32> to vector<16xf32>
          %get3A_241 = arith.index_cast %while3A_154 : i32 to index
          %get3A_242 = arith.constant 96 : index
          %get3A_243 = tpu.vector_load %arg10[%get3A_241, %get3A_242] {strides = array<i32>} : memref<64x128xf32, #tpu.memory_space<vmem>>, vector<1x16xf32>,
          %get3A_244 = vector.shape_cast %get3A_243 : vector<1x16xf32> to vector<16xf32>
          %mul3A_245 = arith.mulf %get3A_240, %get3A_244 : vector<16xf32>
          %swap3A_246 = arith.index_cast %while3A_154 : i32 to index
          %swap3A_247 = arith.constant 96 : index
          %swap3A_248 = tpu.vector_load %arg9[%swap3A_246, %swap3A_247] {strides = array<i32>} : memref<64x128xf32, #tpu.memory_space<vmem>>, vector<1x16xf32>,
          %swap3A_249 = vector.shape_cast %swap3A_248 : vector<1x16xf32> to vector<16xf32>
          %swap3A_250 = vector.shape_cast %mul3A_245 : vector<16xf32> to vector<1x16xf32>
          tpu.vector_store %arg9[%swap3A_246, %swap3A_247], %swap3A_250 {strides = array<i32>} : memref<64x128xf32, #tpu.memory_space<vmem>>, vector<1x16xf32>,
          %get3A_251 = arith.index_cast %while3A_154 : i32 to index
          %get3A_252 = arith.constant 112 : index
          %get3A_253 = tpu.vector_load %arg9[%get3A_251, %get3A_252] {strides = array<i32>} : memref<64x128xf32, #tpu.memory_space<vmem>>, vector<1x16xf32>,
          %get3A_254 = vector.shape_cast %get3A_253 : vector<1x16xf32> to vector<16xf32>
          %get3A_255 = arith.index_cast %while3A_154 : i32 to index
          %get3A_256 = arith.constant 112 : index
          %get3A_257 = tpu.vector_load %arg10[%get3A_255, %get3A_256] {strides = array<i32>} : memref<64x128xf32, #tpu.memory_space<vmem>>, vector<1x16xf32>,
          %get3A_258 = vector.shape_cast %get3A_257 : vector<1x16xf32> to vector<16xf32>
          %mul3A_259 = arith.mulf %get3A_254, %get3A_258 : vector<16xf32>
          %swap3A_260 = arith.index_cast %while3A_154 : i32 to index
          %swap3A_261 = arith.constant 112 : index
          %swap3A_262 = tpu.vector_load %arg9[%swap3A_260, %swap3A_261] {strides = array<i32>} : memref<64x128xf32, #tpu.memory_space<vmem>>, vector<1x16xf32>,
          %swap3A_263 = vector.shape_cast %swap3A_262 : vector<1x16xf32> to vector<16xf32>
          %swap3A_264 = vector.shape_cast %mul3A_259 : vector<16xf32> to vector<1x16xf32>
          tpu.vector_store %arg9[%swap3A_260, %swap3A_261], %swap3A_264 {strides = array<i32>} : memref<64x128xf32, #tpu.memory_space<vmem>>, vector<1x16xf32>,
        }
        "tpu.region"() ({
          %run_scoped3A = tpu.sem_alloc : memref<!tpu.dma_semaphore, #tpu.memory_space<semaphore_mem>>
          %dma_start3A_154 = arith.constant 0 : i32
          %dma_start3A_155 = tpu.memref_slice %arg8[%while3A_126, %dma_start3A_154] : memref<8x64xi32, #tpu.memory_space<vmem>> -> memref<1x64xi32, #tpu.memory_space<vmem>>
          %dma_start3A_156 = tpu.memref_squeeze %dma_start3A_155 : memref<1x64xi32, #tpu.memory_space<vmem>> -> memref<64xi32, #tpu.memory_space<vmem>>
          %dma_start3A_157 = arith.constant 0 : i32
          %dma_start3A_158 = arith.constant 0 : i32
          %dma_start3A_159 = tpu.memref_slice %arg12[%dma_start3A_157, %dma_start3A_158] : memref<10240x128xf32, #tpu.memory_space<vmem_shared>> -> memref<10240x128xf32, #tpu.memory_space<vmem_shared>>
          tpu.enqueue_indirect_dma source(%arg9 : memref<64x128xf32, #tpu.memory_space<vmem>>) target(%dma_start3A_159 : memref<10240x128xf32, #tpu.memory_space<vmem_shared>>) offsets(%dma_start3A_156 : memref<64xi32, #tpu.memory_space<vmem>>) semaphore(%run_scoped3A : memref<!tpu.dma_semaphore, #tpu.memory_space<semaphore_mem>>) {add = true}
          %dma_wait3A_160 = arith.constant 0 : i32
          %dma_wait3A_161 = tpu.memref_slice %arg8[%while3A_126, %dma_wait3A_160] : memref<8x64xi32, #tpu.memory_space<vmem>> -> memref<1x64xi32, #tpu.memory_space<vmem>>
          %dma_wait3A_162 = tpu.memref_squeeze %dma_wait3A_161 : memref<1x64xi32, #tpu.memory_space<vmem>> -> memref<64xi32, #tpu.memory_space<vmem>>
          %dma_wait3A_163 = arith.constant 0 : i32
          %dma_wait3A_164 = arith.constant 0 : i32
          %dma_wait3A_165 = tpu.memref_slice %arg12[%dma_wait3A_163, %dma_wait3A_164] : memref<10240x128xf32, #tpu.memory_space<vmem_shared>> -> memref<10240x128xf32, #tpu.memory_space<vmem_shared>>
          tpu.wait_indirect_dma semaphore(%run_scoped3A : memref<!tpu.dma_semaphore, #tpu.memory_space<semaphore_mem>>) src(%arg9 : memref<64x128xf32, #tpu.memory_space<vmem>>) dst(%dma_wait3A_165 : memref<10240x128xf32, #tpu.memory_space<vmem_shared>>)
          tpu.yield
        }) : () -> ()
      }
      %while3A_125 = arith.constant 1 : i32
      scf.for %while3A_126 = %while3A_123 to %while3A_119 step %while3A_125  : i32 {
        %dma_start3A = arith.constant 0 : i32
        %dma_start3A_127 = tpu.memref_slice %arg7[%while3A_126, %dma_start3A] : memref<8x64xi32, #tpu.memory_space<vmem>> -> memref<1x64xi32, #tpu.memory_space<vmem>>
        %dma_start3A_128 = tpu.memref_squeeze %dma_start3A_127 : memref<1x64xi32, #tpu.memory_space<vmem>> -> memref<64xi32, #tpu.memory_space<vmem>>
        %dma_start3A_129 = arith.constant 0 : i32
        %dma_start3A_130 = arith.constant 0 : i32
        %dma_start3A_131 = tpu.memref_slice %arg2[%dma_start3A_129, %dma_start3A_130] : memref<10000x128xf32, #tpu.memory_space<hbm>> -> memref<10000x128xf32, #tpu.memory_space<hbm>>
        tpu.enqueue_indirect_dma source(%dma_start3A_131 : memref<10000x128xf32, #tpu.memory_space<hbm>>) target(%arg9 : memref<64x128xf32, #tpu.memory_space<vmem>>) offsets(%dma_start3A_128 : memref<64xi32, #tpu.memory_space<vmem>>) semaphore(%arg13 : memref<!tpu.dma_semaphore, #tpu.memory_space<semaphore_mem>>)
        %dma_wait3A = arith.constant 0 : i32
        %dma_wait3A_132 = tpu.memref_slice %arg7[%while3A_126, %dma_wait3A] : memref<8x64xi32, #tpu.memory_space<vmem>> -> memref<1x64xi32, #tpu.memory_space<vmem>>
        %dma_wait3A_133 = tpu.memref_squeeze %dma_wait3A_132 : memref<1x64xi32, #tpu.memory_space<vmem>> -> memref<64xi32, #tpu.memory_space<vmem>>
        %dma_wait3A_134 = arith.constant 0 : i32
        %dma_wait3A_135 = arith.constant 0 : i32
        %dma_wait3A_136 = tpu.memref_slice %arg2[%dma_wait3A_134, %dma_wait3A_135] : memref<10000x128xf32, #tpu.memory_space<hbm>> -> memref<10000x128xf32, #tpu.memory_space<hbm>>
        tpu.wait_indirect_dma semaphore(%arg13 : memref<!tpu.dma_semaphore, #tpu.memory_space<semaphore_mem>>) src(%dma_wait3A_136 : memref<10000x128xf32, #tpu.memory_space<hbm>>) dst(%arg9 : memref<64x128xf32, #tpu.memory_space<vmem>>)
        %mul3A_137 = arith.constant 8 : i32
        %mul3A_138 = arith.muli %while3A_110, %mul3A_137 : i32
        %add3A_139 = arith.addi %mul3A_138, %while3A_126 : i32
        %mul3A_140 = arith.constant 64 : i32
        %mul3A_141 = arith.muli %add3A_139, %mul3A_140 : i32
        %add3A_142 = arith.addi %mul3A_93, %mul3A_141 : i32
        "tpu.region"() ({
          %run_scoped3A = tpu.sem_alloc : memref<!tpu.dma_semaphore, #tpu.memory_space<semaphore_mem>>
          %dma_start3A_154 = arith.constant 0 : i32
          %dma_start3A_155 = tpu.memref_slice %arg3[%add3A_142, %dma_start3A_154] : memref<327680x128xf32, #tpu.memory_space<hbm>> -> memref<64x128xf32, #tpu.memory_space<hbm>>
          %dma_start3A_156 = arith.constant 0 : i32
          %dma_start3A_157 = tpu.memref_slice %arg3[%add3A_142, %dma_start3A_156] : memref<327680x128xf32, #tpu.memory_space<hbm>> -> memref<64x128xf32, #tpu.memory_space<hbm>>
          tpu.enqueue_dma source(%dma_start3A_157 : memref<64x128xf32, #tpu.memory_space<hbm>>) target(%arg10 : memref<64x128xf32, #tpu.memory_space<vmem>>) target_semaphore(%run_scoped3A : memref<!tpu.dma_semaphore, #tpu.memory_space<semaphore_mem>>)
          %dma_wait3A_158 = arith.constant 0 : i32
          %dma_wait3A_159 = tpu.memref_slice %arg3[%add3A_142, %dma_wait3A_158] : memref<327680x128xf32, #tpu.memory_space<hbm>> -> memref<64x128xf32, #tpu.memory_space<hbm>>
          %dma_wait3A_160 = arith.constant 0 : i32
          %dma_wait3A_161 = tpu.memref_slice %arg3[%add3A_142, %dma_wait3A_160] : memref<327680x128xf32, #tpu.memory_space<hbm>> -> memref<64x128xf32, #tpu.memory_space<hbm>>
          tpu.wait_dma2 semaphore(%run_scoped3A : memref<!tpu.dma_semaphore, #tpu.memory_space<semaphore_mem>>) src(%dma_wait3A_161 : memref<64x128xf32, #tpu.memory_space<hbm>>) dst(%arg10 : memref<64x128xf32, #tpu.memory_space<vmem>>)
          tpu.yield
        }) : () -> ()
        %while3A_143 = arith.constant 0 : i32
        %while3A_144 = arith.constant 0 : i32
        %while3A_145 = arith.constant 64 : i32
        %while3A_146 = arith.subi %while3A_145, %while3A_144 : i32
        %while3A_147 = arith.addi %while3A_144, %while3A_146 : i32
        %while3A_148 = arith.constant 1 : i32
        %while3A_149 = arith.divsi %while3A_146, %while3A_148 : i32
        %while3A_150 = arith.muli %while3A_149, %while3A_148 : i32
        %while3A_151 = arith.addi %while3A_144, %while3A_150 : i32
        %while3A_152 = arith.constant 1 : i32
        scf.for %while3A_154 = %while3A_144 to %while3A_151 step %while3A_152  : i32 {
          %get3A = arith.index_cast %while3A_154 : i32 to index
          %get3A_155 = arith.constant 0 : index
          %get3A_156 = tpu.vector_load %arg9[%get3A, %get3A_155] {strides = array<i32>} : memref<64x128xf32, #tpu.memory_space<vmem>>, vector<1x16xf32>,
          %get3A_157 = vector.shape_cast %get3A_156 : vector<1x16xf32> to vector<16xf32>
          %get3A_158 = arith.index_cast %while3A_154 : i32 to index
          %get3A_159 = arith.constant 0 : index
          %get3A_160 = tpu.vector_load %arg10[%get3A_158, %get3A_159] {strides = array<i32>} : memref<64x128xf32, #tpu.memory_space<vmem>>, vector<1x16xf32>,
          %get3A_161 = vector.shape_cast %get3A_160 : vector<1x16xf32> to vector<16xf32>
          %mul3A_162 = arith.mulf %get3A_157, %get3A_161 : vector<16xf32>
          %swap3A = arith.index_cast %while3A_154 : i32 to index
          %swap3A_163 = arith.constant 0 : index
          %swap3A_164 = tpu.vector_load %arg9[%swap3A, %swap3A_163] {strides = array<i32>} : memref<64x128xf32, #tpu.memory_space<vmem>>, vector<1x16xf32>,
          %swap3A_165 = vector.shape_cast %swap3A_164 : vector<1x16xf32> to vector<16xf32>
          %swap3A_166 = vector.shape_cast %mul3A_162 : vector<16xf32> to vector<1x16xf32>
          tpu.vector_store %arg9[%swap3A, %swap3A_163], %swap3A_166 {strides = array<i32>} : memref<64x128xf32, #tpu.memory_space<vmem>>, vector<1x16xf32>,
          %get3A_167 = arith.index_cast %while3A_154 : i32 to index
          %get3A_168 = arith.constant 16 : index
          %get3A_169 = tpu.vector_load %arg9[%get3A_167, %get3A_168] {strides = array<i32>} : memref<64x128xf32, #tpu.memory_space<vmem>>, vector<1x16xf32>,
          %get3A_170 = vector.shape_cast %get3A_169 : vector<1x16xf32> to vector<16xf32>
          %get3A_171 = arith.index_cast %while3A_154 : i32 to index
          %get3A_172 = arith.constant 16 : index
          %get3A_173 = tpu.vector_load %arg10[%get3A_171, %get3A_172] {strides = array<i32>} : memref<64x128xf32, #tpu.memory_space<vmem>>, vector<1x16xf32>,
          %get3A_174 = vector.shape_cast %get3A_173 : vector<1x16xf32> to vector<16xf32>
          %mul3A_175 = arith.mulf %get3A_170, %get3A_174 : vector<16xf32>
          %swap3A_176 = arith.index_cast %while3A_154 : i32 to index
          %swap3A_177 = arith.constant 16 : index
          %swap3A_178 = tpu.vector_load %arg9[%swap3A_176, %swap3A_177] {strides = array<i32>} : memref<64x128xf32, #tpu.memory_space<vmem>>, vector<1x16xf32>,
          %swap3A_179 = vector.shape_cast %swap3A_178 : vector<1x16xf32> to vector<16xf32>
          %swap3A_180 = vector.shape_cast %mul3A_175 : vector<16xf32> to vector<1x16xf32>
          tpu.vector_store %arg9[%swap3A_176, %swap3A_177], %swap3A_180 {strides = array<i32>} : memref<64x128xf32, #tpu.memory_space<vmem>>, vector<1x16xf32>,
          %get3A_181 = arith.index_cast %while3A_154 : i32 to index
          %get3A_182 = arith.constant 32 : index
          %get3A_183 = tpu.vector_load %arg9[%get3A_181, %get3A_182] {strides = array<i32>} : memref<64x128xf32, #tpu.memory_space<vmem>>, vector<1x16xf32>,
          %get3A_184 = vector.shape_cast %get3A_183 : vector<1x16xf32> to vector<16xf32>
          %get3A_185 = arith.index_cast %while3A_154 : i32 to index
          %get3A_186 = arith.constant 32 : index
          %get3A_187 = tpu.vector_load %arg10[%get3A_185, %get3A_186] {strides = array<i32>} : memref<64x128xf32, #tpu.memory_space<vmem>>, vector<1x16xf32>,
          %get3A_188 = vector.shape_cast %get3A_187 : vector<1x16xf32> to vector<16xf32>
          %mul3A_189 = arith.mulf %get3A_184, %get3A_188 : vector<16xf32>
          %swap3A_190 = arith.index_cast %while3A_154 : i32 to index
          %swap3A_191 = arith.constant 32 : index
          %swap3A_192 = tpu.vector_load %arg9[%swap3A_190, %swap3A_191] {strides = array<i32>} : memref<64x128xf32, #tpu.memory_space<vmem>>, vector<1x16xf32>,
          %swap3A_193 = vector.shape_cast %swap3A_192 : vector<1x16xf32> to vector<16xf32>
          %swap3A_194 = vector.shape_cast %mul3A_189 : vector<16xf32> to vector<1x16xf32>
          tpu.vector_store %arg9[%swap3A_190, %swap3A_191], %swap3A_194 {strides = array<i32>} : memref<64x128xf32, #tpu.memory_space<vmem>>, vector<1x16xf32>,
          %get3A_195 = arith.index_cast %while3A_154 : i32 to index
          %get3A_196 = arith.constant 48 : index
          %get3A_197 = tpu.vector_load %arg9[%get3A_195, %get3A_196] {strides = array<i32>} : memref<64x128xf32, #tpu.memory_space<vmem>>, vector<1x16xf32>,
          %get3A_198 = vector.shape_cast %get3A_197 : vector<1x16xf32> to vector<16xf32>
          %get3A_199 = arith.index_cast %while3A_154 : i32 to index
          %get3A_200 = arith.constant 48 : index
          %get3A_201 = tpu.vector_load %arg10[%get3A_199, %get3A_200] {strides = array<i32>} : memref<64x128xf32, #tpu.memory_space<vmem>>, vector<1x16xf32>,
          %get3A_202 = vector.shape_cast %get3A_201 : vector<1x16xf32> to vector<16xf32>
          %mul3A_203 = arith.mulf %get3A_198, %get3A_202 : vector<16xf32>
          %swap3A_204 = arith.index_cast %while3A_154 : i32 to index
          %swap3A_205 = arith.constant 48 : index
          %swap3A_206 = tpu.vector_load %arg9[%swap3A_204, %swap3A_205] {strides = array<i32>} : memref<64x128xf32, #tpu.memory_space<vmem>>, vector<1x16xf32>,
          %swap3A_207 = vector.shape_cast %swap3A_206 : vector<1x16xf32> to vector<16xf32>
          %swap3A_208 = vector.shape_cast %mul3A_203 : vector<16xf32> to vector<1x16xf32>
          tpu.vector_store %arg9[%swap3A_204, %swap3A_205], %swap3A_208 {strides = array<i32>} : memref<64x128xf32, #tpu.memory_space<vmem>>, vector<1x16xf32>,
          %get3A_209 = arith.index_cast %while3A_154 : i32 to index
          %get3A_210 = arith.constant 64 : index
          %get3A_211 = tpu.vector_load %arg9[%get3A_209, %get3A_210] {strides = array<i32>} : memref<64x128xf32, #tpu.memory_space<vmem>>, vector<1x16xf32>,
          %get3A_212 = vector.shape_cast %get3A_211 : vector<1x16xf32> to vector<16xf32>
          %get3A_213 = arith.index_cast %while3A_154 : i32 to index
          %get3A_214 = arith.constant 64 : index
          %get3A_215 = tpu.vector_load %arg10[%get3A_213, %get3A_214] {strides = array<i32>} : memref<64x128xf32, #tpu.memory_space<vmem>>, vector<1x16xf32>,
          %get3A_216 = vector.shape_cast %get3A_215 : vector<1x16xf32> to vector<16xf32>
          %mul3A_217 = arith.mulf %get3A_212, %get3A_216 : vector<16xf32>
          %swap3A_218 = arith.index_cast %while3A_154 : i32 to index
          %swap3A_219 = arith.constant 64 : index
          %swap3A_220 = tpu.vector_load %arg9[%swap3A_218, %swap3A_219] {strides = array<i32>} : memref<64x128xf32, #tpu.memory_space<vmem>>, vector<1x16xf32>,
          %swap3A_221 = vector.shape_cast %swap3A_220 : vector<1x16xf32> to vector<16xf32>
          %swap3A_222 = vector.shape_cast %mul3A_217 : vector<16xf32> to vector<1x16xf32>
          tpu.vector_store %arg9[%swap3A_218, %swap3A_219], %swap3A_222 {strides = array<i32>} : memref<64x128xf32, #tpu.memory_space<vmem>>, vector<1x16xf32>,
          %get3A_223 = arith.index_cast %while3A_154 : i32 to index
          %get3A_224 = arith.constant 80 : index
          %get3A_225 = tpu.vector_load %arg9[%get3A_223, %get3A_224] {strides = array<i32>} : memref<64x128xf32, #tpu.memory_space<vmem>>, vector<1x16xf32>,
          %get3A_226 = vector.shape_cast %get3A_225 : vector<1x16xf32> to vector<16xf32>
          %get3A_227 = arith.index_cast %while3A_154 : i32 to index
          %get3A_228 = arith.constant 80 : index
          %get3A_229 = tpu.vector_load %arg10[%get3A_227, %get3A_228] {strides = array<i32>} : memref<64x128xf32, #tpu.memory_space<vmem>>, vector<1x16xf32>,
          %get3A_230 = vector.shape_cast %get3A_229 : vector<1x16xf32> to vector<16xf32>
          %mul3A_231 = arith.mulf %get3A_226, %get3A_230 : vector<16xf32>
          %swap3A_232 = arith.index_cast %while3A_154 : i32 to index
          %swap3A_233 = arith.constant 80 : index
          %swap3A_234 = tpu.vector_load %arg9[%swap3A_232, %swap3A_233] {strides = array<i32>} : memref<64x128xf32, #tpu.memory_space<vmem>>, vector<1x16xf32>,
          %swap3A_235 = vector.shape_cast %swap3A_234 : vector<1x16xf32> to vector<16xf32>
          %swap3A_236 = vector.shape_cast %mul3A_231 : vector<16xf32> to vector<1x16xf32>
          tpu.vector_store %arg9[%swap3A_232, %swap3A_233], %swap3A_236 {strides = array<i32>} : memref<64x128xf32, #tpu.memory_space<vmem>>, vector<1x16xf32>,
          %get3A_237 = arith.index_cast %while3A_154 : i32 to index
          %get3A_238 = arith.constant 96 : index
          %get3A_239 = tpu.vector_load %arg9[%get3A_237, %get3A_238] {strides = array<i32>} : memref<64x128xf32, #tpu.memory_space<vmem>>, vector<1x16xf32>,
          %get3A_240 = vector.shape_cast %get3A_239 : vector<1x16xf32> to vector<16xf32>
          %get3A_241 = arith.index_cast %while3A_154 : i32 to index
          %get3A_242 = arith.constant 96 : index
          %get3A_243 = tpu.vector_load %arg10[%get3A_241, %get3A_242] {strides = array<i32>} : memref<64x128xf32, #tpu.memory_space<vmem>>, vector<1x16xf32>,
          %get3A_244 = vector.shape_cast %get3A_243 : vector<1x16xf32> to vector<16xf32>
          %mul3A_245 = arith.mulf %get3A_240, %get3A_244 : vector<16xf32>
          %swap3A_246 = arith.index_cast %while3A_154 : i32 to index
          %swap3A_247 = arith.constant 96 : index
          %swap3A_248 = tpu.vector_load %arg9[%swap3A_246, %swap3A_247] {strides = array<i32>} : memref<64x128xf32, #tpu.memory_space<vmem>>, vector<1x16xf32>,
          %swap3A_249 = vector.shape_cast %swap3A_248 : vector<1x16xf32> to vector<16xf32>
          %swap3A_250 = vector.shape_cast %mul3A_245 : vector<16xf32> to vector<1x16xf32>
          tpu.vector_store %arg9[%swap3A_246, %swap3A_247], %swap3A_250 {strides = array<i32>} : memref<64x128xf32, #tpu.memory_space<vmem>>, vector<1x16xf32>,
          %get3A_251 = arith.index_cast %while3A_154 : i32 to index
          %get3A_252 = arith.constant 112 : index
          %get3A_253 = tpu.vector_load %arg9[%get3A_251, %get3A_252] {strides = array<i32>} : memref<64x128xf32, #tpu.memory_space<vmem>>, vector<1x16xf32>,
          %get3A_254 = vector.shape_cast %get3A_253 : vector<1x16xf32> to vector<16xf32>
          %get3A_255 = arith.index_cast %while3A_154 : i32 to index
          %get3A_256 = arith.constant 112 : index
          %get3A_257 = tpu.vector_load %arg10[%get3A_255, %get3A_256] {strides = array<i32>} : memref<64x128xf32, #tpu.memory_space<vmem>>, vector<1x16xf32>,
          %get3A_258 = vector.shape_cast %get3A_257 : vector<1x16xf32> to vector<16xf32>
          %mul3A_259 = arith.mulf %get3A_254, %get3A_258 : vector<16xf32>
          %swap3A_260 = arith.index_cast %while3A_154 : i32 to index
          %swap3A_261 = arith.constant 112 : index
          %swap3A_262 = tpu.vector_load %arg9[%swap3A_260, %swap3A_261] {strides = array<i32>} : memref<64x128xf32, #tpu.memory_space<vmem>>, vector<1x16xf32>,
          %swap3A_263 = vector.shape_cast %swap3A_262 : vector<1x16xf32> to vector<16xf32>
          %swap3A_264 = vector.shape_cast %mul3A_259 : vector<16xf32> to vector<1x16xf32>
          tpu.vector_store %arg9[%swap3A_260, %swap3A_261], %swap3A_264 {strides = array<i32>} : memref<64x128xf32, #tpu.memory_space<vmem>>, vector<1x16xf32>,
        }
        %while3A_153 = arith.constant 1 : i32
        scf.for %while3A_154 = %while3A_151 to %while3A_147 step %while3A_153  : i32 {
          %get3A = arith.index_cast %while3A_154 : i32 to index
          %get3A_155 = arith.constant 0 : index
          %get3A_156 = tpu.vector_load %arg9[%get3A, %get3A_155] {strides = array<i32>} : memref<64x128xf32, #tpu.memory_space<vmem>>, vector<1x16xf32>,
          %get3A_157 = vector.shape_cast %get3A_156 : vector<1x16xf32> to vector<16xf32>
          %get3A_158 = arith.index_cast %while3A_154 : i32 to index
          %get3A_159 = arith.constant 0 : index
          %get3A_160 = tpu.vector_load %arg10[%get3A_158, %get3A_159] {strides = array<i32>} : memref<64x128xf32, #tpu.memory_space<vmem>>, vector<1x16xf32>,
          %get3A_161 = vector.shape_cast %get3A_160 : vector<1x16xf32> to vector<16xf32>
          %mul3A_162 = arith.mulf %get3A_157, %get3A_161 : vector<16xf32>
          %swap3A = arith.index_cast %while3A_154 : i32 to index
          %swap3A_163 = arith.constant 0 : index
          %swap3A_164 = tpu.vector_load %arg9[%swap3A, %swap3A_163] {strides = array<i32>} : memref<64x128xf32, #tpu.memory_space<vmem>>, vector<1x16xf32>,
          %swap3A_165 = vector.shape_cast %swap3A_164 : vector<1x16xf32> to vector<16xf32>
          %swap3A_166 = vector.shape_cast %mul3A_162 : vector<16xf32> to vector<1x16xf32>
          tpu.vector_store %arg9[%swap3A, %swap3A_163], %swap3A_166 {strides = array<i32>} : memref<64x128xf32, #tpu.memory_space<vmem>>, vector<1x16xf32>,
          %get3A_167 = arith.index_cast %while3A_154 : i32 to index
          %get3A_168 = arith.constant 16 : index
          %get3A_169 = tpu.vector_load %arg9[%get3A_167, %get3A_168] {strides = array<i32>} : memref<64x128xf32, #tpu.memory_space<vmem>>, vector<1x16xf32>,
          %get3A_170 = vector.shape_cast %get3A_169 : vector<1x16xf32> to vector<16xf32>
          %get3A_171 = arith.index_cast %while3A_154 : i32 to index
          %get3A_172 = arith.constant 16 : index
          %get3A_173 = tpu.vector_load %arg10[%get3A_171, %get3A_172] {strides = array<i32>} : memref<64x128xf32, #tpu.memory_space<vmem>>, vector<1x16xf32>,
          %get3A_174 = vector.shape_cast %get3A_173 : vector<1x16xf32> to vector<16xf32>
          %mul3A_175 = arith.mulf %get3A_170, %get3A_174 : vector<16xf32>
          %swap3A_176 = arith.index_cast %while3A_154 : i32 to index
          %swap3A_177 = arith.constant 16 : index
          %swap3A_178 = tpu.vector_load %arg9[%swap3A_176, %swap3A_177] {strides = array<i32>} : memref<64x128xf32, #tpu.memory_space<vmem>>, vector<1x16xf32>,
          %swap3A_179 = vector.shape_cast %swap3A_178 : vector<1x16xf32> to vector<16xf32>
          %swap3A_180 = vector.shape_cast %mul3A_175 : vector<16xf32> to vector<1x16xf32>
          tpu.vector_store %arg9[%swap3A_176, %swap3A_177], %swap3A_180 {strides = array<i32>} : memref<64x128xf32, #tpu.memory_space<vmem>>, vector<1x16xf32>,
          %get3A_181 = arith.index_cast %while3A_154 : i32 to index
          %get3A_182 = arith.constant 32 : index
          %get3A_183 = tpu.vector_load %arg9[%get3A_181, %get3A_182] {strides = array<i32>} : memref<64x128xf32, #tpu.memory_space<vmem>>, vector<1x16xf32>,
          %get3A_184 = vector.shape_cast %get3A_183 : vector<1x16xf32> to vector<16xf32>
          %get3A_185 = arith.index_cast %while3A_154 : i32 to index
          %get3A_186 = arith.constant 32 : index
          %get3A_187 = tpu.vector_load %arg10[%get3A_185, %get3A_186] {strides = array<i32>} : memref<64x128xf32, #tpu.memory_space<vmem>>, vector<1x16xf32>,
          %get3A_188 = vector.shape_cast %get3A_187 : vector<1x16xf32> to vector<16xf32>
          %mul3A_189 = arith.mulf %get3A_184, %get3A_188 : vector<16xf32>
          %swap3A_190 = arith.index_cast %while3A_154 : i32 to index
          %swap3A_191 = arith.constant 32 : index
          %swap3A_192 = tpu.vector_load %arg9[%swap3A_190, %swap3A_191] {strides = array<i32>} : memref<64x128xf32, #tpu.memory_space<vmem>>, vector<1x16xf32>,
          %swap3A_193 = vector.shape_cast %swap3A_192 : vector<1x16xf32> to vector<16xf32>
          %swap3A_194 = vector.shape_cast %mul3A_189 : vector<16xf32> to vector<1x16xf32>
          tpu.vector_store %arg9[%swap3A_190, %swap3A_191], %swap3A_194 {strides = array<i32>} : memref<64x128xf32, #tpu.memory_space<vmem>>, vector<1x16xf32>,
          %get3A_195 = arith.index_cast %while3A_154 : i32 to index
          %get3A_196 = arith.constant 48 : index
          %get3A_197 = tpu.vector_load %arg9[%get3A_195, %get3A_196] {strides = array<i32>} : memref<64x128xf32, #tpu.memory_space<vmem>>, vector<1x16xf32>,
          %get3A_198 = vector.shape_cast %get3A_197 : vector<1x16xf32> to vector<16xf32>
          %get3A_199 = arith.index_cast %while3A_154 : i32 to index
          %get3A_200 = arith.constant 48 : index
          %get3A_201 = tpu.vector_load %arg10[%get3A_199, %get3A_200] {strides = array<i32>} : memref<64x128xf32, #tpu.memory_space<vmem>>, vector<1x16xf32>,
          %get3A_202 = vector.shape_cast %get3A_201 : vector<1x16xf32> to vector<16xf32>
          %mul3A_203 = arith.mulf %get3A_198, %get3A_202 : vector<16xf32>
          %swap3A_204 = arith.index_cast %while3A_154 : i32 to index
          %swap3A_205 = arith.constant 48 : index
          %swap3A_206 = tpu.vector_load %arg9[%swap3A_204, %swap3A_205] {strides = array<i32>} : memref<64x128xf32, #tpu.memory_space<vmem>>, vector<1x16xf32>,
          %swap3A_207 = vector.shape_cast %swap3A_206 : vector<1x16xf32> to vector<16xf32>
          %swap3A_208 = vector.shape_cast %mul3A_203 : vector<16xf32> to vector<1x16xf32>
          tpu.vector_store %arg9[%swap3A_204, %swap3A_205], %swap3A_208 {strides = array<i32>} : memref<64x128xf32, #tpu.memory_space<vmem>>, vector<1x16xf32>,
          %get3A_209 = arith.index_cast %while3A_154 : i32 to index
          %get3A_210 = arith.constant 64 : index
          %get3A_211 = tpu.vector_load %arg9[%get3A_209, %get3A_210] {strides = array<i32>} : memref<64x128xf32, #tpu.memory_space<vmem>>, vector<1x16xf32>,
          %get3A_212 = vector.shape_cast %get3A_211 : vector<1x16xf32> to vector<16xf32>
          %get3A_213 = arith.index_cast %while3A_154 : i32 to index
          %get3A_214 = arith.constant 64 : index
          %get3A_215 = tpu.vector_load %arg10[%get3A_213, %get3A_214] {strides = array<i32>} : memref<64x128xf32, #tpu.memory_space<vmem>>, vector<1x16xf32>,
          %get3A_216 = vector.shape_cast %get3A_215 : vector<1x16xf32> to vector<16xf32>
          %mul3A_217 = arith.mulf %get3A_212, %get3A_216 : vector<16xf32>
          %swap3A_218 = arith.index_cast %while3A_154 : i32 to index
          %swap3A_219 = arith.constant 64 : index
          %swap3A_220 = tpu.vector_load %arg9[%swap3A_218, %swap3A_219] {strides = array<i32>} : memref<64x128xf32, #tpu.memory_space<vmem>>, vector<1x16xf32>,
          %swap3A_221 = vector.shape_cast %swap3A_220 : vector<1x16xf32> to vector<16xf32>
          %swap3A_222 = vector.shape_cast %mul3A_217 : vector<16xf32> to vector<1x16xf32>
          tpu.vector_store %arg9[%swap3A_218, %swap3A_219], %swap3A_222 {strides = array<i32>} : memref<64x128xf32, #tpu.memory_space<vmem>>, vector<1x16xf32>,
          %get3A_223 = arith.index_cast %while3A_154 : i32 to index
          %get3A_224 = arith.constant 80 : index
          %get3A_225 = tpu.vector_load %arg9[%get3A_223, %get3A_224] {strides = array<i32>} : memref<64x128xf32, #tpu.memory_space<vmem>>, vector<1x16xf32>,
          %get3A_226 = vector.shape_cast %get3A_225 : vector<1x16xf32> to vector<16xf32>
          %get3A_227 = arith.index_cast %while3A_154 : i32 to index
          %get3A_228 = arith.constant 80 : index
          %get3A_229 = tpu.vector_load %arg10[%get3A_227, %get3A_228] {strides = array<i32>} : memref<64x128xf32, #tpu.memory_space<vmem>>, vector<1x16xf32>,
          %get3A_230 = vector.shape_cast %get3A_229 : vector<1x16xf32> to vector<16xf32>
          %mul3A_231 = arith.mulf %get3A_226, %get3A_230 : vector<16xf32>
          %swap3A_232 = arith.index_cast %while3A_154 : i32 to index
          %swap3A_233 = arith.constant 80 : index
          %swap3A_234 = tpu.vector_load %arg9[%swap3A_232, %swap3A_233] {strides = array<i32>} : memref<64x128xf32, #tpu.memory_space<vmem>>, vector<1x16xf32>,
          %swap3A_235 = vector.shape_cast %swap3A_234 : vector<1x16xf32> to vector<16xf32>
          %swap3A_236 = vector.shape_cast %mul3A_231 : vector<16xf32> to vector<1x16xf32>
          tpu.vector_store %arg9[%swap3A_232, %swap3A_233], %swap3A_236 {strides = array<i32>} : memref<64x128xf32, #tpu.memory_space<vmem>>, vector<1x16xf32>,
          %get3A_237 = arith.index_cast %while3A_154 : i32 to index
          %get3A_238 = arith.constant 96 : index
          %get3A_239 = tpu.vector_load %arg9[%get3A_237, %get3A_238] {strides = array<i32>} : memref<64x128xf32, #tpu.memory_space<vmem>>, vector<1x16xf32>,
          %get3A_240 = vector.shape_cast %get3A_239 : vector<1x16xf32> to vector<16xf32>
          %get3A_241 = arith.index_cast %while3A_154 : i32 to index
          %get3A_242 = arith.constant 96 : index
          %get3A_243 = tpu.vector_load %arg10[%get3A_241, %get3A_242] {strides = array<i32>} : memref<64x128xf32, #tpu.memory_space<vmem>>, vector<1x16xf32>,
          %get3A_244 = vector.shape_cast %get3A_243 : vector<1x16xf32> to vector<16xf32>
          %mul3A_245 = arith.mulf %get3A_240, %get3A_244 : vector<16xf32>
          %swap3A_246 = arith.index_cast %while3A_154 : i32 to index
          %swap3A_247 = arith.constant 96 : index
          %swap3A_248 = tpu.vector_load %arg9[%swap3A_246, %swap3A_247] {strides = array<i32>} : memref<64x128xf32, #tpu.memory_space<vmem>>, vector<1x16xf32>,
          %swap3A_249 = vector.shape_cast %swap3A_248 : vector<1x16xf32> to vector<16xf32>
          %swap3A_250 = vector.shape_cast %mul3A_245 : vector<16xf32> to vector<1x16xf32>
          tpu.vector_store %arg9[%swap3A_246, %swap3A_247], %swap3A_250 {strides = array<i32>} : memref<64x128xf32, #tpu.memory_space<vmem>>, vector<1x16xf32>,
          %get3A_251 = arith.index_cast %while3A_154 : i32 to index
          %get3A_252 = arith.constant 112 : index
          %get3A_253 = tpu.vector_load %arg9[%get3A_251, %get3A_252] {strides = array<i32>} : memref<64x128xf32, #tpu.memory_space<vmem>>, vector<1x16xf32>,
          %get3A_254 = vector.shape_cast %get3A_253 : vector<1x16xf32> to vector<16xf32>
          %get3A_255 = arith.index_cast %while3A_154 : i32 to index
          %get3A_256 = arith.constant 112 : index
          %get3A_257 = tpu.vector_load %arg10[%get3A_255, %get3A_256] {strides = array<i32>} : memref<64x128xf32, #tpu.memory_space<vmem>>, vector<1x16xf32>,
          %get3A_258 = vector.shape_cast %get3A_257 : vector<1x16xf32> to vector<16xf32>
          %mul3A_259 = arith.mulf %get3A_254, %get3A_258 : vector<16xf32>
          %swap3A_260 = arith.index_cast %while3A_154 : i32 to index
          %swap3A_261 = arith.constant 112 : index
          %swap3A_262 = tpu.vector_load %arg9[%swap3A_260, %swap3A_261] {strides = array<i32>} : memref<64x128xf32, #tpu.memory_space<vmem>>, vector<1x16xf32>,
          %swap3A_263 = vector.shape_cast %swap3A_262 : vector<1x16xf32> to vector<16xf32>
          %swap3A_264 = vector.shape_cast %mul3A_259 : vector<16xf32> to vector<1x16xf32>
          tpu.vector_store %arg9[%swap3A_260, %swap3A_261], %swap3A_264 {strides = array<i32>} : memref<64x128xf32, #tpu.memory_space<vmem>>, vector<1x16xf32>,
        }
        "tpu.region"() ({
          %run_scoped3A = tpu.sem_alloc : memref<!tpu.dma_semaphore, #tpu.memory_space<semaphore_mem>>
          %dma_start3A_154 = arith.constant 0 : i32
          %dma_start3A_155 = tpu.memref_slice %arg8[%while3A_126, %dma_start3A_154] : memref<8x64xi32, #tpu.memory_space<vmem>> -> memref<1x64xi32, #tpu.memory_space<vmem>>
          %dma_start3A_156 = tpu.memref_squeeze %dma_start3A_155 : memref<1x64xi32, #tpu.memory_space<vmem>> -> memref<64xi32, #tpu.memory_space<vmem>>
          %dma_start3A_157 = arith.constant 0 : i32
          %dma_start3A_158 = arith.constant 0 : i32
          %dma_start3A_159 = tpu.memref_slice %arg12[%dma_start3A_157, %dma_start3A_158] : memref<10240x128xf32, #tpu.memory_space<vmem_shared>> -> memref<10240x128xf32, #tpu.memory_space<vmem_shared>>
          tpu.enqueue_indirect_dma source(%arg9 : memref<64x128xf32, #tpu.memory_space<vmem>>) target(%dma_start3A_159 : memref<10240x128xf32, #tpu.memory_space<vmem_shared>>) offsets(%dma_start3A_156 : memref<64xi32, #tpu.memory_space<vmem>>) semaphore(%run_scoped3A : memref<!tpu.dma_semaphore, #tpu.memory_space<semaphore_mem>>) {add = true}
          %dma_wait3A_160 = arith.constant 0 : i32
          %dma_wait3A_161 = tpu.memref_slice %arg8[%while3A_126, %dma_wait3A_160] : memref<8x64xi32, #tpu.memory_space<vmem>> -> memref<1x64xi32, #tpu.memory_space<vmem>>
          %dma_wait3A_162 = tpu.memref_squeeze %dma_wait3A_161 : memref<1x64xi32, #tpu.memory_space<vmem>> -> memref<64xi32, #tpu.memory_space<vmem>>
          %dma_wait3A_163 = arith.constant 0 : i32
          %dma_wait3A_164 = arith.constant 0 : i32
          %dma_wait3A_165 = tpu.memref_slice %arg12[%dma_wait3A_163, %dma_wait3A_164] : memref<10240x128xf32, #tpu.memory_space<vmem_shared>> -> memref<10240x128xf32, #tpu.memory_space<vmem_shared>>
          tpu.wait_indirect_dma semaphore(%run_scoped3A : memref<!tpu.dma_semaphore, #tpu.memory_space<semaphore_mem>>) src(%arg9 : memref<64x128xf32, #tpu.memory_space<vmem>>) dst(%dma_wait3A_165 : memref<10240x128xf32, #tpu.memory_space<vmem_shared>>)
          tpu.yield
        }) : () -> ()
      }
    }
    %while3A_104 = arith.constant 1 : i32
    scf.for %while3A_110 = %while3A_102 to %while3A_98 step %while3A_104  : i32 {
      %mul3A_111 = arith.constant 8 : i32
      %mul3A_112 = arith.muli %while3A_110, %mul3A_111 : i32
      "tpu.region"() ({
        %run_scoped3A = tpu.sem_alloc : memref<!tpu.dma_semaphore, #tpu.memory_space<semaphore_mem>>
        %dma_start3A = arith.constant 0 : i32
        %dma_start3A_126 = tpu.memref_slice %arg4[%add3A, %mul3A_112, %dma_start3A] : memref<32x160x64xi32, #tpu.memory_space<hbm>> -> memref<1x8x64xi32, #tpu.memory_space<hbm>>
        %dma_start3A_127 = tpu.memref_squeeze %dma_start3A_126 : memref<1x8x64xi32, #tpu.memory_space<hbm>> -> memref<8x64xi32, #tpu.memory_space<hbm>>
        %dma_start3A_128 = arith.constant 0 : i32
        %dma_start3A_129 = tpu.memref_slice %arg4[%add3A, %mul3A_112, %dma_start3A_128] : memref<32x160x64xi32, #tpu.memory_space<hbm>> -> memref<1x8x64xi32, #tpu.memory_space<hbm>>
        %dma_start3A_130 = tpu.memref_squeeze %dma_start3A_129 : memref<1x8x64xi32, #tpu.memory_space<hbm>> -> memref<8x64xi32, #tpu.memory_space<hbm>>
        tpu.enqueue_dma source(%dma_start3A_130 : memref<8x64xi32, #tpu.memory_space<hbm>>) target(%arg7 : memref<8x64xi32, #tpu.memory_space<vmem>>) target_semaphore(%run_scoped3A : memref<!tpu.dma_semaphore, #tpu.memory_space<semaphore_mem>>)
        %dma_wait3A = arith.constant 0 : i32
        %dma_wait3A_131 = tpu.memref_slice %arg4[%add3A, %mul3A_112, %dma_wait3A] : memref<32x160x64xi32, #tpu.memory_space<hbm>> -> memref<1x8x64xi32, #tpu.memory_space<hbm>>
        %dma_wait3A_132 = tpu.memref_squeeze %dma_wait3A_131 : memref<1x8x64xi32, #tpu.memory_space<hbm>> -> memref<8x64xi32, #tpu.memory_space<hbm>>
        %dma_wait3A_133 = arith.constant 0 : i32
        %dma_wait3A_134 = tpu.memref_slice %arg4[%add3A, %mul3A_112, %dma_wait3A_133] : memref<32x160x64xi32, #tpu.memory_space<hbm>> -> memref<1x8x64xi32, #tpu.memory_space<hbm>>
        %dma_wait3A_135 = tpu.memref_squeeze %dma_wait3A_134 : memref<1x8x64xi32, #tpu.memory_space<hbm>> -> memref<8x64xi32, #tpu.memory_space<hbm>>
        tpu.wait_dma2 semaphore(%run_scoped3A : memref<!tpu.dma_semaphore, #tpu.memory_space<semaphore_mem>>) src(%dma_wait3A_135 : memref<8x64xi32, #tpu.memory_space<hbm>>) dst(%arg7 : memref<8x64xi32, #tpu.memory_space<vmem>>)
        tpu.yield
      }) : () -> ()
      %mul3A_113 = arith.constant 8 : i32
      %mul3A_114 = arith.muli %while3A_110, %mul3A_113 : i32
      "tpu.region"() ({
        %run_scoped3A = tpu.sem_alloc : memref<!tpu.dma_semaphore, #tpu.memory_space<semaphore_mem>>
        %dma_start3A = arith.constant 0 : i32
        %dma_start3A_126 = tpu.memref_slice %arg5[%add3A, %mul3A_114, %dma_start3A] : memref<32x160x64xi32, #tpu.memory_space<hbm>> -> memref<1x8x64xi32, #tpu.memory_space<hbm>>
        %dma_start3A_127 = tpu.memref_squeeze %dma_start3A_126 : memref<1x8x64xi32, #tpu.memory_space<hbm>> -> memref<8x64xi32, #tpu.memory_space<hbm>>
        %dma_start3A_128 = arith.constant 0 : i32
        %dma_start3A_129 = tpu.memref_slice %arg5[%add3A, %mul3A_114, %dma_start3A_128] : memref<32x160x64xi32, #tpu.memory_space<hbm>> -> memref<1x8x64xi32, #tpu.memory_space<hbm>>
        %dma_start3A_130 = tpu.memref_squeeze %dma_start3A_129 : memref<1x8x64xi32, #tpu.memory_space<hbm>> -> memref<8x64xi32, #tpu.memory_space<hbm>>
        tpu.enqueue_dma source(%dma_start3A_130 : memref<8x64xi32, #tpu.memory_space<hbm>>) target(%arg8 : memref<8x64xi32, #tpu.memory_space<vmem>>) target_semaphore(%run_scoped3A : memref<!tpu.dma_semaphore, #tpu.memory_space<semaphore_mem>>)
        %dma_wait3A = arith.constant 0 : i32
        %dma_wait3A_131 = tpu.memref_slice %arg5[%add3A, %mul3A_114, %dma_wait3A] : memref<32x160x64xi32, #tpu.memory_space<hbm>> -> memref<1x8x64xi32, #tpu.memory_space<hbm>>
        %dma_wait3A_132 = tpu.memref_squeeze %dma_wait3A_131 : memref<1x8x64xi32, #tpu.memory_space<hbm>> -> memref<8x64xi32, #tpu.memory_space<hbm>>
        %dma_wait3A_133 = arith.constant 0 : i32
        %dma_wait3A_134 = tpu.memref_slice %arg5[%add3A, %mul3A_114, %dma_wait3A_133] : memref<32x160x64xi32, #tpu.memory_space<hbm>> -> memref<1x8x64xi32, #tpu.memory_space<hbm>>
        %dma_wait3A_135 = tpu.memref_squeeze %dma_wait3A_134 : memref<1x8x64xi32, #tpu.memory_space<hbm>> -> memref<8x64xi32, #tpu.memory_space<hbm>>
        tpu.wait_dma2 semaphore(%run_scoped3A : memref<!tpu.dma_semaphore, #tpu.memory_space<semaphore_mem>>) src(%dma_wait3A_135 : memref<8x64xi32, #tpu.memory_space<hbm>>) dst(%arg8 : memref<8x64xi32, #tpu.memory_space<vmem>>)
        tpu.yield
      }) : () -> ()
      %while3A_115 = arith.constant 0 : i32
      %while3A_116 = arith.constant 0 : i32
      %while3A_117 = arith.constant 8 : i32
      %while3A_118 = arith.subi %while3A_117, %while3A_116 : i32
      %while3A_119 = arith.addi %while3A_116, %while3A_118 : i32
      %while3A_120 = arith.constant 1 : i32
      %while3A_121 = arith.divsi %while3A_118, %while3A_120 : i32
      %while3A_122 = arith.muli %while3A_121, %while3A_120 : i32
      %while3A_123 = arith.addi %while3A_116, %while3A_122 : i32
      %while3A_124 = arith.constant 1 : i32
      scf.for %while3A_126 = %while3A_116 to %while3A_123 step %while3A_124  : i32 {
        %dma_start3A = arith.constant 0 : i32
        %dma_start3A_127 = tpu.memref_slice %arg7[%while3A_126, %dma_start3A] : memref<8x64xi32, #tpu.memory_space<vmem>> -> memref<1x64xi32, #tpu.memory_space<vmem>>
        %dma_start3A_128 = tpu.memref_squeeze %dma_start3A_127 : memref<1x64xi32, #tpu.memory_space<vmem>> -> memref<64xi32, #tpu.memory_space<vmem>>
        %dma_start3A_129 = arith.constant 0 : i32
        %dma_start3A_130 = arith.constant 0 : i32
        %dma_start3A_131 = tpu.memref_slice %arg2[%dma_start3A_129, %dma_start3A_130] : memref<10000x128xf32, #tpu.memory_space<hbm>> -> memref<10000x128xf32, #tpu.memory_space<hbm>>
        tpu.enqueue_indirect_dma source(%dma_start3A_131 : memref<10000x128xf32, #tpu.memory_space<hbm>>) target(%arg9 : memref<64x128xf32, #tpu.memory_space<vmem>>) offsets(%dma_start3A_128 : memref<64xi32, #tpu.memory_space<vmem>>) semaphore(%arg13 : memref<!tpu.dma_semaphore, #tpu.memory_space<semaphore_mem>>)
        %dma_wait3A = arith.constant 0 : i32
        %dma_wait3A_132 = tpu.memref_slice %arg7[%while3A_126, %dma_wait3A] : memref<8x64xi32, #tpu.memory_space<vmem>> -> memref<1x64xi32, #tpu.memory_space<vmem>>
        %dma_wait3A_133 = tpu.memref_squeeze %dma_wait3A_132 : memref<1x64xi32, #tpu.memory_space<vmem>> -> memref<64xi32, #tpu.memory_space<vmem>>
        %dma_wait3A_134 = arith.constant 0 : i32
        %dma_wait3A_135 = arith.constant 0 : i32
        %dma_wait3A_136 = tpu.memref_slice %arg2[%dma_wait3A_134, %dma_wait3A_135] : memref<10000x128xf32, #tpu.memory_space<hbm>> -> memref<10000x128xf32, #tpu.memory_space<hbm>>
        tpu.wait_indirect_dma semaphore(%arg13 : memref<!tpu.dma_semaphore, #tpu.memory_space<semaphore_mem>>) src(%dma_wait3A_136 : memref<10000x128xf32, #tpu.memory_space<hbm>>) dst(%arg9 : memref<64x128xf32, #tpu.memory_space<vmem>>)
        %mul3A_137 = arith.constant 8 : i32
        %mul3A_138 = arith.muli %while3A_110, %mul3A_137 : i32
        %add3A_139 = arith.addi %mul3A_138, %while3A_126 : i32
        %mul3A_140 = arith.constant 64 : i32
        %mul3A_141 = arith.muli %add3A_139, %mul3A_140 : i32
        %add3A_142 = arith.addi %mul3A_93, %mul3A_141 : i32
        "tpu.region"() ({
          %run_scoped3A = tpu.sem_alloc : memref<!tpu.dma_semaphore, #tpu.memory_space<semaphore_mem>>
          %dma_start3A_154 = arith.constant 0 : i32
          %dma_start3A_155 = tpu.memref_slice %arg3[%add3A_142, %dma_start3A_154] : memref<327680x128xf32, #tpu.memory_space<hbm>> -> memref<64x128xf32, #tpu.memory_space<hbm>>
          %dma_start3A_156 = arith.constant 0 : i32
          %dma_start3A_157 = tpu.memref_slice %arg3[%add3A_142, %dma_start3A_156] : memref<327680x128xf32, #tpu.memory_space<hbm>> -> memref<64x128xf32, #tpu.memory_space<hbm>>
          tpu.enqueue_dma source(%dma_start3A_157 : memref<64x128xf32, #tpu.memory_space<hbm>>) target(%arg10 : memref<64x128xf32, #tpu.memory_space<vmem>>) target_semaphore(%run_scoped3A : memref<!tpu.dma_semaphore, #tpu.memory_space<semaphore_mem>>)
          %dma_wait3A_158 = arith.constant 0 : i32
          %dma_wait3A_159 = tpu.memref_slice %arg3[%add3A_142, %dma_wait3A_158] : memref<327680x128xf32, #tpu.memory_space<hbm>> -> memref<64x128xf32, #tpu.memory_space<hbm>>
          %dma_wait3A_160 = arith.constant 0 : i32
          %dma_wait3A_161 = tpu.memref_slice %arg3[%add3A_142, %dma_wait3A_160] : memref<327680x128xf32, #tpu.memory_space<hbm>> -> memref<64x128xf32, #tpu.memory_space<hbm>>
          tpu.wait_dma2 semaphore(%run_scoped3A : memref<!tpu.dma_semaphore, #tpu.memory_space<semaphore_mem>>) src(%dma_wait3A_161 : memref<64x128xf32, #tpu.memory_space<hbm>>) dst(%arg10 : memref<64x128xf32, #tpu.memory_space<vmem>>)
          tpu.yield
        }) : () -> ()
        %while3A_143 = arith.constant 0 : i32
        %while3A_144 = arith.constant 0 : i32
        %while3A_145 = arith.constant 64 : i32
        %while3A_146 = arith.subi %while3A_145, %while3A_144 : i32
        %while3A_147 = arith.addi %while3A_144, %while3A_146 : i32
        %while3A_148 = arith.constant 1 : i32
        %while3A_149 = arith.divsi %while3A_146, %while3A_148 : i32
        %while3A_150 = arith.muli %while3A_149, %while3A_148 : i32
        %while3A_151 = arith.addi %while3A_144, %while3A_150 : i32
        %while3A_152 = arith.constant 1 : i32
        scf.for %while3A_154 = %while3A_144 to %while3A_151 step %while3A_152  : i32 {
          %get3A = arith.index_cast %while3A_154 : i32 to index
          %get3A_155 = arith.constant 0 : index
          %get3A_156 = tpu.vector_load %arg9[%get3A, %get3A_155] {strides = array<i32>} : memref<64x128xf32, #tpu.memory_space<vmem>>, vector<1x16xf32>,
          %get3A_157 = vector.shape_cast %get3A_156 : vector<1x16xf32> to vector<16xf32>
          %get3A_158 = arith.index_cast %while3A_154 : i32 to index
          %get3A_159 = arith.constant 0 : index
          %get3A_160 = tpu.vector_load %arg10[%get3A_158, %get3A_159] {strides = array<i32>} : memref<64x128xf32, #tpu.memory_space<vmem>>, vector<1x16xf32>,
          %get3A_161 = vector.shape_cast %get3A_160 : vector<1x16xf32> to vector<16xf32>
          %mul3A_162 = arith.mulf %get3A_157, %get3A_161 : vector<16xf32>
          %swap3A = arith.index_cast %while3A_154 : i32 to index
          %swap3A_163 = arith.constant 0 : index
          %swap3A_164 = tpu.vector_load %arg9[%swap3A, %swap3A_163] {strides = array<i32>} : memref<64x128xf32, #tpu.memory_space<vmem>>, vector<1x16xf32>,
          %swap3A_165 = vector.shape_cast %swap3A_164 : vector<1x16xf32> to vector<16xf32>
          %swap3A_166 = vector.shape_cast %mul3A_162 : vector<16xf32> to vector<1x16xf32>
          tpu.vector_store %arg9[%swap3A, %swap3A_163], %swap3A_166 {strides = array<i32>} : memref<64x128xf32, #tpu.memory_space<vmem>>, vector<1x16xf32>,
          %get3A_167 = arith.index_cast %while3A_154 : i32 to index
          %get3A_168 = arith.constant 16 : index
          %get3A_169 = tpu.vector_load %arg9[%get3A_167, %get3A_168] {strides = array<i32>} : memref<64x128xf32, #tpu.memory_space<vmem>>, vector<1x16xf32>,
          %get3A_170 = vector.shape_cast %get3A_169 : vector<1x16xf32> to vector<16xf32>
          %get3A_171 = arith.index_cast %while3A_154 : i32 to index
          %get3A_172 = arith.constant 16 : index
          %get3A_173 = tpu.vector_load %arg10[%get3A_171, %get3A_172] {strides = array<i32>} : memref<64x128xf32, #tpu.memory_space<vmem>>, vector<1x16xf32>,
          %get3A_174 = vector.shape_cast %get3A_173 : vector<1x16xf32> to vector<16xf32>
          %mul3A_175 = arith.mulf %get3A_170, %get3A_174 : vector<16xf32>
          %swap3A_176 = arith.index_cast %while3A_154 : i32 to index
          %swap3A_177 = arith.constant 16 : index
          %swap3A_178 = tpu.vector_load %arg9[%swap3A_176, %swap3A_177] {strides = array<i32>} : memref<64x128xf32, #tpu.memory_space<vmem>>, vector<1x16xf32>,
          %swap3A_179 = vector.shape_cast %swap3A_178 : vector<1x16xf32> to vector<16xf32>
          %swap3A_180 = vector.shape_cast %mul3A_175 : vector<16xf32> to vector<1x16xf32>
          tpu.vector_store %arg9[%swap3A_176, %swap3A_177], %swap3A_180 {strides = array<i32>} : memref<64x128xf32, #tpu.memory_space<vmem>>, vector<1x16xf32>,
          %get3A_181 = arith.index_cast %while3A_154 : i32 to index
          %get3A_182 = arith.constant 32 : index
          %get3A_183 = tpu.vector_load %arg9[%get3A_181, %get3A_182] {strides = array<i32>} : memref<64x128xf32, #tpu.memory_space<vmem>>, vector<1x16xf32>,
          %get3A_184 = vector.shape_cast %get3A_183 : vector<1x16xf32> to vector<16xf32>
          %get3A_185 = arith.index_cast %while3A_154 : i32 to index
          %get3A_186 = arith.constant 32 : index
          %get3A_187 = tpu.vector_load %arg10[%get3A_185, %get3A_186] {strides = array<i32>} : memref<64x128xf32, #tpu.memory_space<vmem>>, vector<1x16xf32>,
          %get3A_188 = vector.shape_cast %get3A_187 : vector<1x16xf32> to vector<16xf32>
          %mul3A_189 = arith.mulf %get3A_184, %get3A_188 : vector<16xf32>
          %swap3A_190 = arith.index_cast %while3A_154 : i32 to index
          %swap3A_191 = arith.constant 32 : index
          %swap3A_192 = tpu.vector_load %arg9[%swap3A_190, %swap3A_191] {strides = array<i32>} : memref<64x128xf32, #tpu.memory_space<vmem>>, vector<1x16xf32>,
          %swap3A_193 = vector.shape_cast %swap3A_192 : vector<1x16xf32> to vector<16xf32>
          %swap3A_194 = vector.shape_cast %mul3A_189 : vector<16xf32> to vector<1x16xf32>
          tpu.vector_store %arg9[%swap3A_190, %swap3A_191], %swap3A_194 {strides = array<i32>} : memref<64x128xf32, #tpu.memory_space<vmem>>, vector<1x16xf32>,
          %get3A_195 = arith.index_cast %while3A_154 : i32 to index
          %get3A_196 = arith.constant 48 : index
          %get3A_197 = tpu.vector_load %arg9[%get3A_195, %get3A_196] {strides = array<i32>} : memref<64x128xf32, #tpu.memory_space<vmem>>, vector<1x16xf32>,
          %get3A_198 = vector.shape_cast %get3A_197 : vector<1x16xf32> to vector<16xf32>
          %get3A_199 = arith.index_cast %while3A_154 : i32 to index
          %get3A_200 = arith.constant 48 : index
          %get3A_201 = tpu.vector_load %arg10[%get3A_199, %get3A_200] {strides = array<i32>} : memref<64x128xf32, #tpu.memory_space<vmem>>, vector<1x16xf32>,
          %get3A_202 = vector.shape_cast %get3A_201 : vector<1x16xf32> to vector<16xf32>
          %mul3A_203 = arith.mulf %get3A_198, %get3A_202 : vector<16xf32>
          %swap3A_204 = arith.index_cast %while3A_154 : i32 to index
          %swap3A_205 = arith.constant 48 : index
          %swap3A_206 = tpu.vector_load %arg9[%swap3A_204, %swap3A_205] {strides = array<i32>} : memref<64x128xf32, #tpu.memory_space<vmem>>, vector<1x16xf32>,
          %swap3A_207 = vector.shape_cast %swap3A_206 : vector<1x16xf32> to vector<16xf32>
          %swap3A_208 = vector.shape_cast %mul3A_203 : vector<16xf32> to vector<1x16xf32>
          tpu.vector_store %arg9[%swap3A_204, %swap3A_205], %swap3A_208 {strides = array<i32>} : memref<64x128xf32, #tpu.memory_space<vmem>>, vector<1x16xf32>,
          %get3A_209 = arith.index_cast %while3A_154 : i32 to index
          %get3A_210 = arith.constant 64 : index
          %get3A_211 = tpu.vector_load %arg9[%get3A_209, %get3A_210] {strides = array<i32>} : memref<64x128xf32, #tpu.memory_space<vmem>>, vector<1x16xf32>,
          %get3A_212 = vector.shape_cast %get3A_211 : vector<1x16xf32> to vector<16xf32>
          %get3A_213 = arith.index_cast %while3A_154 : i32 to index
          %get3A_214 = arith.constant 64 : index
          %get3A_215 = tpu.vector_load %arg10[%get3A_213, %get3A_214] {strides = array<i32>} : memref<64x128xf32, #tpu.memory_space<vmem>>, vector<1x16xf32>,
          %get3A_216 = vector.shape_cast %get3A_215 : vector<1x16xf32> to vector<16xf32>
          %mul3A_217 = arith.mulf %get3A_212, %get3A_216 : vector<16xf32>
          %swap3A_218 = arith.index_cast %while3A_154 : i32 to index
          %swap3A_219 = arith.constant 64 : index
          %swap3A_220 = tpu.vector_load %arg9[%swap3A_218, %swap3A_219] {strides = array<i32>} : memref<64x128xf32, #tpu.memory_space<vmem>>, vector<1x16xf32>,
          %swap3A_221 = vector.shape_cast %swap3A_220 : vector<1x16xf32> to vector<16xf32>
          %swap3A_222 = vector.shape_cast %mul3A_217 : vector<16xf32> to vector<1x16xf32>
          tpu.vector_store %arg9[%swap3A_218, %swap3A_219], %swap3A_222 {strides = array<i32>} : memref<64x128xf32, #tpu.memory_space<vmem>>, vector<1x16xf32>,
          %get3A_223 = arith.index_cast %while3A_154 : i32 to index
          %get3A_224 = arith.constant 80 : index
          %get3A_225 = tpu.vector_load %arg9[%get3A_223, %get3A_224] {strides = array<i32>} : memref<64x128xf32, #tpu.memory_space<vmem>>, vector<1x16xf32>,
          %get3A_226 = vector.shape_cast %get3A_225 : vector<1x16xf32> to vector<16xf32>
          %get3A_227 = arith.index_cast %while3A_154 : i32 to index
          %get3A_228 = arith.constant 80 : index
          %get3A_229 = tpu.vector_load %arg10[%get3A_227, %get3A_228] {strides = array<i32>} : memref<64x128xf32, #tpu.memory_space<vmem>>, vector<1x16xf32>,
          %get3A_230 = vector.shape_cast %get3A_229 : vector<1x16xf32> to vector<16xf32>
          %mul3A_231 = arith.mulf %get3A_226, %get3A_230 : vector<16xf32>
          %swap3A_232 = arith.index_cast %while3A_154 : i32 to index
          %swap3A_233 = arith.constant 80 : index
          %swap3A_234 = tpu.vector_load %arg9[%swap3A_232, %swap3A_233] {strides = array<i32>} : memref<64x128xf32, #tpu.memory_space<vmem>>, vector<1x16xf32>,
          %swap3A_235 = vector.shape_cast %swap3A_234 : vector<1x16xf32> to vector<16xf32>
          %swap3A_236 = vector.shape_cast %mul3A_231 : vector<16xf32> to vector<1x16xf32>
          tpu.vector_store %arg9[%swap3A_232, %swap3A_233], %swap3A_236 {strides = array<i32>} : memref<64x128xf32, #tpu.memory_space<vmem>>, vector<1x16xf32>,
          %get3A_237 = arith.index_cast %while3A_154 : i32 to index
          %get3A_238 = arith.constant 96 : index
          %get3A_239 = tpu.vector_load %arg9[%get3A_237, %get3A_238] {strides = array<i32>} : memref<64x128xf32, #tpu.memory_space<vmem>>, vector<1x16xf32>,
          %get3A_240 = vector.shape_cast %get3A_239 : vector<1x16xf32> to vector<16xf32>
          %get3A_241 = arith.index_cast %while3A_154 : i32 to index
          %get3A_242 = arith.constant 96 : index
          %get3A_243 = tpu.vector_load %arg10[%get3A_241, %get3A_242] {strides = array<i32>} : memref<64x128xf32, #tpu.memory_space<vmem>>, vector<1x16xf32>,
          %get3A_244 = vector.shape_cast %get3A_243 : vector<1x16xf32> to vector<16xf32>
          %mul3A_245 = arith.mulf %get3A_240, %get3A_244 : vector<16xf32>
          %swap3A_246 = arith.index_cast %while3A_154 : i32 to index
          %swap3A_247 = arith.constant 96 : index
          %swap3A_248 = tpu.vector_load %arg9[%swap3A_246, %swap3A_247] {strides = array<i32>} : memref<64x128xf32, #tpu.memory_space<vmem>>, vector<1x16xf32>,
          %swap3A_249 = vector.shape_cast %swap3A_248 : vector<1x16xf32> to vector<16xf32>
          %swap3A_250 = vector.shape_cast %mul3A_245 : vector<16xf32> to vector<1x16xf32>
          tpu.vector_store %arg9[%swap3A_246, %swap3A_247], %swap3A_250 {strides = array<i32>} : memref<64x128xf32, #tpu.memory_space<vmem>>, vector<1x16xf32>,
          %get3A_251 = arith.index_cast %while3A_154 : i32 to index
          %get3A_252 = arith.constant 112 : index
          %get3A_253 = tpu.vector_load %arg9[%get3A_251, %get3A_252] {strides = array<i32>} : memref<64x128xf32, #tpu.memory_space<vmem>>, vector<1x16xf32>,
          %get3A_254 = vector.shape_cast %get3A_253 : vector<1x16xf32> to vector<16xf32>
          %get3A_255 = arith.index_cast %while3A_154 : i32 to index
          %get3A_256 = arith.constant 112 : index
          %get3A_257 = tpu.vector_load %arg10[%get3A_255, %get3A_256] {strides = array<i32>} : memref<64x128xf32, #tpu.memory_space<vmem>>, vector<1x16xf32>,
          %get3A_258 = vector.shape_cast %get3A_257 : vector<1x16xf32> to vector<16xf32>
          %mul3A_259 = arith.mulf %get3A_254, %get3A_258 : vector<16xf32>
          %swap3A_260 = arith.index_cast %while3A_154 : i32 to index
          %swap3A_261 = arith.constant 112 : index
          %swap3A_262 = tpu.vector_load %arg9[%swap3A_260, %swap3A_261] {strides = array<i32>} : memref<64x128xf32, #tpu.memory_space<vmem>>, vector<1x16xf32>,
          %swap3A_263 = vector.shape_cast %swap3A_262 : vector<1x16xf32> to vector<16xf32>
          %swap3A_264 = vector.shape_cast %mul3A_259 : vector<16xf32> to vector<1x16xf32>
          tpu.vector_store %arg9[%swap3A_260, %swap3A_261], %swap3A_264 {strides = array<i32>} : memref<64x128xf32, #tpu.memory_space<vmem>>, vector<1x16xf32>,
        }
        %while3A_153 = arith.constant 1 : i32
        scf.for %while3A_154 = %while3A_151 to %while3A_147 step %while3A_153  : i32 {
          %get3A = arith.index_cast %while3A_154 : i32 to index
          %get3A_155 = arith.constant 0 : index
          %get3A_156 = tpu.vector_load %arg9[%get3A, %get3A_155] {strides = array<i32>} : memref<64x128xf32, #tpu.memory_space<vmem>>, vector<1x16xf32>,
          %get3A_157 = vector.shape_cast %get3A_156 : vector<1x16xf32> to vector<16xf32>
          %get3A_158 = arith.index_cast %while3A_154 : i32 to index
          %get3A_159 = arith.constant 0 : index
          %get3A_160 = tpu.vector_load %arg10[%get3A_158, %get3A_159] {strides = array<i32>} : memref<64x128xf32, #tpu.memory_space<vmem>>, vector<1x16xf32>,
          %get3A_161 = vector.shape_cast %get3A_160 : vector<1x16xf32> to vector<16xf32>
          %mul3A_162 = arith.mulf %get3A_157, %get3A_161 : vector<16xf32>
          %swap3A = arith.index_cast %while3A_154 : i32 to index
          %swap3A_163 = arith.constant 0 : index
          %swap3A_164 = tpu.vector_load %arg9[%swap3A, %swap3A_163] {strides = array<i32>} : memref<64x128xf32, #tpu.memory_space<vmem>>, vector<1x16xf32>,
          %swap3A_165 = vector.shape_cast %swap3A_164 : vector<1x16xf32> to vector<16xf32>
          %swap3A_166 = vector.shape_cast %mul3A_162 : vector<16xf32> to vector<1x16xf32>
          tpu.vector_store %arg9[%swap3A, %swap3A_163], %swap3A_166 {strides = array<i32>} : memref<64x128xf32, #tpu.memory_space<vmem>>, vector<1x16xf32>,
          %get3A_167 = arith.index_cast %while3A_154 : i32 to index
          %get3A_168 = arith.constant 16 : index
          %get3A_169 = tpu.vector_load %arg9[%get3A_167, %get3A_168] {strides = array<i32>} : memref<64x128xf32, #tpu.memory_space<vmem>>, vector<1x16xf32>,
          %get3A_170 = vector.shape_cast %get3A_169 : vector<1x16xf32> to vector<16xf32>
          %get3A_171 = arith.index_cast %while3A_154 : i32 to index
          %get3A_172 = arith.constant 16 : index
          %get3A_173 = tpu.vector_load %arg10[%get3A_171, %get3A_172] {strides = array<i32>} : memref<64x128xf32, #tpu.memory_space<vmem>>, vector<1x16xf32>,
          %get3A_174 = vector.shape_cast %get3A_173 : vector<1x16xf32> to vector<16xf32>
          %mul3A_175 = arith.mulf %get3A_170, %get3A_174 : vector<16xf32>
          %swap3A_176 = arith.index_cast %while3A_154 : i32 to index
          %swap3A_177 = arith.constant 16 : index
          %swap3A_178 = tpu.vector_load %arg9[%swap3A_176, %swap3A_177] {strides = array<i32>} : memref<64x128xf32, #tpu.memory_space<vmem>>, vector<1x16xf32>,
          %swap3A_179 = vector.shape_cast %swap3A_178 : vector<1x16xf32> to vector<16xf32>
          %swap3A_180 = vector.shape_cast %mul3A_175 : vector<16xf32> to vector<1x16xf32>
          tpu.vector_store %arg9[%swap3A_176, %swap3A_177], %swap3A_180 {strides = array<i32>} : memref<64x128xf32, #tpu.memory_space<vmem>>, vector<1x16xf32>,
          %get3A_181 = arith.index_cast %while3A_154 : i32 to index
          %get3A_182 = arith.constant 32 : index
          %get3A_183 = tpu.vector_load %arg9[%get3A_181, %get3A_182] {strides = array<i32>} : memref<64x128xf32, #tpu.memory_space<vmem>>, vector<1x16xf32>,
          %get3A_184 = vector.shape_cast %get3A_183 : vector<1x16xf32> to vector<16xf32>
          %get3A_185 = arith.index_cast %while3A_154 : i32 to index
          %get3A_186 = arith.constant 32 : index
          %get3A_187 = tpu.vector_load %arg10[%get3A_185, %get3A_186] {strides = array<i32>} : memref<64x128xf32, #tpu.memory_space<vmem>>, vector<1x16xf32>,
          %get3A_188 = vector.shape_cast %get3A_187 : vector<1x16xf32> to vector<16xf32>
          %mul3A_189 = arith.mulf %get3A_184, %get3A_188 : vector<16xf32>
          %swap3A_190 = arith.index_cast %while3A_154 : i32 to index
          %swap3A_191 = arith.constant 32 : index
          %swap3A_192 = tpu.vector_load %arg9[%swap3A_190, %swap3A_191] {strides = array<i32>} : memref<64x128xf32, #tpu.memory_space<vmem>>, vector<1x16xf32>,
          %swap3A_193 = vector.shape_cast %swap3A_192 : vector<1x16xf32> to vector<16xf32>
          %swap3A_194 = vector.shape_cast %mul3A_189 : vector<16xf32> to vector<1x16xf32>
          tpu.vector_store %arg9[%swap3A_190, %swap3A_191], %swap3A_194 {strides = array<i32>} : memref<64x128xf32, #tpu.memory_space<vmem>>, vector<1x16xf32>,
          %get3A_195 = arith.index_cast %while3A_154 : i32 to index
          %get3A_196 = arith.constant 48 : index
          %get3A_197 = tpu.vector_load %arg9[%get3A_195, %get3A_196] {strides = array<i32>} : memref<64x128xf32, #tpu.memory_space<vmem>>, vector<1x16xf32>,
          %get3A_198 = vector.shape_cast %get3A_197 : vector<1x16xf32> to vector<16xf32>
          %get3A_199 = arith.index_cast %while3A_154 : i32 to index
          %get3A_200 = arith.constant 48 : index
          %get3A_201 = tpu.vector_load %arg10[%get3A_199, %get3A_200] {strides = array<i32>} : memref<64x128xf32, #tpu.memory_space<vmem>>, vector<1x16xf32>,
          %get3A_202 = vector.shape_cast %get3A_201 : vector<1x16xf32> to vector<16xf32>
          %mul3A_203 = arith.mulf %get3A_198, %get3A_202 : vector<16xf32>
          %swap3A_204 = arith.index_cast %while3A_154 : i32 to index
          %swap3A_205 = arith.constant 48 : index
          %swap3A_206 = tpu.vector_load %arg9[%swap3A_204, %swap3A_205] {strides = array<i32>} : memref<64x128xf32, #tpu.memory_space<vmem>>, vector<1x16xf32>,
          %swap3A_207 = vector.shape_cast %swap3A_206 : vector<1x16xf32> to vector<16xf32>
          %swap3A_208 = vector.shape_cast %mul3A_203 : vector<16xf32> to vector<1x16xf32>
          tpu.vector_store %arg9[%swap3A_204, %swap3A_205], %swap3A_208 {strides = array<i32>} : memref<64x128xf32, #tpu.memory_space<vmem>>, vector<1x16xf32>,
          %get3A_209 = arith.index_cast %while3A_154 : i32 to index
          %get3A_210 = arith.constant 64 : index
          %get3A_211 = tpu.vector_load %arg9[%get3A_209, %get3A_210] {strides = array<i32>} : memref<64x128xf32, #tpu.memory_space<vmem>>, vector<1x16xf32>,
          %get3A_212 = vector.shape_cast %get3A_211 : vector<1x16xf32> to vector<16xf32>
          %get3A_213 = arith.index_cast %while3A_154 : i32 to index
          %get3A_214 = arith.constant 64 : index
          %get3A_215 = tpu.vector_load %arg10[%get3A_213, %get3A_214] {strides = array<i32>} : memref<64x128xf32, #tpu.memory_space<vmem>>, vector<1x16xf32>,
          %get3A_216 = vector.shape_cast %get3A_215 : vector<1x16xf32> to vector<16xf32>
          %mul3A_217 = arith.mulf %get3A_212, %get3A_216 : vector<16xf32>
          %swap3A_218 = arith.index_cast %while3A_154 : i32 to index
          %swap3A_219 = arith.constant 64 : index
          %swap3A_220 = tpu.vector_load %arg9[%swap3A_218, %swap3A_219] {strides = array<i32>} : memref<64x128xf32, #tpu.memory_space<vmem>>, vector<1x16xf32>,
          %swap3A_221 = vector.shape_cast %swap3A_220 : vector<1x16xf32> to vector<16xf32>
          %swap3A_222 = vector.shape_cast %mul3A_217 : vector<16xf32> to vector<1x16xf32>
          tpu.vector_store %arg9[%swap3A_218, %swap3A_219], %swap3A_222 {strides = array<i32>} : memref<64x128xf32, #tpu.memory_space<vmem>>, vector<1x16xf32>,
          %get3A_223 = arith.index_cast %while3A_154 : i32 to index
          %get3A_224 = arith.constant 80 : index
          %get3A_225 = tpu.vector_load %arg9[%get3A_223, %get3A_224] {strides = array<i32>} : memref<64x128xf32, #tpu.memory_space<vmem>>, vector<1x16xf32>,
          %get3A_226 = vector.shape_cast %get3A_225 : vector<1x16xf32> to vector<16xf32>
          %get3A_227 = arith.index_cast %while3A_154 : i32 to index
          %get3A_228 = arith.constant 80 : index
          %get3A_229 = tpu.vector_load %arg10[%get3A_227, %get3A_228] {strides = array<i32>} : memref<64x128xf32, #tpu.memory_space<vmem>>, vector<1x16xf32>,
          %get3A_230 = vector.shape_cast %get3A_229 : vector<1x16xf32> to vector<16xf32>
          %mul3A_231 = arith.mulf %get3A_226, %get3A_230 : vector<16xf32>
          %swap3A_232 = arith.index_cast %while3A_154 : i32 to index
          %swap3A_233 = arith.constant 80 : index
          %swap3A_234 = tpu.vector_load %arg9[%swap3A_232, %swap3A_233] {strides = array<i32>} : memref<64x128xf32, #tpu.memory_space<vmem>>, vector<1x16xf32>,
          %swap3A_235 = vector.shape_cast %swap3A_234 : vector<1x16xf32> to vector<16xf32>
          %swap3A_236 = vector.shape_cast %mul3A_231 : vector<16xf32> to vector<1x16xf32>
          tpu.vector_store %arg9[%swap3A_232, %swap3A_233], %swap3A_236 {strides = array<i32>} : memref<64x128xf32, #tpu.memory_space<vmem>>, vector<1x16xf32>,
          %get3A_237 = arith.index_cast %while3A_154 : i32 to index
          %get3A_238 = arith.constant 96 : index
          %get3A_239 = tpu.vector_load %arg9[%get3A_237, %get3A_238] {strides = array<i32>} : memref<64x128xf32, #tpu.memory_space<vmem>>, vector<1x16xf32>,
          %get3A_240 = vector.shape_cast %get3A_239 : vector<1x16xf32> to vector<16xf32>
          %get3A_241 = arith.index_cast %while3A_154 : i32 to index
          %get3A_242 = arith.constant 96 : index
          %get3A_243 = tpu.vector_load %arg10[%get3A_241, %get3A_242] {strides = array<i32>} : memref<64x128xf32, #tpu.memory_space<vmem>>, vector<1x16xf32>,
          %get3A_244 = vector.shape_cast %get3A_243 : vector<1x16xf32> to vector<16xf32>
          %mul3A_245 = arith.mulf %get3A_240, %get3A_244 : vector<16xf32>
          %swap3A_246 = arith.index_cast %while3A_154 : i32 to index
          %swap3A_247 = arith.constant 96 : index
          %swap3A_248 = tpu.vector_load %arg9[%swap3A_246, %swap3A_247] {strides = array<i32>} : memref<64x128xf32, #tpu.memory_space<vmem>>, vector<1x16xf32>,
          %swap3A_249 = vector.shape_cast %swap3A_248 : vector<1x16xf32> to vector<16xf32>
          %swap3A_250 = vector.shape_cast %mul3A_245 : vector<16xf32> to vector<1x16xf32>
          tpu.vector_store %arg9[%swap3A_246, %swap3A_247], %swap3A_250 {strides = array<i32>} : memref<64x128xf32, #tpu.memory_space<vmem>>, vector<1x16xf32>,
          %get3A_251 = arith.index_cast %while3A_154 : i32 to index
          %get3A_252 = arith.constant 112 : index
          %get3A_253 = tpu.vector_load %arg9[%get3A_251, %get3A_252] {strides = array<i32>} : memref<64x128xf32, #tpu.memory_space<vmem>>, vector<1x16xf32>,
          %get3A_254 = vector.shape_cast %get3A_253 : vector<1x16xf32> to vector<16xf32>
          %get3A_255 = arith.index_cast %while3A_154 : i32 to index
          %get3A_256 = arith.constant 112 : index
          %get3A_257 = tpu.vector_load %arg10[%get3A_255, %get3A_256] {strides = array<i32>} : memref<64x128xf32, #tpu.memory_space<vmem>>, vector<1x16xf32>,
          %get3A_258 = vector.shape_cast %get3A_257 : vector<1x16xf32> to vector<16xf32>
          %mul3A_259 = arith.mulf %get3A_254, %get3A_258 : vector<16xf32>
          %swap3A_260 = arith.index_cast %while3A_154 : i32 to index
          %swap3A_261 = arith.constant 112 : index
          %swap3A_262 = tpu.vector_load %arg9[%swap3A_260, %swap3A_261] {strides = array<i32>} : memref<64x128xf32, #tpu.memory_space<vmem>>, vector<1x16xf32>,
          %swap3A_263 = vector.shape_cast %swap3A_262 : vector<1x16xf32> to vector<16xf32>
          %swap3A_264 = vector.shape_cast %mul3A_259 : vector<16xf32> to vector<1x16xf32>
          tpu.vector_store %arg9[%swap3A_260, %swap3A_261], %swap3A_264 {strides = array<i32>} : memref<64x128xf32, #tpu.memory_space<vmem>>, vector<1x16xf32>,
        }
        "tpu.region"() ({
          %run_scoped3A = tpu.sem_alloc : memref<!tpu.dma_semaphore, #tpu.memory_space<semaphore_mem>>
          %dma_start3A_154 = arith.constant 0 : i32
          %dma_start3A_155 = tpu.memref_slice %arg8[%while3A_126, %dma_start3A_154] : memref<8x64xi32, #tpu.memory_space<vmem>> -> memref<1x64xi32, #tpu.memory_space<vmem>>
          %dma_start3A_156 = tpu.memref_squeeze %dma_start3A_155 : memref<1x64xi32, #tpu.memory_space<vmem>> -> memref<64xi32, #tpu.memory_space<vmem>>
          %dma_start3A_157 = arith.constant 0 : i32
          %dma_start3A_158 = arith.constant 0 : i32
          %dma_start3A_159 = tpu.memref_slice %arg12[%dma_start3A_157, %dma_start3A_158] : memref<10240x128xf32, #tpu.memory_space<vmem_shared>> -> memref<10240x128xf32, #tpu.memory_space<vmem_shared>>
          tpu.enqueue_indirect_dma source(%arg9 : memref<64x128xf32, #tpu.memory_space<vmem>>) target(%dma_start3A_159 : memref<10240x128xf32, #tpu.memory_space<vmem_shared>>) offsets(%dma_start3A_156 : memref<64xi32, #tpu.memory_space<vmem>>) semaphore(%run_scoped3A : memref<!tpu.dma_semaphore, #tpu.memory_space<semaphore_mem>>) {add = true}
          %dma_wait3A_160 = arith.constant 0 : i32
          %dma_wait3A_161 = tpu.memref_slice %arg8[%while3A_126, %dma_wait3A_160] : memref<8x64xi32, #tpu.memory_space<vmem>> -> memref<1x64xi32, #tpu.memory_space<vmem>>
          %dma_wait3A_162 = tpu.memref_squeeze %dma_wait3A_161 : memref<1x64xi32, #tpu.memory_space<vmem>> -> memref<64xi32, #tpu.memory_space<vmem>>
          %dma_wait3A_163 = arith.constant 0 : i32
          %dma_wait3A_164 = arith.constant 0 : i32
          %dma_wait3A_165 = tpu.memref_slice %arg12[%dma_wait3A_163, %dma_wait3A_164] : memref<10240x128xf32, #tpu.memory_space<vmem_shared>> -> memref<10240x128xf32, #tpu.memory_space<vmem_shared>>
          tpu.wait_indirect_dma semaphore(%run_scoped3A : memref<!tpu.dma_semaphore, #tpu.memory_space<semaphore_mem>>) src(%arg9 : memref<64x128xf32, #tpu.memory_space<vmem>>) dst(%dma_wait3A_165 : memref<10240x128xf32, #tpu.memory_space<vmem_shared>>)
          tpu.yield
        }) : () -> ()
      }
      %while3A_125 = arith.constant 1 : i32
      scf.for %while3A_126 = %while3A_123 to %while3A_119 step %while3A_125  : i32 {
        %dma_start3A = arith.constant 0 : i32
        %dma_start3A_127 = tpu.memref_slice %arg7[%while3A_126, %dma_start3A] : memref<8x64xi32, #tpu.memory_space<vmem>> -> memref<1x64xi32, #tpu.memory_space<vmem>>
        %dma_start3A_128 = tpu.memref_squeeze %dma_start3A_127 : memref<1x64xi32, #tpu.memory_space<vmem>> -> memref<64xi32, #tpu.memory_space<vmem>>
        %dma_start3A_129 = arith.constant 0 : i32
        %dma_start3A_130 = arith.constant 0 : i32
        %dma_start3A_131 = tpu.memref_slice %arg2[%dma_start3A_129, %dma_start3A_130] : memref<10000x128xf32, #tpu.memory_space<hbm>> -> memref<10000x128xf32, #tpu.memory_space<hbm>>
        tpu.enqueue_indirect_dma source(%dma_start3A_131 : memref<10000x128xf32, #tpu.memory_space<hbm>>) target(%arg9 : memref<64x128xf32, #tpu.memory_space<vmem>>) offsets(%dma_start3A_128 : memref<64xi32, #tpu.memory_space<vmem>>) semaphore(%arg13 : memref<!tpu.dma_semaphore, #tpu.memory_space<semaphore_mem>>)
        %dma_wait3A = arith.constant 0 : i32
        %dma_wait3A_132 = tpu.memref_slice %arg7[%while3A_126, %dma_wait3A] : memref<8x64xi32, #tpu.memory_space<vmem>> -> memref<1x64xi32, #tpu.memory_space<vmem>>
        %dma_wait3A_133 = tpu.memref_squeeze %dma_wait3A_132 : memref<1x64xi32, #tpu.memory_space<vmem>> -> memref<64xi32, #tpu.memory_space<vmem>>
        %dma_wait3A_134 = arith.constant 0 : i32
        %dma_wait3A_135 = arith.constant 0 : i32
        %dma_wait3A_136 = tpu.memref_slice %arg2[%dma_wait3A_134, %dma_wait3A_135] : memref<10000x128xf32, #tpu.memory_space<hbm>> -> memref<10000x128xf32, #tpu.memory_space<hbm>>
        tpu.wait_indirect_dma semaphore(%arg13 : memref<!tpu.dma_semaphore, #tpu.memory_space<semaphore_mem>>) src(%dma_wait3A_136 : memref<10000x128xf32, #tpu.memory_space<hbm>>) dst(%arg9 : memref<64x128xf32, #tpu.memory_space<vmem>>)
        %mul3A_137 = arith.constant 8 : i32
        %mul3A_138 = arith.muli %while3A_110, %mul3A_137 : i32
        %add3A_139 = arith.addi %mul3A_138, %while3A_126 : i32
        %mul3A_140 = arith.constant 64 : i32
        %mul3A_141 = arith.muli %add3A_139, %mul3A_140 : i32
        %add3A_142 = arith.addi %mul3A_93, %mul3A_141 : i32
        "tpu.region"() ({
          %run_scoped3A = tpu.sem_alloc : memref<!tpu.dma_semaphore, #tpu.memory_space<semaphore_mem>>
          %dma_start3A_154 = arith.constant 0 : i32
          %dma_start3A_155 = tpu.memref_slice %arg3[%add3A_142, %dma_start3A_154] : memref<327680x128xf32, #tpu.memory_space<hbm>> -> memref<64x128xf32, #tpu.memory_space<hbm>>
          %dma_start3A_156 = arith.constant 0 : i32
          %dma_start3A_157 = tpu.memref_slice %arg3[%add3A_142, %dma_start3A_156] : memref<327680x128xf32, #tpu.memory_space<hbm>> -> memref<64x128xf32, #tpu.memory_space<hbm>>
          tpu.enqueue_dma source(%dma_start3A_157 : memref<64x128xf32, #tpu.memory_space<hbm>>) target(%arg10 : memref<64x128xf32, #tpu.memory_space<vmem>>) target_semaphore(%run_scoped3A : memref<!tpu.dma_semaphore, #tpu.memory_space<semaphore_mem>>)
          %dma_wait3A_158 = arith.constant 0 : i32
          %dma_wait3A_159 = tpu.memref_slice %arg3[%add3A_142, %dma_wait3A_158] : memref<327680x128xf32, #tpu.memory_space<hbm>> -> memref<64x128xf32, #tpu.memory_space<hbm>>
          %dma_wait3A_160 = arith.constant 0 : i32
          %dma_wait3A_161 = tpu.memref_slice %arg3[%add3A_142, %dma_wait3A_160] : memref<327680x128xf32, #tpu.memory_space<hbm>> -> memref<64x128xf32, #tpu.memory_space<hbm>>
          tpu.wait_dma2 semaphore(%run_scoped3A : memref<!tpu.dma_semaphore, #tpu.memory_space<semaphore_mem>>) src(%dma_wait3A_161 : memref<64x128xf32, #tpu.memory_space<hbm>>) dst(%arg10 : memref<64x128xf32, #tpu.memory_space<vmem>>)
          tpu.yield
        }) : () -> ()
        %while3A_143 = arith.constant 0 : i32
        %while3A_144 = arith.constant 0 : i32
        %while3A_145 = arith.constant 64 : i32
        %while3A_146 = arith.subi %while3A_145, %while3A_144 : i32
        %while3A_147 = arith.addi %while3A_144, %while3A_146 : i32
        %while3A_148 = arith.constant 1 : i32
        %while3A_149 = arith.divsi %while3A_146, %while3A_148 : i32
        %while3A_150 = arith.muli %while3A_149, %while3A_148 : i32
        %while3A_151 = arith.addi %while3A_144, %while3A_150 : i32
        %while3A_152 = arith.constant 1 : i32
        scf.for %while3A_154 = %while3A_144 to %while3A_151 step %while3A_152  : i32 {
          %get3A = arith.index_cast %while3A_154 : i32 to index
          %get3A_155 = arith.constant 0 : index
          %get3A_156 = tpu.vector_load %arg9[%get3A, %get3A_155] {strides = array<i32>} : memref<64x128xf32, #tpu.memory_space<vmem>>, vector<1x16xf32>,
          %get3A_157 = vector.shape_cast %get3A_156 : vector<1x16xf32> to vector<16xf32>
          %get3A_158 = arith.index_cast %while3A_154 : i32 to index
          %get3A_159 = arith.constant 0 : index
          %get3A_160 = tpu.vector_load %arg10[%get3A_158, %get3A_159] {strides = array<i32>} : memref<64x128xf32, #tpu.memory_space<vmem>>, vector<1x16xf32>,
          %get3A_161 = vector.shape_cast %get3A_160 : vector<1x16xf32> to vector<16xf32>
          %mul3A_162 = arith.mulf %get3A_157, %get3A_161 : vector<16xf32>
          %swap3A = arith.index_cast %while3A_154 : i32 to index
          %swap3A_163 = arith.constant 0 : index
          %swap3A_164 = tpu.vector_load %arg9[%swap3A, %swap3A_163] {strides = array<i32>} : memref<64x128xf32, #tpu.memory_space<vmem>>, vector<1x16xf32>,
          %swap3A_165 = vector.shape_cast %swap3A_164 : vector<1x16xf32> to vector<16xf32>
          %swap3A_166 = vector.shape_cast %mul3A_162 : vector<16xf32> to vector<1x16xf32>
          tpu.vector_store %arg9[%swap3A, %swap3A_163], %swap3A_166 {strides = array<i32>} : memref<64x128xf32, #tpu.memory_space<vmem>>, vector<1x16xf32>,
          %get3A_167 = arith.index_cast %while3A_154 : i32 to index
          %get3A_168 = arith.constant 16 : index
          %get3A_169 = tpu.vector_load %arg9[%get3A_167, %get3A_168] {strides = array<i32>} : memref<64x128xf32, #tpu.memory_space<vmem>>, vector<1x16xf32>,
          %get3A_170 = vector.shape_cast %get3A_169 : vector<1x16xf32> to vector<16xf32>
          %get3A_171 = arith.index_cast %while3A_154 : i32 to index
          %get3A_172 = arith.constant 16 : index
          %get3A_173 = tpu.vector_load %arg10[%get3A_171, %get3A_172] {strides = array<i32>} : memref<64x128xf32, #tpu.memory_space<vmem>>, vector<1x16xf32>,
          %get3A_174 = vector.shape_cast %get3A_173 : vector<1x16xf32> to vector<16xf32>
          %mul3A_175 = arith.mulf %get3A_170, %get3A_174 : vector<16xf32>
          %swap3A_176 = arith.index_cast %while3A_154 : i32 to index
          %swap3A_177 = arith.constant 16 : index
          %swap3A_178 = tpu.vector_load %arg9[%swap3A_176, %swap3A_177] {strides = array<i32>} : memref<64x128xf32, #tpu.memory_space<vmem>>, vector<1x16xf32>,
          %swap3A_179 = vector.shape_cast %swap3A_178 : vector<1x16xf32> to vector<16xf32>
          %swap3A_180 = vector.shape_cast %mul3A_175 : vector<16xf32> to vector<1x16xf32>
          tpu.vector_store %arg9[%swap3A_176, %swap3A_177], %swap3A_180 {strides = array<i32>} : memref<64x128xf32, #tpu.memory_space<vmem>>, vector<1x16xf32>,
          %get3A_181 = arith.index_cast %while3A_154 : i32 to index
          %get3A_182 = arith.constant 32 : index
          %get3A_183 = tpu.vector_load %arg9[%get3A_181, %get3A_182] {strides = array<i32>} : memref<64x128xf32, #tpu.memory_space<vmem>>, vector<1x16xf32>,
          %get3A_184 = vector.shape_cast %get3A_183 : vector<1x16xf32> to vector<16xf32>
          %get3A_185 = arith.index_cast %while3A_154 : i32 to index
          %get3A_186 = arith.constant 32 : index
          %get3A_187 = tpu.vector_load %arg10[%get3A_185, %get3A_186] {strides = array<i32>} : memref<64x128xf32, #tpu.memory_space<vmem>>, vector<1x16xf32>,
          %get3A_188 = vector.shape_cast %get3A_187 : vector<1x16xf32> to vector<16xf32>
          %mul3A_189 = arith.mulf %get3A_184, %get3A_188 : vector<16xf32>
          %swap3A_190 = arith.index_cast %while3A_154 : i32 to index
          %swap3A_191 = arith.constant 32 : index
          %swap3A_192 = tpu.vector_load %arg9[%swap3A_190, %swap3A_191] {strides = array<i32>} : memref<64x128xf32, #tpu.memory_space<vmem>>, vector<1x16xf32>,
          %swap3A_193 = vector.shape_cast %swap3A_192 : vector<1x16xf32> to vector<16xf32>
          %swap3A_194 = vector.shape_cast %mul3A_189 : vector<16xf32> to vector<1x16xf32>
          tpu.vector_store %arg9[%swap3A_190, %swap3A_191], %swap3A_194 {strides = array<i32>} : memref<64x128xf32, #tpu.memory_space<vmem>>, vector<1x16xf32>,
          %get3A_195 = arith.index_cast %while3A_154 : i32 to index
          %get3A_196 = arith.constant 48 : index
          %get3A_197 = tpu.vector_load %arg9[%get3A_195, %get3A_196] {strides = array<i32>} : memref<64x128xf32, #tpu.memory_space<vmem>>, vector<1x16xf32>,
          %get3A_198 = vector.shape_cast %get3A_197 : vector<1x16xf32> to vector<16xf32>
          %get3A_199 = arith.index_cast %while3A_154 : i32 to index
          %get3A_200 = arith.constant 48 : index
          %get3A_201 = tpu.vector_load %arg10[%get3A_199, %get3A_200] {strides = array<i32>} : memref<64x128xf32, #tpu.memory_space<vmem>>, vector<1x16xf32>,
          %get3A_202 = vector.shape_cast %get3A_201 : vector<1x16xf32> to vector<16xf32>
          %mul3A_203 = arith.mulf %get3A_198, %get3A_202 : vector<16xf32>
          %swap3A_204 = arith.index_cast %while3A_154 : i32 to index
          %swap3A_205 = arith.constant 48 : index
          %swap3A_206 = tpu.vector_load %arg9[%swap3A_204, %swap3A_205] {strides = array<i32>} : memref<64x128xf32, #tpu.memory_space<vmem>>, vector<1x16xf32>,
          %swap3A_207 = vector.shape_cast %swap3A_206 : vector<1x16xf32> to vector<16xf32>
          %swap3A_208 = vector.shape_cast %mul3A_203 : vector<16xf32> to vector<1x16xf32>
          tpu.vector_store %arg9[%swap3A_204, %swap3A_205], %swap3A_208 {strides = array<i32>} : memref<64x128xf32, #tpu.memory_space<vmem>>, vector<1x16xf32>,
          %get3A_209 = arith.index_cast %while3A_154 : i32 to index
          %get3A_210 = arith.constant 64 : index
          %get3A_211 = tpu.vector_load %arg9[%get3A_209, %get3A_210] {strides = array<i32>} : memref<64x128xf32, #tpu.memory_space<vmem>>, vector<1x16xf32>,
          %get3A_212 = vector.shape_cast %get3A_211 : vector<1x16xf32> to vector<16xf32>
          %get3A_213 = arith.index_cast %while3A_154 : i32 to index
          %get3A_214 = arith.constant 64 : index
          %get3A_215 = tpu.vector_load %arg10[%get3A_213, %get3A_214] {strides = array<i32>} : memref<64x128xf32, #tpu.memory_space<vmem>>, vector<1x16xf32>,
          %get3A_216 = vector.shape_cast %get3A_215 : vector<1x16xf32> to vector<16xf32>
          %mul3A_217 = arith.mulf %get3A_212, %get3A_216 : vector<16xf32>
          %swap3A_218 = arith.index_cast %while3A_154 : i32 to index
          %swap3A_219 = arith.constant 64 : index
          %swap3A_220 = tpu.vector_load %arg9[%swap3A_218, %swap3A_219] {strides = array<i32>} : memref<64x128xf32, #tpu.memory_space<vmem>>, vector<1x16xf32>,
          %swap3A_221 = vector.shape_cast %swap3A_220 : vector<1x16xf32> to vector<16xf32>
          %swap3A_222 = vector.shape_cast %mul3A_217 : vector<16xf32> to vector<1x16xf32>
          tpu.vector_store %arg9[%swap3A_218, %swap3A_219], %swap3A_222 {strides = array<i32>} : memref<64x128xf32, #tpu.memory_space<vmem>>, vector<1x16xf32>,
          %get3A_223 = arith.index_cast %while3A_154 : i32 to index
          %get3A_224 = arith.constant 80 : index
          %get3A_225 = tpu.vector_load %arg9[%get3A_223, %get3A_224] {strides = array<i32>} : memref<64x128xf32, #tpu.memory_space<vmem>>, vector<1x16xf32>,
          %get3A_226 = vector.shape_cast %get3A_225 : vector<1x16xf32> to vector<16xf32>
          %get3A_227 = arith.index_cast %while3A_154 : i32 to index
          %get3A_228 = arith.constant 80 : index
          %get3A_229 = tpu.vector_load %arg10[%get3A_227, %get3A_228] {strides = array<i32>} : memref<64x128xf32, #tpu.memory_space<vmem>>, vector<1x16xf32>,
          %get3A_230 = vector.shape_cast %get3A_229 : vector<1x16xf32> to vector<16xf32>
          %mul3A_231 = arith.mulf %get3A_226, %get3A_230 : vector<16xf32>
          %swap3A_232 = arith.index_cast %while3A_154 : i32 to index
          %swap3A_233 = arith.constant 80 : index
          %swap3A_234 = tpu.vector_load %arg9[%swap3A_232, %swap3A_233] {strides = array<i32>} : memref<64x128xf32, #tpu.memory_space<vmem>>, vector<1x16xf32>,
          %swap3A_235 = vector.shape_cast %swap3A_234 : vector<1x16xf32> to vector<16xf32>
          %swap3A_236 = vector.shape_cast %mul3A_231 : vector<16xf32> to vector<1x16xf32>
          tpu.vector_store %arg9[%swap3A_232, %swap3A_233], %swap3A_236 {strides = array<i32>} : memref<64x128xf32, #tpu.memory_space<vmem>>, vector<1x16xf32>,
          %get3A_237 = arith.index_cast %while3A_154 : i32 to index
          %get3A_238 = arith.constant 96 : index
          %get3A_239 = tpu.vector_load %arg9[%get3A_237, %get3A_238] {strides = array<i32>} : memref<64x128xf32, #tpu.memory_space<vmem>>, vector<1x16xf32>,
          %get3A_240 = vector.shape_cast %get3A_239 : vector<1x16xf32> to vector<16xf32>
          %get3A_241 = arith.index_cast %while3A_154 : i32 to index
          %get3A_242 = arith.constant 96 : index
          %get3A_243 = tpu.vector_load %arg10[%get3A_241, %get3A_242] {strides = array<i32>} : memref<64x128xf32, #tpu.memory_space<vmem>>, vector<1x16xf32>,
          %get3A_244 = vector.shape_cast %get3A_243 : vector<1x16xf32> to vector<16xf32>
          %mul3A_245 = arith.mulf %get3A_240, %get3A_244 : vector<16xf32>
          %swap3A_246 = arith.index_cast %while3A_154 : i32 to index
          %swap3A_247 = arith.constant 96 : index
          %swap3A_248 = tpu.vector_load %arg9[%swap3A_246, %swap3A_247] {strides = array<i32>} : memref<64x128xf32, #tpu.memory_space<vmem>>, vector<1x16xf32>,
          %swap3A_249 = vector.shape_cast %swap3A_248 : vector<1x16xf32> to vector<16xf32>
          %swap3A_250 = vector.shape_cast %mul3A_245 : vector<16xf32> to vector<1x16xf32>
          tpu.vector_store %arg9[%swap3A_246, %swap3A_247], %swap3A_250 {strides = array<i32>} : memref<64x128xf32, #tpu.memory_space<vmem>>, vector<1x16xf32>,
          %get3A_251 = arith.index_cast %while3A_154 : i32 to index
          %get3A_252 = arith.constant 112 : index
          %get3A_253 = tpu.vector_load %arg9[%get3A_251, %get3A_252] {strides = array<i32>} : memref<64x128xf32, #tpu.memory_space<vmem>>, vector<1x16xf32>,
          %get3A_254 = vector.shape_cast %get3A_253 : vector<1x16xf32> to vector<16xf32>
          %get3A_255 = arith.index_cast %while3A_154 : i32 to index
          %get3A_256 = arith.constant 112 : index
          %get3A_257 = tpu.vector_load %arg10[%get3A_255, %get3A_256] {strides = array<i32>} : memref<64x128xf32, #tpu.memory_space<vmem>>, vector<1x16xf32>,
          %get3A_258 = vector.shape_cast %get3A_257 : vector<1x16xf32> to vector<16xf32>
          %mul3A_259 = arith.mulf %get3A_254, %get3A_258 : vector<16xf32>
          %swap3A_260 = arith.index_cast %while3A_154 : i32 to index
          %swap3A_261 = arith.constant 112 : index
          %swap3A_262 = tpu.vector_load %arg9[%swap3A_260, %swap3A_261] {strides = array<i32>} : memref<64x128xf32, #tpu.memory_space<vmem>>, vector<1x16xf32>,
          %swap3A_263 = vector.shape_cast %swap3A_262 : vector<1x16xf32> to vector<16xf32>
          %swap3A_264 = vector.shape_cast %mul3A_259 : vector<16xf32> to vector<1x16xf32>
          tpu.vector_store %arg9[%swap3A_260, %swap3A_261], %swap3A_264 {strides = array<i32>} : memref<64x128xf32, #tpu.memory_space<vmem>>, vector<1x16xf32>,
        }
        %while3A_153 = arith.constant 1 : i32
        scf.for %while3A_154 = %while3A_151 to %while3A_147 step %while3A_153  : i32 {
          %get3A = arith.index_cast %while3A_154 : i32 to index
          %get3A_155 = arith.constant 0 : index
          %get3A_156 = tpu.vector_load %arg9[%get3A, %get3A_155] {strides = array<i32>} : memref<64x128xf32, #tpu.memory_space<vmem>>, vector<1x16xf32>,
          %get3A_157 = vector.shape_cast %get3A_156 : vector<1x16xf32> to vector<16xf32>
          %get3A_158 = arith.index_cast %while3A_154 : i32 to index
          %get3A_159 = arith.constant 0 : index
          %get3A_160 = tpu.vector_load %arg10[%get3A_158, %get3A_159] {strides = array<i32>} : memref<64x128xf32, #tpu.memory_space<vmem>>, vector<1x16xf32>,
          %get3A_161 = vector.shape_cast %get3A_160 : vector<1x16xf32> to vector<16xf32>
          %mul3A_162 = arith.mulf %get3A_157, %get3A_161 : vector<16xf32>
          %swap3A = arith.index_cast %while3A_154 : i32 to index
          %swap3A_163 = arith.constant 0 : index
          %swap3A_164 = tpu.vector_load %arg9[%swap3A, %swap3A_163] {strides = array<i32>} : memref<64x128xf32, #tpu.memory_space<vmem>>, vector<1x16xf32>,
          %swap3A_165 = vector.shape_cast %swap3A_164 : vector<1x16xf32> to vector<16xf32>
          %swap3A_166 = vector.shape_cast %mul3A_162 : vector<16xf32> to vector<1x16xf32>
          tpu.vector_store %arg9[%swap3A, %swap3A_163], %swap3A_166 {strides = array<i32>} : memref<64x128xf32, #tpu.memory_space<vmem>>, vector<1x16xf32>,
          %get3A_167 = arith.index_cast %while3A_154 : i32 to index
          %get3A_168 = arith.constant 16 : index
          %get3A_169 = tpu.vector_load %arg9[%get3A_167, %get3A_168] {strides = array<i32>} : memref<64x128xf32, #tpu.memory_space<vmem>>, vector<1x16xf32>,
          %get3A_170 = vector.shape_cast %get3A_169 : vector<1x16xf32> to vector<16xf32>
          %get3A_171 = arith.index_cast %while3A_154 : i32 to index
          %get3A_172 = arith.constant 16 : index
          %get3A_173 = tpu.vector_load %arg10[%get3A_171, %get3A_172] {strides = array<i32>} : memref<64x128xf32, #tpu.memory_space<vmem>>, vector<1x16xf32>,
          %get3A_174 = vector.shape_cast %get3A_173 : vector<1x16xf32> to vector<16xf32>
          %mul3A_175 = arith.mulf %get3A_170, %get3A_174 : vector<16xf32>
          %swap3A_176 = arith.index_cast %while3A_154 : i32 to index
          %swap3A_177 = arith.constant 16 : index
          %swap3A_178 = tpu.vector_load %arg9[%swap3A_176, %swap3A_177] {strides = array<i32>} : memref<64x128xf32, #tpu.memory_space<vmem>>, vector<1x16xf32>,
          %swap3A_179 = vector.shape_cast %swap3A_178 : vector<1x16xf32> to vector<16xf32>
          %swap3A_180 = vector.shape_cast %mul3A_175 : vector<16xf32> to vector<1x16xf32>
          tpu.vector_store %arg9[%swap3A_176, %swap3A_177], %swap3A_180 {strides = array<i32>} : memref<64x128xf32, #tpu.memory_space<vmem>>, vector<1x16xf32>,
          %get3A_181 = arith.index_cast %while3A_154 : i32 to index
          %get3A_182 = arith.constant 32 : index
          %get3A_183 = tpu.vector_load %arg9[%get3A_181, %get3A_182] {strides = array<i32>} : memref<64x128xf32, #tpu.memory_space<vmem>>, vector<1x16xf32>,
          %get3A_184 = vector.shape_cast %get3A_183 : vector<1x16xf32> to vector<16xf32>
          %get3A_185 = arith.index_cast %while3A_154 : i32 to index
          %get3A_186 = arith.constant 32 : index
          %get3A_187 = tpu.vector_load %arg10[%get3A_185, %get3A_186] {strides = array<i32>} : memref<64x128xf32, #tpu.memory_space<vmem>>, vector<1x16xf32>,
          %get3A_188 = vector.shape_cast %get3A_187 : vector<1x16xf32> to vector<16xf32>
          %mul3A_189 = arith.mulf %get3A_184, %get3A_188 : vector<16xf32>
          %swap3A_190 = arith.index_cast %while3A_154 : i32 to index
          %swap3A_191 = arith.constant 32 : index
          %swap3A_192 = tpu.vector_load %arg9[%swap3A_190, %swap3A_191] {strides = array<i32>} : memref<64x128xf32, #tpu.memory_space<vmem>>, vector<1x16xf32>,
          %swap3A_193 = vector.shape_cast %swap3A_192 : vector<1x16xf32> to vector<16xf32>
          %swap3A_194 = vector.shape_cast %mul3A_189 : vector<16xf32> to vector<1x16xf32>
          tpu.vector_store %arg9[%swap3A_190, %swap3A_191], %swap3A_194 {strides = array<i32>} : memref<64x128xf32, #tpu.memory_space<vmem>>, vector<1x16xf32>,
          %get3A_195 = arith.index_cast %while3A_154 : i32 to index
          %get3A_196 = arith.constant 48 : index
          %get3A_197 = tpu.vector_load %arg9[%get3A_195, %get3A_196] {strides = array<i32>} : memref<64x128xf32, #tpu.memory_space<vmem>>, vector<1x16xf32>,
          %get3A_198 = vector.shape_cast %get3A_197 : vector<1x16xf32> to vector<16xf32>
          %get3A_199 = arith.index_cast %while3A_154 : i32 to index
          %get3A_200 = arith.constant 48 : index
          %get3A_201 = tpu.vector_load %arg10[%get3A_199, %get3A_200] {strides = array<i32>} : memref<64x128xf32, #tpu.memory_space<vmem>>, vector<1x16xf32>,
          %get3A_202 = vector.shape_cast %get3A_201 : vector<1x16xf32> to vector<16xf32>
          %mul3A_203 = arith.mulf %get3A_198, %get3A_202 : vector<16xf32>
          %swap3A_204 = arith.index_cast %while3A_154 : i32 to index
          %swap3A_205 = arith.constant 48 : index
          %swap3A_206 = tpu.vector_load %arg9[%swap3A_204, %swap3A_205] {strides = array<i32>} : memref<64x128xf32, #tpu.memory_space<vmem>>, vector<1x16xf32>,
          %swap3A_207 = vector.shape_cast %swap3A_206 : vector<1x16xf32> to vector<16xf32>
          %swap3A_208 = vector.shape_cast %mul3A_203 : vector<16xf32> to vector<1x16xf32>
          tpu.vector_store %arg9[%swap3A_204, %swap3A_205], %swap3A_208 {strides = array<i32>} : memref<64x128xf32, #tpu.memory_space<vmem>>, vector<1x16xf32>,
          %get3A_209 = arith.index_cast %while3A_154 : i32 to index
          %get3A_210 = arith.constant 64 : index
          %get3A_211 = tpu.vector_load %arg9[%get3A_209, %get3A_210] {strides = array<i32>} : memref<64x128xf32, #tpu.memory_space<vmem>>, vector<1x16xf32>,
          %get3A_212 = vector.shape_cast %get3A_211 : vector<1x16xf32> to vector<16xf32>
          %get3A_213 = arith.index_cast %while3A_154 : i32 to index
          %get3A_214 = arith.constant 64 : index
          %get3A_215 = tpu.vector_load %arg10[%get3A_213, %get3A_214] {strides = array<i32>} : memref<64x128xf32, #tpu.memory_space<vmem>>, vector<1x16xf32>,
          %get3A_216 = vector.shape_cast %get3A_215 : vector<1x16xf32> to vector<16xf32>
          %mul3A_217 = arith.mulf %get3A_212, %get3A_216 : vector<16xf32>
          %swap3A_218 = arith.index_cast %while3A_154 : i32 to index
          %swap3A_219 = arith.constant 64 : index
          %swap3A_220 = tpu.vector_load %arg9[%swap3A_218, %swap3A_219] {strides = array<i32>} : memref<64x128xf32, #tpu.memory_space<vmem>>, vector<1x16xf32>,
          %swap3A_221 = vector.shape_cast %swap3A_220 : vector<1x16xf32> to vector<16xf32>
          %swap3A_222 = vector.shape_cast %mul3A_217 : vector<16xf32> to vector<1x16xf32>
          tpu.vector_store %arg9[%swap3A_218, %swap3A_219], %swap3A_222 {strides = array<i32>} : memref<64x128xf32, #tpu.memory_space<vmem>>, vector<1x16xf32>,
          %get3A_223 = arith.index_cast %while3A_154 : i32 to index
          %get3A_224 = arith.constant 80 : index
          %get3A_225 = tpu.vector_load %arg9[%get3A_223, %get3A_224] {strides = array<i32>} : memref<64x128xf32, #tpu.memory_space<vmem>>, vector<1x16xf32>,
          %get3A_226 = vector.shape_cast %get3A_225 : vector<1x16xf32> to vector<16xf32>
          %get3A_227 = arith.index_cast %while3A_154 : i32 to index
          %get3A_228 = arith.constant 80 : index
          %get3A_229 = tpu.vector_load %arg10[%get3A_227, %get3A_228] {strides = array<i32>} : memref<64x128xf32, #tpu.memory_space<vmem>>, vector<1x16xf32>,
          %get3A_230 = vector.shape_cast %get3A_229 : vector<1x16xf32> to vector<16xf32>
          %mul3A_231 = arith.mulf %get3A_226, %get3A_230 : vector<16xf32>
          %swap3A_232 = arith.index_cast %while3A_154 : i32 to index
          %swap3A_233 = arith.constant 80 : index
          %swap3A_234 = tpu.vector_load %arg9[%swap3A_232, %swap3A_233] {strides = array<i32>} : memref<64x128xf32, #tpu.memory_space<vmem>>, vector<1x16xf32>,
          %swap3A_235 = vector.shape_cast %swap3A_234 : vector<1x16xf32> to vector<16xf32>
          %swap3A_236 = vector.shape_cast %mul3A_231 : vector<16xf32> to vector<1x16xf32>
          tpu.vector_store %arg9[%swap3A_232, %swap3A_233], %swap3A_236 {strides = array<i32>} : memref<64x128xf32, #tpu.memory_space<vmem>>, vector<1x16xf32>,
          %get3A_237 = arith.index_cast %while3A_154 : i32 to index
          %get3A_238 = arith.constant 96 : index
          %get3A_239 = tpu.vector_load %arg9[%get3A_237, %get3A_238] {strides = array<i32>} : memref<64x128xf32, #tpu.memory_space<vmem>>, vector<1x16xf32>,
          %get3A_240 = vector.shape_cast %get3A_239 : vector<1x16xf32> to vector<16xf32>
          %get3A_241 = arith.index_cast %while3A_154 : i32 to index
          %get3A_242 = arith.constant 96 : index
          %get3A_243 = tpu.vector_load %arg10[%get3A_241, %get3A_242] {strides = array<i32>} : memref<64x128xf32, #tpu.memory_space<vmem>>, vector<1x16xf32>,
          %get3A_244 = vector.shape_cast %get3A_243 : vector<1x16xf32> to vector<16xf32>
          %mul3A_245 = arith.mulf %get3A_240, %get3A_244 : vector<16xf32>
          %swap3A_246 = arith.index_cast %while3A_154 : i32 to index
          %swap3A_247 = arith.constant 96 : index
          %swap3A_248 = tpu.vector_load %arg9[%swap3A_246, %swap3A_247] {strides = array<i32>} : memref<64x128xf32, #tpu.memory_space<vmem>>, vector<1x16xf32>,
          %swap3A_249 = vector.shape_cast %swap3A_248 : vector<1x16xf32> to vector<16xf32>
          %swap3A_250 = vector.shape_cast %mul3A_245 : vector<16xf32> to vector<1x16xf32>
          tpu.vector_store %arg9[%swap3A_246, %swap3A_247], %swap3A_250 {strides = array<i32>} : memref<64x128xf32, #tpu.memory_space<vmem>>, vector<1x16xf32>,
          %get3A_251 = arith.index_cast %while3A_154 : i32 to index
          %get3A_252 = arith.constant 112 : index
          %get3A_253 = tpu.vector_load %arg9[%get3A_251, %get3A_252] {strides = array<i32>} : memref<64x128xf32, #tpu.memory_space<vmem>>, vector<1x16xf32>,
          %get3A_254 = vector.shape_cast %get3A_253 : vector<1x16xf32> to vector<16xf32>
          %get3A_255 = arith.index_cast %while3A_154 : i32 to index
          %get3A_256 = arith.constant 112 : index
          %get3A_257 = tpu.vector_load %arg10[%get3A_255, %get3A_256] {strides = array<i32>} : memref<64x128xf32, #tpu.memory_space<vmem>>, vector<1x16xf32>,
          %get3A_258 = vector.shape_cast %get3A_257 : vector<1x16xf32> to vector<16xf32>
          %mul3A_259 = arith.mulf %get3A_254, %get3A_258 : vector<16xf32>
          %swap3A_260 = arith.index_cast %while3A_154 : i32 to index
          %swap3A_261 = arith.constant 112 : index
          %swap3A_262 = tpu.vector_load %arg9[%swap3A_260, %swap3A_261] {strides = array<i32>} : memref<64x128xf32, #tpu.memory_space<vmem>>, vector<1x16xf32>,
          %swap3A_263 = vector.shape_cast %swap3A_262 : vector<1x16xf32> to vector<16xf32>
          %swap3A_264 = vector.shape_cast %mul3A_259 : vector<16xf32> to vector<1x16xf32>
          tpu.vector_store %arg9[%swap3A_260, %swap3A_261], %swap3A_264 {strides = array<i32>} : memref<64x128xf32, #tpu.memory_space<vmem>>, vector<1x16xf32>,
        }
        "tpu.region"() ({
          %run_scoped3A = tpu.sem_alloc : memref<!tpu.dma_semaphore, #tpu.memory_space<semaphore_mem>>
          %dma_start3A_154 = arith.constant 0 : i32
          %dma_start3A_155 = tpu.memref_slice %arg8[%while3A_126, %dma_start3A_154] : memref<8x64xi32, #tpu.memory_space<vmem>> -> memref<1x64xi32, #tpu.memory_space<vmem>>
          %dma_start3A_156 = tpu.memref_squeeze %dma_start3A_155 : memref<1x64xi32, #tpu.memory_space<vmem>> -> memref<64xi32, #tpu.memory_space<vmem>>
          %dma_start3A_157 = arith.constant 0 : i32
          %dma_start3A_158 = arith.constant 0 : i32
          %dma_start3A_159 = tpu.memref_slice %arg12[%dma_start3A_157, %dma_start3A_158] : memref<10240x128xf32, #tpu.memory_space<vmem_shared>> -> memref<10240x128xf32, #tpu.memory_space<vmem_shared>>
          tpu.enqueue_indirect_dma source(%arg9 : memref<64x128xf32, #tpu.memory_space<vmem>>) target(%dma_start3A_159 : memref<10240x128xf32, #tpu.memory_space<vmem_shared>>) offsets(%dma_start3A_156 : memref<64xi32, #tpu.memory_space<vmem>>) semaphore(%run_scoped3A : memref<!tpu.dma_semaphore, #tpu.memory_space<semaphore_mem>>) {add = true}
          %dma_wait3A_160 = arith.constant 0 : i32
          %dma_wait3A_161 = tpu.memref_slice %arg8[%while3A_126, %dma_wait3A_160] : memref<8x64xi32, #tpu.memory_space<vmem>> -> memref<1x64xi32, #tpu.memory_space<vmem>>
          %dma_wait3A_162 = tpu.memref_squeeze %dma_wait3A_161 : memref<1x64xi32, #tpu.memory_space<vmem>> -> memref<64xi32, #tpu.memory_space<vmem>>
          %dma_wait3A_163 = arith.constant 0 : i32
          %dma_wait3A_164 = arith.constant 0 : i32
          %dma_wait3A_165 = tpu.memref_slice %arg12[%dma_wait3A_163, %dma_wait3A_164] : memref<10240x128xf32, #tpu.memory_space<vmem_shared>> -> memref<10240x128xf32, #tpu.memory_space<vmem_shared>>
          tpu.wait_indirect_dma semaphore(%run_scoped3A : memref<!tpu.dma_semaphore, #tpu.memory_space<semaphore_mem>>) src(%arg9 : memref<64x128xf32, #tpu.memory_space<vmem>>) dst(%dma_wait3A_165 : memref<10240x128xf32, #tpu.memory_space<vmem_shared>>)
          tpu.yield
        }) : () -> ()
      }
    }
    %barrier3A_105 = arith.constant 0 : index
    tpu.barrier barrier_id(%barrier3A_105)
    %mul3A_106 = arith.constant 640 : i32
    %mul3A_107 = arith.muli %arg1, %mul3A_106 : i32
    %mul3A_108 = arith.constant 640 : i32
    %mul3A_109 = arith.muli %arg1, %mul3A_108 : i32
    "tpu.region"() ({
      %run_scoped3A = tpu.sem_alloc : memref<!tpu.dma_semaphore, #tpu.memory_space<semaphore_mem>>
      %dma_start3A = arith.constant 0 : i32
      %dma_start3A_110 = tpu.memref_slice %arg6[%arg0, %mul3A_109, %dma_start3A] : memref<2x10240x128xf32, #tpu.memory_space<hbm>> -> memref<1x640x128xf32, #tpu.memory_space<hbm>>
      %dma_start3A_111 = tpu.memref_squeeze %dma_start3A_110 : memref<1x640x128xf32, #tpu.memory_space<hbm>> -> memref<640x128xf32, #tpu.memory_space<hbm>>
      %dma_start3A_112 = arith.constant 0 : i32
      %dma_start3A_113 = tpu.memref_slice %arg12[%mul3A_107, %dma_start3A_112] : memref<10240x128xf32, #tpu.memory_space<vmem_shared>> -> memref<640x128xf32, #tpu.memory_space<vmem_shared>>
      tpu.enqueue_dma source(%dma_start3A_113 : memref<640x128xf32, #tpu.memory_space<vmem_shared>>) target(%dma_start3A_111 : memref<640x128xf32, #tpu.memory_space<hbm>>) target_semaphore(%run_scoped3A : memref<!tpu.dma_semaphore, #tpu.memory_space<semaphore_mem>>)
      %dma_wait3A = arith.constant 0 : i32
      %dma_wait3A_114 = tpu.memref_slice %arg6[%arg0, %mul3A_109, %dma_wait3A] : memref<2x10240x128xf32, #tpu.memory_space<hbm>> -> memref<1x640x128xf32, #tpu.memory_space<hbm>>
      %dma_wait3A_115 = tpu.memref_squeeze %dma_wait3A_114 : memref<1x640x128xf32, #tpu.memory_space<hbm>> -> memref<640x128xf32, #tpu.memory_space<hbm>>
      %dma_wait3A_116 = arith.constant 0 : i32
      %dma_wait3A_117 = tpu.memref_slice %arg12[%mul3A_107, %dma_wait3A_116] : memref<10240x128xf32, #tpu.memory_space<vmem_shared>> -> memref<640x128xf32, #tpu.memory_space<vmem_shared>>
      tpu.wait_dma2 semaphore(%run_scoped3A : memref<!tpu.dma_semaphore, #tpu.memory_space<semaphore_mem>>) src(%dma_wait3A_117 : memref<640x128xf32, #tpu.memory_space<vmem_shared>>) dst(%dma_wait3A_115 : memref<640x128xf32, #tpu.memory_space<hbm>>)
      tpu.yield
    }) : () -> ()
    return
  }
}

module attributes {stable_mosaic.version = 14 : i64} {
  func.func @_pre_body(%arg0: i32, %arg1: memref<1000x128xf32, #tpu.memory_space<vmem>>, %arg2: memref<128x128xf32, #tpu.memory_space<vmem>>, %arg3: memref<1000x128xf32, #tpu.memory_space<vmem>>) attributes {dimension_semantics = [#tpu.dimension_semantics<arbitrary>], iteration_bounds = array<i64: 10>, scalar_prefetch = 0 : i64, scratch_operands = 0 : i64, tpu.core_type = #tpu.core_type<tc>, window_params = [{transform_indices = @transform_0, window_bounds = array<i64: 1000, 128>}, {pipeline_mode = #tpu.pipeline_mode<synchronous>, transform_indices = @transform_1, window_bounds = array<i64: 128, 128>}, {transform_indices = @transform_2, window_bounds = array<i64: 1000, 128>}]} {
    %get3A = arith.constant 0 : index
    %get3A_0 = arith.constant 0 : index
    %get3A_1 = vector.load %arg1[%get3A, %get3A_0] : memref<1000x128xf32, #tpu.memory_space<vmem>>, vector<1000x128xf32>
    %get3A_2 = arith.constant 0 : index
    %get3A_3 = arith.constant 0 : index
    %get3A_4 = vector.load %arg2[%get3A_2, %get3A_3] : memref<128x128xf32, #tpu.memory_space<vmem>>, vector<128x128xf32>
    %dot_general3A = arith.constant dense<0.000000e+00> : vector<1000x128xf32>
    %dot_general3A_5 = tpu.matmul %get3A_1, %get3A_4, %dot_general3A {dimension_numbers = #tpu.dot_dimension_numbers<[1], [0], [0], [1], [0, 0, 1, 1], [], []>, transpose_lhs_hint = false} : vector<1000x128xf32>, vector<128x128xf32>, vector<1000x128xf32> -> vector<1000x128xf32>
    %mul3A = arith.constant 0.0883883461 : f32
    %mul3A_6 = vector.broadcast %mul3A : f32 to vector<1000x128xf32>
    %mul3A_7 = arith.mulf %dot_general3A_5, %mul3A_6 : vector<1000x128xf32>
    %swap3A = arith.constant 0 : index
    %swap3A_8 = arith.constant 0 : index
    %swap3A_9 = vector.load %arg3[%swap3A, %swap3A_8] : memref<1000x128xf32, #tpu.memory_space<vmem>>, vector<1000x128xf32>
    tpu.vector_store %arg3[%swap3A, %swap3A_8], %mul3A_7 {strides = array<i32>} : memref<1000x128xf32, #tpu.memory_space<vmem>>, vector<1000x128xf32>,
    return
  }
  func.func @transform_0(%arg0: i32) -> (i32, i32) {
    %c0_i32 = arith.constant 0 : i32
    %c0_i32_0 = arith.constant 0 : i32
    return %arg0, %c0_i32 : i32, i32
  }
  func.func @transform_1(%arg0: i32) -> (i32, i32) {
    %c0_i32 = arith.constant 0 : i32
    %c0_i32_0 = arith.constant 0 : i32
    %c0_i32_1 = arith.constant 0 : i32
    return %c0_i32, %c0_i32_0 : i32, i32
  }
  func.func @transform_2(%arg0: i32) -> (i32, i32) {
    %c0_i32 = arith.constant 0 : i32
    %c0_i32_0 = arith.constant 0 : i32
    return %arg0, %c0_i32 : i32, i32
  }
}

module attributes {stable_mosaic.version = 14 : i64} {
  func.func @_coeff_body(%arg0: i32, %arg1: memref<8192x8xf32, #tpu.memory_space<vmem>>, %arg2: memref<8192x1xf32, #tpu.memory_space<vmem>>, %arg3: memref<8x64xf32, #tpu.memory_space<vmem>>, %arg4: memref<64x64xf32, #tpu.memory_space<vmem>>, %arg5: memref<64x128xf32, #tpu.memory_space<vmem>>, %arg6: memref<8192x128xf32, #tpu.memory_space<vmem>>) attributes {dimension_semantics = [#tpu.dimension_semantics<arbitrary>], iteration_bounds = array<i64: 40>, scalar_prefetch = 0 : i64, scratch_operands = 0 : i64, tpu.core_type = #tpu.core_type<tc>, window_params = [{transform_indices = @transform_0, window_bounds = array<i64: 8192, 8>}, {transform_indices = @transform_1, window_bounds = array<i64: 8192, 1>}, {pipeline_mode = #tpu.pipeline_mode<synchronous>, transform_indices = @transform_2, window_bounds = array<i64: 8, 64>}, {pipeline_mode = #tpu.pipeline_mode<synchronous>, transform_indices = @transform_3, window_bounds = array<i64: 64, 64>}, {pipeline_mode = #tpu.pipeline_mode<synchronous>, transform_indices = @transform_4, window_bounds = array<i64: 64, 128>}, {transform_indices = @transform_5, window_bounds = array<i64: 8192, 128>}]} {
    %get3A = arith.constant 0 : index
    %get3A_0 = arith.constant 0 : index
    %get3A_1 = vector.load %arg1[%get3A, %get3A_0] : memref<8192x8xf32, #tpu.memory_space<vmem>>, vector<8192x8xf32>
    %get3A_2 = arith.constant 0 : index
    %get3A_3 = arith.constant 0 : index
    %get3A_4 = vector.load %arg3[%get3A_2, %get3A_3] : memref<8x64xf32, #tpu.memory_space<vmem>>, vector<8x64xf32>
    %dot_general3A = arith.constant dense<0.000000e+00> : vector<8192x64xf32>
    %dot_general3A_5 = tpu.matmul %get3A_1, %get3A_4, %dot_general3A {dimension_numbers = #tpu.dot_dimension_numbers<[1], [0], [0], [1], [0, 0, 1, 1], [], []>, transpose_lhs_hint = false} : vector<8192x8xf32>, vector<8x64xf32>, vector<8192x64xf32> -> vector<8192x64xf32>
    %logistic3A = arith.negf %dot_general3A_5 : vector<8192x64xf32>
    %logistic3A_6 = math.exp %logistic3A : vector<8192x64xf32>
    %logistic3A_7 = arith.constant 1.000000e+00 : f32
    %logistic3A_8 = vector.broadcast %logistic3A_7 : f32 to vector<8192x64xf32>
    %logistic3A_9 = arith.addf %logistic3A_8, %logistic3A_6 : vector<8192x64xf32>
    %logistic3A_10 = arith.divf %logistic3A_8, %logistic3A_9 : vector<8192x64xf32>
    %mul3A = arith.mulf %dot_general3A_5, %logistic3A_10 : vector<8192x64xf32>
    %get3A_11 = arith.constant 0 : index
    %get3A_12 = arith.constant 0 : index
    %get3A_13 = vector.load %arg4[%get3A_11, %get3A_12] : memref<64x64xf32, #tpu.memory_space<vmem>>, vector<64x64xf32>
    %dot_general3A_14 = arith.constant dense<0.000000e+00> : vector<8192x64xf32>
    %dot_general3A_15 = tpu.matmul %mul3A, %get3A_13, %dot_general3A_14 {dimension_numbers = #tpu.dot_dimension_numbers<[1], [0], [0], [1], [0, 0, 1, 1], [], []>, transpose_lhs_hint = false} : vector<8192x64xf32>, vector<64x64xf32>, vector<8192x64xf32> -> vector<8192x64xf32>
    %logistic3A_16 = arith.negf %dot_general3A_15 : vector<8192x64xf32>
    %logistic3A_17 = math.exp %logistic3A_16 : vector<8192x64xf32>
    %logistic3A_18 = arith.constant 1.000000e+00 : f32
    %logistic3A_19 = vector.broadcast %logistic3A_18 : f32 to vector<8192x64xf32>
    %logistic3A_20 = arith.addf %logistic3A_19, %logistic3A_17 : vector<8192x64xf32>
    %logistic3A_21 = arith.divf %logistic3A_19, %logistic3A_20 : vector<8192x64xf32>
    %mul3A_22 = arith.mulf %dot_general3A_15, %logistic3A_21 : vector<8192x64xf32>
    %get3A_23 = arith.constant 0 : index
    %get3A_24 = arith.constant 0 : index
    %get3A_25 = vector.load %arg5[%get3A_23, %get3A_24] : memref<64x128xf32, #tpu.memory_space<vmem>>, vector<64x128xf32>
    %dot_general3A_26 = arith.constant dense<0.000000e+00> : vector<8192x128xf32>
    %dot_general3A_27 = tpu.matmul %mul3A_22, %get3A_25, %dot_general3A_26 {dimension_numbers = #tpu.dot_dimension_numbers<[1], [0], [0], [1], [0, 0, 1, 1], [], []>, transpose_lhs_hint = false} : vector<8192x64xf32>, vector<64x128xf32>, vector<8192x128xf32> -> vector<8192x128xf32>
    %get3A_28 = arith.constant 0 : index
    %get3A_29 = arith.constant 0 : index
    %get3A_30 = vector.load %arg2[%get3A_28, %get3A_29] : memref<8192x1xf32, #tpu.memory_space<vmem>>, vector<8192x1xf32>
    %mul3A_31 = vector.broadcast %get3A_30 : vector<8192x1xf32> to vector<8192x128xf32>
    %mul3A_32 = arith.mulf %dot_general3A_27, %mul3A_31 : vector<8192x128xf32>
    %swap3A = arith.constant 0 : index
    %swap3A_33 = arith.constant 0 : index
    %swap3A_34 = vector.load %arg6[%swap3A, %swap3A_33] : memref<8192x128xf32, #tpu.memory_space<vmem>>, vector<8192x128xf32>
    tpu.vector_store %arg6[%swap3A, %swap3A_33], %mul3A_32 {strides = array<i32>} : memref<8192x128xf32, #tpu.memory_space<vmem>>, vector<8192x128xf32>,
    return
  }
  func.func @transform_0(%arg0: i32) -> (i32, i32) {
    %c0_i32 = arith.constant 0 : i32
    %c0_i32_0 = arith.constant 0 : i32
    return %arg0, %c0_i32 : i32, i32
  }
  func.func @transform_1(%arg0: i32) -> (i32, i32) {
    %c0_i32 = arith.constant 0 : i32
    %c0_i32_0 = arith.constant 0 : i32
    return %arg0, %c0_i32 : i32, i32
  }
  func.func @transform_2(%arg0: i32) -> (i32, i32) {
    %c0_i32 = arith.constant 0 : i32
    %c0_i32_0 = arith.constant 0 : i32
    %c0_i32_1 = arith.constant 0 : i32
    return %c0_i32, %c0_i32_0 : i32, i32
  }
  func.func @transform_3(%arg0: i32) -> (i32, i32) {
    %c0_i32 = arith.constant 0 : i32
    %c0_i32_0 = arith.constant 0 : i32
    %c0_i32_1 = arith.constant 0 : i32
    return %c0_i32, %c0_i32_0 : i32, i32
  }
  func.func @transform_4(%arg0: i32) -> (i32, i32) {
    %c0_i32 = arith.constant 0 : i32
    %c0_i32_0 = arith.constant 0 : i32
    %c0_i32_1 = arith.constant 0 : i32
    return %c0_i32, %c0_i32_0 : i32, i32
  }
  func.func @transform_5(%arg0: i32) -> (i32, i32) {
    %c0_i32 = arith.constant 0 : i32
    %c0_i32_0 = arith.constant 0 : i32
    return %arg0, %c0_i32 : i32, i32
  }
}

module attributes {stable_mosaic.version = 14 : i64} {
  func.func @_post_body(%arg0: i32, %arg1: memref<2x1000x128xf32, #tpu.memory_space<vmem>>, %arg2: memref<1000x128xf32, #tpu.memory_space<vmem>>, %arg3: memref<1000x4xf32, #tpu.memory_space<vmem>>, %arg4: memref<128x128xf32, #tpu.memory_space<vmem>>, %arg5: memref<3x4x128xf32, #tpu.memory_space<vmem>>, %arg6: memref<4x128x128xf32, #tpu.memory_space<vmem>>, %arg7: memref<128x128xf32, #tpu.memory_space<vmem>>, %arg8: memref<1000x128xf32, #tpu.memory_space<vmem>>) attributes {dimension_semantics = [#tpu.dimension_semantics<arbitrary>], iteration_bounds = array<i64: 10>, scalar_prefetch = 0 : i64, scratch_operands = 0 : i64, tpu.core_type = #tpu.core_type<tc>, window_params = [{transform_indices = @transform_0, window_bounds = array<i64: 2, 1000, 128>}, {transform_indices = @transform_1, window_bounds = array<i64: 1000, 128>}, {transform_indices = @transform_2, window_bounds = array<i64: 1000, 4>}, {pipeline_mode = #tpu.pipeline_mode<synchronous>, transform_indices = @transform_3, window_bounds = array<i64: 128, 128>}, {pipeline_mode = #tpu.pipeline_mode<synchronous>, transform_indices = @transform_4, window_bounds = array<i64: 3, 4, 128>}, {pipeline_mode = #tpu.pipeline_mode<synchronous>, transform_indices = @transform_5, window_bounds = array<i64: 4, 128, 128>}, {pipeline_mode = #tpu.pipeline_mode<synchronous>, transform_indices = @transform_6, window_bounds = array<i64: 128, 128>}, {transform_indices = @transform_7, window_bounds = array<i64: 1000, 128>}]} {
    %get3A = arith.constant 0 : index
    %get3A_0 = arith.constant 0 : index
    %get3A_1 = arith.constant 0 : index
    %get3A_2 = vector.load %arg1[%get3A, %get3A_0, %get3A_1] : memref<2x1000x128xf32, #tpu.memory_space<vmem>>, vector<1x1000x128xf32>
    %get3A_3 = vector.shape_cast %get3A_2 : vector<1x1000x128xf32> to vector<1000x128xf32>
    %get3A_4 = arith.constant 1 : index
    %get3A_5 = arith.constant 0 : index
    %get3A_6 = arith.constant 0 : index
    %get3A_7 = vector.load %arg1[%get3A_4, %get3A_5, %get3A_6] : memref<2x1000x128xf32, #tpu.memory_space<vmem>>, vector<1x1000x128xf32>
    %get3A_8 = vector.shape_cast %get3A_7 : vector<1x1000x128xf32> to vector<1000x128xf32>
    %add3A = arith.addf %get3A_3, %get3A_8 : vector<1000x128xf32>
    %get3A_9 = arith.constant 0 : index
    %get3A_10 = arith.constant 0 : index
    %get3A_11 = vector.load %arg4[%get3A_9, %get3A_10] : memref<128x128xf32, #tpu.memory_space<vmem>>, vector<128x128xf32>
    %dot_general3A = arith.constant dense<0.000000e+00> : vector<1000x128xf32>
    %dot_general3A_12 = tpu.matmul %add3A, %get3A_11, %dot_general3A {dimension_numbers = #tpu.dot_dimension_numbers<[1], [0], [0], [1], [0, 0, 1, 1], [], []>, transpose_lhs_hint = false} : vector<1000x128xf32>, vector<128x128xf32>, vector<1000x128xf32> -> vector<1000x128xf32>
    %mul3A = arith.constant 0.0883883461 : f32
    %mul3A_13 = vector.broadcast %mul3A : f32 to vector<1000x128xf32>
    %mul3A_14 = arith.mulf %dot_general3A_12, %mul3A_13 : vector<1000x128xf32>
    %get3A_15 = arith.constant 0 : index
    %get3A_16 = arith.constant 0 : index
    %get3A_17 = vector.load %arg3[%get3A_15, %get3A_16] : memref<1000x4xf32, #tpu.memory_space<vmem>>, vector<1000x4xf32>
    %get3A_18 = arith.constant 0 : index
    %get3A_19 = arith.constant 0 : index
    %get3A_20 = arith.constant 0 : index
    %get3A_21 = vector.load %arg5[%get3A_18, %get3A_19, %get3A_20] : memref<3x4x128xf32, #tpu.memory_space<vmem>>, vector<1x4x128xf32>
    %get3A_22 = vector.shape_cast %get3A_21 : vector<1x4x128xf32> to vector<4x128xf32>
    %dot_general3A_23 = arith.constant dense<0.000000e+00> : vector<1000x128xf32>
    %dot_general3A_24 = tpu.matmul %get3A_17, %get3A_22, %dot_general3A_23 {dimension_numbers = #tpu.dot_dimension_numbers<[1], [0], [0], [1], [0, 0, 1, 1], [], []>, transpose_lhs_hint = false} : vector<1000x4xf32>, vector<4x128xf32>, vector<1000x128xf32> -> vector<1000x128xf32>
    %get3A_25 = arith.constant 1 : index
    %get3A_26 = arith.constant 0 : index
    %get3A_27 = arith.constant 0 : index
    %get3A_28 = vector.load %arg5[%get3A_25, %get3A_26, %get3A_27] : memref<3x4x128xf32, #tpu.memory_space<vmem>>, vector<1x4x128xf32>
    %get3A_29 = vector.shape_cast %get3A_28 : vector<1x4x128xf32> to vector<4x128xf32>
    %dot_general3A_30 = arith.constant dense<0.000000e+00> : vector<1000x128xf32>
    %dot_general3A_31 = tpu.matmul %get3A_17, %get3A_29, %dot_general3A_30 {dimension_numbers = #tpu.dot_dimension_numbers<[1], [0], [0], [1], [0, 0, 1, 1], [], []>, transpose_lhs_hint = false} : vector<1000x4xf32>, vector<4x128xf32>, vector<1000x128xf32> -> vector<1000x128xf32>
    %get3A_32 = arith.constant 2 : index
    %get3A_33 = arith.constant 0 : index
    %get3A_34 = arith.constant 0 : index
    %get3A_35 = vector.load %arg5[%get3A_32, %get3A_33, %get3A_34] : memref<3x4x128xf32, #tpu.memory_space<vmem>>, vector<1x4x128xf32>
    %get3A_36 = vector.shape_cast %get3A_35 : vector<1x4x128xf32> to vector<4x128xf32>
    %dot_general3A_37 = arith.constant dense<0.000000e+00> : vector<1000x128xf32>
    %dot_general3A_38 = tpu.matmul %get3A_17, %get3A_36, %dot_general3A_37 {dimension_numbers = #tpu.dot_dimension_numbers<[1], [0], [0], [1], [0, 0, 1, 1], [], []>, transpose_lhs_hint = false} : vector<1000x4xf32>, vector<4x128xf32>, vector<1000x128xf32> -> vector<1000x128xf32>
    %mul3A_39 = arith.mulf %mul3A_14, %mul3A_14 : vector<1000x128xf32>
    %mul3A_40 = arith.mulf %dot_general3A_24, %mul3A_14 : vector<1000x128xf32>
    %mul3A_41 = arith.mulf %dot_general3A_31, %mul3A_39 : vector<1000x128xf32>
    %add3A_42 = arith.addf %mul3A_40, %mul3A_41 : vector<1000x128xf32>
    %mul3A_43 = arith.mulf %dot_general3A_38, %mul3A_39 : vector<1000x128xf32>
    %mul3A_44 = arith.mulf %mul3A_43, %mul3A_14 : vector<1000x128xf32>
    %add3A_45 = arith.addf %add3A_42, %mul3A_44 : vector<1000x128xf32>
    %get3A_46 = arith.constant 0 : index
    %get3A_47 = arith.constant 0 : index
    %get3A_48 = vector.load %arg2[%get3A_46, %get3A_47] : memref<1000x128xf32, #tpu.memory_space<vmem>>, vector<1000x128xf32>
    %broadcast_in_dim3A = arith.constant 0.000000e+00 : f32
    %broadcast_in_dim3A_49 = vector.broadcast %broadcast_in_dim3A : f32 to vector<1000x128xf32>
    %slice3A = vector.extract_strided_slice %get3A_17 {offsets = [0, 0], sizes = [1000, 1], strides = [1, 1]} : vector<1000x4xf32> to vector<1000x1xf32>
    %squeeze3A = vector.shape_cast %slice3A : vector<1000x1xf32> to vector<1000xf32>
    %broadcast_in_dim3A_50 = vector.shape_cast %squeeze3A : vector<1000xf32> to vector<1000x1xf32>
    %mul3A_51 = vector.broadcast %broadcast_in_dim3A_50 : vector<1000x1xf32> to vector<1000x128xf32>
    %mul3A_52 = arith.mulf %get3A_48, %mul3A_51 : vector<1000x128xf32>
    %get3A_53 = arith.constant 0 : index
    %get3A_54 = arith.constant 0 : index
    %get3A_55 = arith.constant 0 : index
    %get3A_56 = vector.load %arg6[%get3A_53, %get3A_54, %get3A_55] : memref<4x128x128xf32, #tpu.memory_space<vmem>>, vector<1x128x128xf32>
    %get3A_57 = vector.shape_cast %get3A_56 : vector<1x128x128xf32> to vector<128x128xf32>
    %dot_general3A_58 = arith.constant dense<0.000000e+00> : vector<1000x128xf32>
    %dot_general3A_59 = tpu.matmul %mul3A_52, %get3A_57, %dot_general3A_58 {dimension_numbers = #tpu.dot_dimension_numbers<[1], [0], [0], [1], [0, 0, 1, 1], [], []>, transpose_lhs_hint = false} : vector<1000x128xf32>, vector<128x128xf32>, vector<1000x128xf32> -> vector<1000x128xf32>
    %add3A_60 = arith.addf %broadcast_in_dim3A_49, %dot_general3A_59 : vector<1000x128xf32>
    %slice3A_61 = vector.extract_strided_slice %get3A_17 {offsets = [0, 1], sizes = [1000, 1], strides = [1, 1]} : vector<1000x4xf32> to vector<1000x1xf32>
    %squeeze3A_62 = vector.shape_cast %slice3A_61 : vector<1000x1xf32> to vector<1000xf32>
    %broadcast_in_dim3A_63 = vector.shape_cast %squeeze3A_62 : vector<1000xf32> to vector<1000x1xf32>
    %mul3A_64 = vector.broadcast %broadcast_in_dim3A_63 : vector<1000x1xf32> to vector<1000x128xf32>
    %mul3A_65 = arith.mulf %get3A_48, %mul3A_64 : vector<1000x128xf32>
    %get3A_66 = arith.constant 1 : index
    %get3A_67 = arith.constant 0 : index
    %get3A_68 = arith.constant 0 : index
    %get3A_69 = vector.load %arg6[%get3A_66, %get3A_67, %get3A_68] : memref<4x128x128xf32, #tpu.memory_space<vmem>>, vector<1x128x128xf32>
    %get3A_70 = vector.shape_cast %get3A_69 : vector<1x128x128xf32> to vector<128x128xf32>
    %dot_general3A_71 = arith.constant dense<0.000000e+00> : vector<1000x128xf32>
    %dot_general3A_72 = tpu.matmul %mul3A_65, %get3A_70, %dot_general3A_71 {dimension_numbers = #tpu.dot_dimension_numbers<[1], [0], [0], [1], [0, 0, 1, 1], [], []>, transpose_lhs_hint = false} : vector<1000x128xf32>, vector<128x128xf32>, vector<1000x128xf32> -> vector<1000x128xf32>
    %add3A_73 = arith.addf %add3A_60, %dot_general3A_72 : vector<1000x128xf32>
    %slice3A_74 = vector.extract_strided_slice %get3A_17 {offsets = [0, 2], sizes = [1000, 1], strides = [1, 1]} : vector<1000x4xf32> to vector<1000x1xf32>
    %squeeze3A_75 = vector.shape_cast %slice3A_74 : vector<1000x1xf32> to vector<1000xf32>
    %broadcast_in_dim3A_76 = vector.shape_cast %squeeze3A_75 : vector<1000xf32> to vector<1000x1xf32>
    %mul3A_77 = vector.broadcast %broadcast_in_dim3A_76 : vector<1000x1xf32> to vector<1000x128xf32>
    %mul3A_78 = arith.mulf %get3A_48, %mul3A_77 : vector<1000x128xf32>
    %get3A_79 = arith.constant 2 : index
    %get3A_80 = arith.constant 0 : index
    %get3A_81 = arith.constant 0 : index
    %get3A_82 = vector.load %arg6[%get3A_79, %get3A_80, %get3A_81] : memref<4x128x128xf32, #tpu.memory_space<vmem>>, vector<1x128x128xf32>
    %get3A_83 = vector.shape_cast %get3A_82 : vector<1x128x128xf32> to vector<128x128xf32>
    %dot_general3A_84 = arith.constant dense<0.000000e+00> : vector<1000x128xf32>
    %dot_general3A_85 = tpu.matmul %mul3A_78, %get3A_83, %dot_general3A_84 {dimension_numbers = #tpu.dot_dimension_numbers<[1], [0], [0], [1], [0, 0, 1, 1], [], []>, transpose_lhs_hint = false} : vector<1000x128xf32>, vector<128x128xf32>, vector<1000x128xf32> -> vector<1000x128xf32>
    %add3A_86 = arith.addf %add3A_73, %dot_general3A_85 : vector<1000x128xf32>
    %slice3A_87 = vector.extract_strided_slice %get3A_17 {offsets = [0, 3], sizes = [1000, 1], strides = [1, 1]} : vector<1000x4xf32> to vector<1000x1xf32>
    %squeeze3A_88 = vector.shape_cast %slice3A_87 : vector<1000x1xf32> to vector<1000xf32>
    %broadcast_in_dim3A_89 = vector.shape_cast %squeeze3A_88 : vector<1000xf32> to vector<1000x1xf32>
    %mul3A_90 = vector.broadcast %broadcast_in_dim3A_89 : vector<1000x1xf32> to vector<1000x128xf32>
    %mul3A_91 = arith.mulf %get3A_48, %mul3A_90 : vector<1000x128xf32>
    %get3A_92 = arith.constant 3 : index
    %get3A_93 = arith.constant 0 : index
    %get3A_94 = arith.constant 0 : index
    %get3A_95 = vector.load %arg6[%get3A_92, %get3A_93, %get3A_94] : memref<4x128x128xf32, #tpu.memory_space<vmem>>, vector<1x128x128xf32>
    %get3A_96 = vector.shape_cast %get3A_95 : vector<1x128x128xf32> to vector<128x128xf32>
    %dot_general3A_97 = arith.constant dense<0.000000e+00> : vector<1000x128xf32>
    %dot_general3A_98 = tpu.matmul %mul3A_91, %get3A_96, %dot_general3A_97 {dimension_numbers = #tpu.dot_dimension_numbers<[1], [0], [0], [1], [0, 0, 1, 1], [], []>, transpose_lhs_hint = false} : vector<1000x128xf32>, vector<128x128xf32>, vector<1000x128xf32> -> vector<1000x128xf32>
    %add3A_99 = arith.addf %add3A_86, %dot_general3A_98 : vector<1000x128xf32>
    %mul3A_100 = arith.constant 0.0441941731 : f32
    %mul3A_101 = vector.broadcast %mul3A_100 : f32 to vector<1000x128xf32>
    %mul3A_102 = arith.mulf %add3A_99, %mul3A_101 : vector<1000x128xf32>
    %add3A_103 = arith.addf %add3A_45, %mul3A_102 : vector<1000x128xf32>
    %get3A_104 = arith.constant 0 : index
    %get3A_105 = arith.constant 0 : index
    %get3A_106 = vector.load %arg7[%get3A_104, %get3A_105] : memref<128x128xf32, #tpu.memory_space<vmem>>, vector<128x128xf32>
    %dot_general3A_107 = arith.constant dense<0.000000e+00> : vector<1000x128xf32>
    %dot_general3A_108 = tpu.matmul %add3A_103, %get3A_106, %dot_general3A_107 {dimension_numbers = #tpu.dot_dimension_numbers<[1], [0], [0], [1], [0, 0, 1, 1], [], []>, transpose_lhs_hint = false} : vector<1000x128xf32>, vector<128x128xf32>, vector<1000x128xf32> -> vector<1000x128xf32>
    %mul3A_109 = arith.constant 0.0883883461 : f32
    %mul3A_110 = vector.broadcast %mul3A_109 : f32 to vector<1000x128xf32>
    %mul3A_111 = arith.mulf %dot_general3A_108, %mul3A_110 : vector<1000x128xf32>
    %swap3A = arith.constant 0 : index
    %swap3A_112 = arith.constant 0 : index
    %swap3A_113 = vector.load %arg8[%swap3A, %swap3A_112] : memref<1000x128xf32, #tpu.memory_space<vmem>>, vector<1000x128xf32>
    tpu.vector_store %arg8[%swap3A, %swap3A_112], %mul3A_111 {strides = array<i32>} : memref<1000x128xf32, #tpu.memory_space<vmem>>, vector<1000x128xf32>,
    return
  }
  func.func @transform_0(%arg0: i32) -> (i32, i32, i32) {
    %c0_i32 = arith.constant 0 : i32
    %c0_i32_0 = arith.constant 0 : i32
    %c0_i32_1 = arith.constant 0 : i32
    return %c0_i32, %arg0, %c0_i32_0 : i32, i32, i32
  }
  func.func @transform_1(%arg0: i32) -> (i32, i32) {
    %c0_i32 = arith.constant 0 : i32
    %c0_i32_0 = arith.constant 0 : i32
    return %arg0, %c0_i32 : i32, i32
  }
  func.func @transform_2(%arg0: i32) -> (i32, i32) {
    %c0_i32 = arith.constant 0 : i32
    %c0_i32_0 = arith.constant 0 : i32
    return %arg0, %c0_i32 : i32, i32
  }
  func.func @transform_3(%arg0: i32) -> (i32, i32) {
    %c0_i32 = arith.constant 0 : i32
    %c0_i32_0 = arith.constant 0 : i32
    %c0_i32_1 = arith.constant 0 : i32
    return %c0_i32, %c0_i32_0 : i32, i32
  }
  func.func @transform_4(%arg0: i32) -> (i32, i32, i32) {
    %c0_i32 = arith.constant 0 : i32
    %c0_i32_0 = arith.constant 0 : i32
    %c0_i32_1 = arith.constant 0 : i32
    %c0_i32_2 = arith.constant 0 : i32
    return %c0_i32, %c0_i32_0, %c0_i32_1 : i32, i32, i32
  }
  func.func @transform_5(%arg0: i32) -> (i32, i32, i32) {
    %c0_i32 = arith.constant 0 : i32
    %c0_i32_0 = arith.constant 0 : i32
    %c0_i32_1 = arith.constant 0 : i32
    %c0_i32_2 = arith.constant 0 : i32
    return %c0_i32, %c0_i32_0, %c0_i32_1 : i32, i32, i32
  }
  func.func @transform_6(%arg0: i32) -> (i32, i32) {
    %c0_i32 = arith.constant 0 : i32
    %c0_i32_0 = arith.constant 0 : i32
    %c0_i32_1 = arith.constant 0 : i32
    return %c0_i32, %c0_i32_0 : i32, i32
  }
  func.func @transform_7(%arg0: i32) -> (i32, i32) {
    %c0_i32 = arith.constant 0 : i32
    %c0_i32_0 = arith.constant 0 : i32
    return %arg0, %c0_i32 : i32, i32
  }
}

</mosaic_0001>

<sc_bundles>
// kernel: kernel.6.cloned.1.call-start
scs
__scs_entry_jumppad:
0x0: {  	(pc) =	sbr.rel $0x88, $3  }
0x1: {  	(tag) =	ssettag $0x0;
	lr =	simm.s32 $0x1  }
0x2: {  	[smem:$0x3F92] =	sst lr;
	_ =	strace $0xD0000000  }
0x3: {  	_ = 	snop  }
0x4: {  	_ = 	snop  }
0x5: {  	_ = 	snop  }
0x6: {  	_ = 	snop  }
0x7: {  	_ = 	snop  }
__scs_overlays_trampoline_lowered:
0x8: {  	[smem:$0x3FA1] =	sst s0  }
0x9: {  	[smem:$0x3FA2] =	sst s1  }
0xa: {  	[smem:$0x3FA3] =	sst s2  }
0xb: {  	[smem:$0x3FA4] =	sst s3  }
0xc: {  	[smem:$0x3FA5] =	sst s4  }
0xd: {  	[smem:$0x3FA6] =	sst s5  }
0xe: {  	[smem:$0x3FA7] =	sst s6  }
0xf: {  	[smem:$0x3FA8] =	sst s7  }
0x10: {  	[smem:$0x3FA9] =	sst s8  }
0x11: {  	[smem:$0x3FAA] =	sst s9;
	s0 =	simm.s32 @!p0 $0x0  }
0x12: {  	s1 =	sld [smem:$0x3F90];
	s0 =	simm.s32 @p0 $0x1  }
0x13: {  	[smem:$0x3FAB] =	sst s0;
	s0 =	simm.s32 @!p1 $0x0  }
0x14: {  	s2 =	sld [smem:$0x3F8F];
	s0 =	simm.s32 @p1 $0x1  }
0x15: {  	[smem:$0x3FAC] =	sst s0;
	s0 =	simm.s32 @!p2 $0x0  }
0x16: {  	s3 =	sld [smem:$0x3FDB];
	s0 =	simm.s32 @p2 $0x1  }
0x17: {  	s4 =	simm.s32 $0x1BF5;
	[smem:$0x3FAE] =	sst s0  }
0x18: {  	s0 =	sld [smem:$0x3F91];
	_ =	swait.ge [sflag:s4], $0x0  }
0x19: {  	s7 =	sld [smem:$0x3F92]  }
0x1a: {  	s8 =	sadd.s32 $0xFFFFE003, lr  }
0x1b: {  	s9 =	sadd.s32 $0xFFFFFEF7, lr;
	s5 =	simm.s32 $0xFFFFFFFF;
	p2 =	slt.u32 s8, $0xFFFFF086  }
0x1c: {  	p1 =	slt.u32 s9, $0xF7A;
	s5 =	simm.s32 @!p2 $0x0  }
0x1d: {  	s5 =	simm.s32 @p1 $0x1;
	p0 =	seq.s32 s7, s2  }
0x1e: {  	s7 =	smul.u32 @!p0 $0xF7A, s2;
	p2 =	seq.s32 @!p0 s5, $0x0  }
0x1f: {  	s9 =	smul.u32 $0xF7A, s1;
	s8 =	simm.s32 @!p0 $0x1BF5;
	p2 =	por !p2, p0  }
0x20: {  	[sflag:s8] =	ssyncset.s32 @!p0 $0xFFFFF086;
	s6 =	sadd.s32 @!p0 s3, s7;
	s7 =	simm.s32 @!p0 $0x108  }
0x21: {  	s3 =	sadd.s32 s3, s9;
	s6 =	sadd.s32 @!p0 $0x88, s6;
	s7 =	simm.s32 @p2 $0x1082  }
0x22: {  	[simem:s7], [sflag:s8] =	dma.local @!p0 [hbm:s6], $0xF7A  }
0x23: {  	s9 =	sor.u32 $0xD0000000, s2;
	s6 =	simm.s32 $0x108;
	_ =	swait.ge @!p0 [sflag:s8], $0x0  }
0x24: {  	s3 =	sadd.s32 $0x88, s3;
	s6 =	simm.s32 @!p1 $0x1082;
	[sflag:s4] =	ssyncset.s32 $0xFFFFF086  }
0x25: {  	[simem:s6], [sflag:s4] =	dma.local [hbm:s3], $0xF7A  }
0x26: {  	[smem:$0x3F92] =	sst s1;
	(tag) =	ssettag s2;
	_ =	strace s9  }
0x27: {  	s1 =	sld [smem:$0x3FA2]  }
0x28: {  	s2 =	sld [smem:$0x3FA3]  }
0x29: {  	s4 =	sld [smem:$0x3FA5]  }
0x2a: {  	p0 =	seq.s32 s5, $0x0;
	s5 =	sld [smem:$0x3FA6]  }
0x2b: {  	s6 =	sld [smem:$0x3FA7]  }
0x2c: {  	s7 =	sld [smem:$0x3FA8]  }
0x2d: {  	s3 =	simm.s32 $0x108;
	s8 =	sld [smem:$0x3FA9]  }
0x2e: {  	s3 =	simm.s32 @!p0 $0x1082;
	s9 =	sld [smem:$0x3FAA]  }
0x2f: {  	lr =	sadd.s32 s0, s3;
	s0 =	sld [smem:$0x3FA1]  }
0x30: {  	s3 =	sld [smem:$0x3FA4]  }
0x31: {  	[smem:$0x3FAD] =	sst s10  }
0x32: {  	s10 =	sld [smem:$0x3FAB];
	_ =	sdelay $0x3  }
0x33: {  	p0 =	seq.s32 s10, $0x1;
	s10 =	sld [smem:$0x3FAD];
	_ =	sdelay $0x3  }
0x34: {  	[smem:$0x3FAD] =	sst s10  }
0x35: {  	s10 =	sld [smem:$0x3FAC];
	_ =	sdelay $0x3  }
0x36: {  	p1 =	seq.s32 s10, $0x1;
	s10 =	sld [smem:$0x3FAD];
	_ =	sdelay $0x3  }
0x37: {  	[smem:$0x3FAD] =	sst s10  }
0x38: {  	s10 =	sld [smem:$0x3FAE]  }
0x39: {  	_ = 	snop;
	(pc) =	sbr.ind lr, $3  }
0x3a: {  	_ = 	snop  }
0x3b: {  	_ = 	snop  }
0x3c: {  	p2 =	seq.s32 s10, $0x1;
	s10 =	sld [smem:$0x3FAD]  }
0x3d: {  	_ =	shalt  }
0x3e: {  	_ =	shalt  }
0x3f: {  	_ =	shalt  }
0x40: {  	_ =	shalt  }
0x41: {  	_ =	shalt  }
0x42: {  	_ =	shalt  }
0x43: {  	_ =	shalt  }
0x44: {  	_ =	shalt  }
0x45: {  	_ =	shalt  }
0x46: {  	_ =	shalt  }
0x47: {  	_ =	shalt  }
0x48: {  	_ =	shalt  }
0x49: {  	_ =	shalt  }
0x4a: {  	_ =	shalt  }
0x4b: {  	_ =	shalt  }
0x4c: {  	_ =	shalt  }
0x4d: {  	_ =	shalt  }
0x4e: {  	_ =	shalt  }
0x4f: {  	_ =	shalt  }
0x50: {  	_ =	shalt  }
0x51: {  	_ =	shalt  }
0x52: {  	_ =	shalt  }
0x53: {  	_ =	shalt  }
0x54: {  	_ =	shalt  }
0x55: {  	_ =	shalt  }
0x56: {  	_ =	shalt  }
0x57: {  	_ =	shalt  }
0x58: {  	_ =	shalt  }
0x59: {  	_ =	shalt  }
0x5a: {  	_ =	shalt  }
0x5b: {  	_ =	shalt  }
0x5c: {  	_ =	shalt  }
0x5d: {  	_ =	shalt  }
0x5e: {  	_ =	shalt  }
0x5f: {  	_ =	shalt  }
0x60: {  	_ =	shalt  }
0x61: {  	_ =	shalt  }
0x62: {  	_ =	shalt  }
0x63: {  	_ =	shalt  }
0x64: {  	_ =	shalt  }
0x65: {  	_ =	shalt  }
0x66: {  	_ =	shalt  }
0x67: {  	_ =	shalt  }
0x68: {  	_ =	shalt  }
0x69: {  	_ =	shalt  }
0x6a: {  	_ =	shalt  }
0x6b: {  	_ =	shalt  }
0x6c: {  	_ =	shalt  }
0x6d: {  	_ =	shalt  }
0x6e: {  	_ =	shalt  }
0x6f: {  	_ =	shalt  }
0x70: {  	_ =	shalt  }
0x71: {  	_ =	shalt  }
0x72: {  	_ =	shalt  }
0x73: {  	_ =	shalt  }
0x74: {  	_ =	shalt  }
0x75: {  	_ =	shalt  }
0x76: {  	_ =	shalt  }
0x77: {  	_ =	shalt  }
0x78: {  	_ =	shalt  }
0x79: {  	_ =	shalt  }
0x7a: {  	_ =	shalt  }
0x7b: {  	_ =	shalt  }
0x7c: {  	_ =	shalt  }
0x7d: {  	_ =	shalt  }
0x7e: {  	_ =	shalt  }
0x7f: {  	_ =	shalt  }
0x80: {  	_ =	shalt  }
0x81: {  	_ =	shalt  }
0x82: {  	_ =	shalt  }
0x83: {  	_ =	shalt  }
0x84: {  	_ =	shalt  }
0x85: {  	_ =	shalt  }
0x86: {  	_ =	shalt  }
0x87: {  	_ =	shalt  }
.Lfunc_end0:
.L_simem_size_0:
called_computation_lowered:
.L_overlay_start_0:
0x88: {  	s2 =	sld [smem:$0x3FD9]  }
0x89: {  	s3 =	sld [smem:$0x3FFE];
	_ =	sdelay $0x1  }
0x8a: {  	s1 =	srdreg.scid  }
0x8b: {  	s0 =	sand.u32 $0x1, s1  }
0x8c: {  	s17 =	sshll.u32 s0, $0xA;
	s2 =	sadd.s32 s3, s2  }
0x8d: {  	s2 =	sadd.s32 s2, s17  }
0x8e: {  	[smem:$0x3FB9] =	sst s2  }
0x8f: {  	_ = 	snop  }
0x90: {  	s2 =	sld [smem:$0x3FD0];
	(tm) =	ssettm $0x1  }
0x91: {  	s18 =	sld [smem:$0x3FFB];
	_ =	sdelay $0x3  }
0x92: {  	_ =	strace s18  }
0x93: {  	s3 =	sld [smem:$0x3FFC];
	_ =	sdelay $0x3  }
0x94: {  	_ =	strace s3  }
0x95: {  	s3 =	sld [smem:$0x3FFD];
	_ =	sdelay $0x3  }
0x96: {  	_ =	strace s3  }
0x97: {  	_ =	strace $0x8FFFFFFF  }
0x98: {  	s19 =	sld [smem:$0x3FDB];
	_ =	sdelay $0x1  }
0x99: {  	s4 =	simm.s32 $_scs_section_size  }
0x9a: {  	s5 =	simm.s32 $_size__tile_overlayer_lowered;
	s6 =	simm.s32 $_tile_overlayer_lowered  }
0x9b: {  	s22 =	simm.s32 $0x1BFF;
	s21 =	sshll.u32 s6, $0x1;
	s3 =	sadd.s32 s4, s19  }
0x9c: {  	s7 =	simm.s32 $0x0;
	s20 =	sshll.u32 s5, $0x1;
	s5 =	sadd.s32 s21, s3  }
0x9d: {  	[timem:s7], [sflag:s22] =	dma.local [hbm:s5], s20  }
0x9e: {  	_ =	swait.ge [sflag:s22], s20  }
0x9f: {  	s4 =	ssub.s32 $0x0, s20;
	[sflag:s22] =	ssyncset.done $0x0  }
0xa0: {  	[sflag:s22] =	ssyncadd.s32 s4;
	_ =	sdelay $0x1  }
0xa1: {  	s23 =	simm.s32 $0x1B8B  }
0xa2: {  	_ =	swait.ge [sflag:s23], $0x1  }
0xa3: {  	[sflag:s23] =	ssyncset.done $0x0  }
0xa4: {  	s25 =	simm.s32 $0x1B8E;
	s24 =	sld [smem:$0x3FFE];
	[sflag:s23] =	ssyncadd.s32 $0xFFFFFFFF  }
0xa5: {  	s26 =	simm.s32 $execute0_lowered;
	[smem:$0x3FD2] =	sst s25  }
0xa6: {  	s5 =	sshll.u32 s26, $0x1;
	_ =	strace $0x80000046;
	[dreg:$0x1] =	wrdreg $0xFFFFFFFF  }
0xa7: {  	s28 =	simm.s32 $_size_execute0_lowered;
	s3 =	sadd.s32 s3, s5;
	[dreg:$0x0] =	wrdreg $0x0  }
0xa8: {  	s5 =	sshll.u32 s28, $0x1;
	[dreg:$0x2] =	wrdreg s3  }
0xa9: {  	[dreg:$0x3] =	wrdreg s5  }
0xaa: {  	[dreg:$0x4] =	wrdreg $0xC0  }
0xab: {  	_ =	task [dreg:s7], $0x5FFFF  }
0xac: {  	[dreg:$0x1] =	wrdreg $0xFFFFFFFF  }
0xad: {  	[dreg:$0x0] =	wrdreg $0x60  }
0xae: {  	[dreg:$0x2] =	wrdreg s2  }
0xaf: {  	[dreg:$0x3] =	wrdreg s24  }
0xb0: {  	[dreg:$0x4] =	wrdreg $0x58000  }
0xb1: {  	[dreg:$0x5] =	wrdreg $0x9  }
0xb2: {  	_ =	task.clear_ibuf [dreg:s7], $0x6FFFF;
	_ =	strace $0x90000046  }
0xb3: {  	s29 =	simm.s32 $0x9;
	_ =	strace $0x80000048  }
0xb4: {  	_ =	swait.ge [sflag:s29], $0x1  }
0xb5: {  	[sflag:s29] =	ssyncadd.s32 $0xFFFFFFFF  }
0xb6: {  	_ =	strace $0x90000048  }
0xb7: {  	_ =	sfence  }
0xb8: {  	s30 =	sld [smem:$0x0];
	_ =	sdelay $0x2  }
0xb9: {  	s31 =	sshll.u32 s1, $0xD;
	s1 =	sshrl.u32 s1, $0x2  }
0xba: {  	s3 =	sand.u32 $0x4000, s31;
	s1 =	sadd.s32 s1, s30  }
0xbb: {  	s0 =	sor.u32 s3, s0;
	s1 =	sshll.u32 s1, $0x11  }
0xbc: {  	s0 =	sor.u32 s1, s0  }
0xbd: {  	s0 =	sadd.s32 $0x8F2B, s0  }
0xbe: {  	[sflag:s0] =	ssyncadd.remote.s32 $0x1  }
0xbf: {  	_ =	sfence.sel $0xFFFF  }
0xc0: {  	[dreg:$0x0] =	wrdreg $0xFFFFFFFF;
	(pc) =	sbr.abs _section_cstart, $3  }
0xc1: {  	[dreg:$0x1] =	wrdreg $0xFFFFFFFF  }
0xc2: {  	_ =	task.clear_ibuf [dreg:s7], $0x2FFFF;
	_ =	strace $0x9FFFFFFF  }
0xc3: {  	(tm) =	ssettm $0x7FFFFFFF  }
tec
execute0_lowered:
.L_overlay_start_1:
0x0: {  	(tag) =	ssettag $0x1  }
0x1: {  	s0 =	srdreg.scid;
	s6 =	stileid.u32  }
0x2: {  	s0 =	sand.u32 $0x1, s0;
	s9 =	smul.u32 $0x14000, s6  }
0x3: {  	s1 =	rddreg [dreg:$0x0];
	s11 =	smul.u32 $0x50000, s6;
	s4 =	sshll.u32 s0, $0x4  }
0x4: {  	s2 =	rddreg [dreg:$0x1];
	s7 =	smul.u32 $0x140000, s0;
	s8 =	sor.u32 s6, s4  }
0x5: {  	s3 =	rddreg [dreg:$0x2];
	s5 =	smul.u32 $0x28000, s8  }
0x6: {  	s4 =	simm.s32 $0x0;
	s6 =	sadd.s32 $0x16600, s2;
	s7 =	sadd.s32 s9, s7  }
0x7: {  	s11 =	sshrl.u32 s11, $0x2;
	s7 =	sshrl.u32 s7, $0x3;
	s10 =	sadd.s32 s5, s2  }
0x8: {  	s5 =	sadd.s32 $0x2600, s2;
	s2 =	sadd.s32 s7, s2;
	s7 =	sadd.s32 s11, s3  }
0x9: {  	[smem:$0x7FF] =	sst s4;
	s14 =	sadd.s32 $0x1000, s7  }
0xa: {  	_ =	strace $0x80000047;
	s15 =	sadd.s32 $0x2000, s7;
	[dreg:$0x4] =	wrdreg s14  }
0xb: {  	s16 =	sadd.s32 $0x3000, s7;
	[dreg:$0x5] =	wrdreg s15  }
0xc: {  	s17 =	sadd.s32 $0x4000, s7;
	[dreg:$0x6] =	wrdreg s16  }
0xd: {  	s12 =	simm.s32 $0x2800;
	s18 =	sadd.s32 $0x5000, s7;
	[dreg:$0x7] =	wrdreg s17  }
0xe: {  	s0 =	ssub.s32 $0x2, s0;
	s19 =	sadd.s32 $0x6000, s7;
	[dreg:$0x8] =	wrdreg s18  }
0xf: {  	s13 =	sshrl.u32 s0, $0x1;
	s20 =	sadd.s32 $0x7000, s7;
	[dreg:$0x9] =	wrdreg s19  }
0x10: {  	s0 =	ssub.s32 s0, s13;
	s21 =	sadd.s32 $0x8000, s7;
	[dreg:$0xa] =	wrdreg s20  }
0x11: {  	s9 =	simm.s32 $0x40;
	s22 =	sadd.s32 $0x9000, s7;
	[dreg:$0xb] =	wrdreg s21  }
0x12: {  	s11 =	simm.s32 $0x1;
	s23 =	sadd.s32 $0xA000, s7;
	[dreg:$0xc] =	wrdreg s22  }
0x13: {  	s24 =	sadd.s32 $0xB000, s7;
	s25 =	sadd.s32 $0xC000, s7;
	[dreg:$0xd] =	wrdreg s23  }
0x14: {  	s26 =	sadd.s32 $0xD000, s7;
	s28 =	sadd.s32 $0x10000, s7;
	[dreg:$0xe] =	wrdreg s24  }
0x15: {  	s29 =	sadd.s32 $0x11000, s7;
	s30 =	sadd.s32 $0x12000, s7;
	[dreg:$0xf] =	wrdreg s25  }
0x16: {  	s31 =	sadd.s32 $0x13000, s7;
	[dreg:$0x10] =	wrdreg s26;
	s21 =	sadd.s32 $0xE000, s7  }
0x17: {  	s22 =	smul.u32 $0x5000, s8;
	s23 =	sadd.s32 $0x52A600, s2;
	s24 =	smax.u32 s0, $0x1  }
0x18: {  	s25 =	sadd.s32 $0x2A600, s10;
	s26 =	sadd.s32 $0xF000, s7;
	s2 =	simm.s32 $0x4800  }
0x19: {  	v0 =	vimm.f32 $0.0e+00;
	s0 =	simm.s32 $0x2;
	s8 =	simm.s32 $0x400;
	s10 =	simm.s32 $0x800  }
.LBB2_1:
0x1a: {  	s13 =	simm.s32 $0x0;
	s14 =	simm.s32 $0x200  }
.LBB2_2:
0x1b: {  	p0 =	sne.s32 s14, $0x3E00;
	[tilespmem:s13+$0x4870] =	vst v0  }
0x1c: {  	[tilespmem:s13+$0x4800] =	vst v0  }
0x1d: {  	[tilespmem:s13+$0x4810] =	vst v0  }
.Ltmp0:
0x1e: {  	[tilespmem:s13+$0x4820] =	vst v0;
	(pc) =	sbr.rel @p0 .LBB2_2-.Ltmp0, $4  }
0x1f: {  	[tilespmem:s13+$0x4830] =	vst v0  }
0x20: {  	[tilespmem:s13+$0x4840] =	vst v0  }
0x21: {  	[tilespmem:s13+$0x4850] =	vst v0  }
0x22: {  	[tilespmem:s13+$0x4860] =	vst v0;
	s13 =	sshra.s32 s14, $0x2;
	s14 =	sadd.s32 $0x200, s14  }
0x23: {  	[tilespmem:s13+$0x4870] =	vst v0  }
0x24: {  	[tilespmem:s13+$0x4800] =	vst v0  }
0x25: {  	[tilespmem:s13+$0x4810] =	vst v0  }
0x26: {  	[tilespmem:s13+$0x4820] =	vst v0  }
0x27: {  	[tilespmem:s13+$0x4830] =	vst v0  }
0x28: {  	[tilespmem:s13+$0x4840] =	vst v0  }
0x29: {  	[tilespmem:s13+$0x4850] =	vst v0  }
0x2a: {  	[tilespmem:s13+$0x4860] =	vst v0  }
0x2b: {  	[spmem:s7] =	stream.linear.scatter [tilespmem:s2], [sflag:$0x2], $0x1000, $0x38;
	[tilespmem:$0x19800] =	vst v63  }
0x2c: {  	_ =	swait.ge [sflag:s0], $0x1000  }
0x2d: {  	[sflag:s0] =	ssyncset.done $0x0  }
0x2e: {  	s15 =	rddreg [dreg:$0x4];
	[sflag:s0] =	ssyncadd.s32 $0xFFFFF000  }
0x2f: {  	[spmem:s15] =	stream.linear.scatter [tilespmem:s2], [sflag:$0x2], $0x1000, $0x38;
	[tilespmem:$0x19800] =	vst v63  }
0x30: {  	_ =	swait.ge [sflag:s0], $0x1000  }
0x31: {  	[sflag:s0] =	ssyncset.done $0x0  }
0x32: {  	s16 =	rddreg [dreg:$0x5];
	[sflag:s0] =	ssyncadd.s32 $0xFFFFF000  }
0x33: {  	[spmem:s16] =	stream.linear.scatter [tilespmem:s2], [sflag:$0x2], $0x1000, $0x38;
	[tilespmem:$0x19800] =	vst v63  }
0x34: {  	_ =	swait.ge [sflag:s0], $0x1000  }
0x35: {  	[sflag:s0] =	ssyncset.done $0x0  }
0x36: {  	s17 =	rddreg [dreg:$0x6];
	[sflag:s0] =	ssyncadd.s32 $0xFFFFF000  }
0x37: {  	[spmem:s17] =	stream.linear.scatter [tilespmem:s2], [sflag:$0x2], $0x1000, $0x38;
	[tilespmem:$0x19800] =	vst v63  }
0x38: {  	_ =	swait.ge [sflag:s0], $0x1000  }
0x39: {  	[sflag:s0] =	ssyncset.done $0x0  }
0x3a: {  	s18 =	rddreg [dreg:$0x7];
	[sflag:s0] =	ssyncadd.s32 $0xFFFFF000  }
0x3b: {  	[spmem:s18] =	stream.linear.scatter [tilespmem:s2], [sflag:$0x2], $0x1000, $0x38;
	[tilespmem:$0x19800] =	vst v63  }
0x3c: {  	_ =	swait.ge [sflag:s0], $0x1000  }
0x3d: {  	[sflag:s0] =	ssyncset.done $0x0  }
0x3e: {  	s19 =	rddreg [dreg:$0x8];
	[sflag:s0] =	ssyncadd.s32 $0xFFFFF000  }
0x3f: {  	[spmem:s19] =	stream.linear.scatter [tilespmem:s2], [sflag:$0x2], $0x1000, $0x38;
	[tilespmem:$0x19800] =	vst v63  }
0x40: {  	_ =	swait.ge [sflag:s0], $0x1000  }
0x41: {  	[sflag:s0] =	ssyncset.done $0x0  }
0x42: {  	s20 =	rddreg [dreg:$0x9];
	[sflag:s0] =	ssyncadd.s32 $0xFFFFF000  }
0x43: {  	[spmem:s20] =	stream.linear.scatter [tilespmem:s2], [sflag:$0x2], $0x1000, $0x38;
	[tilespmem:$0x19800] =	vst v63  }
0x44: {  	_ =	swait.ge [sflag:s0], $0x1000  }
0x45: {  	[sflag:s0] =	ssyncset.done $0x0  }
0x46: {  	s14 =	rddreg [dreg:$0xa];
	[sflag:s0] =	ssyncadd.s32 $0xFFFFF000  }
0x47: {  	[spmem:s14] =	stream.linear.scatter [tilespmem:s2], [sflag:$0x2], $0x1000, $0x38;
	[tilespmem:$0x19800] =	vst v63  }
0x48: {  	_ =	swait.ge [sflag:s0], $0x1000  }
0x49: {  	[sflag:s0] =	ssyncset.done $0x0  }
0x4a: {  	s15 =	rddreg [dreg:$0xb];
	[sflag:s0] =	ssyncadd.s32 $0xFFFFF000  }
0x4b: {  	[spmem:s15] =	stream.linear.scatter [tilespmem:s2], [sflag:$0x2], $0x1000, $0x38;
	[tilespmem:$0x19800] =	vst v63  }
0x4c: {  	_ =	swait.ge [sflag:s0], $0x1000  }
0x4d: {  	[sflag:s0] =	ssyncset.done $0x0  }
0x4e: {  	s16 =	rddreg [dreg:$0xc];
	[sflag:s0] =	ssyncadd.s32 $0xFFFFF000  }
0x4f: {  	[spmem:s16] =	stream.linear.scatter [tilespmem:s2], [sflag:$0x2], $0x1000, $0x38;
	[tilespmem:$0x19800] =	vst v63  }
0x50: {  	_ =	swait.ge [sflag:s0], $0x1000  }
0x51: {  	[sflag:s0] =	ssyncset.done $0x0  }
0x52: {  	s17 =	rddreg [dreg:$0xd];
	[sflag:s0] =	ssyncadd.s32 $0xFFFFF000  }
0x53: {  	[spmem:s17] =	stream.linear.scatter [tilespmem:s2], [sflag:$0x2], $0x1000, $0x38;
	[tilespmem:$0x19800] =	vst v63  }
0x54: {  	_ =	swait.ge [sflag:s0], $0x1000  }
0x55: {  	[sflag:s0] =	ssyncset.done $0x0  }
0x56: {  	s18 =	rddreg [dreg:$0xe];
	[sflag:s0] =	ssyncadd.s32 $0xFFFFF000  }
0x57: {  	[spmem:s18] =	stream.linear.scatter [tilespmem:s2], [sflag:$0x2], $0x1000, $0x38;
	[tilespmem:$0x19800] =	vst v63  }
0x58: {  	_ =	swait.ge [sflag:s0], $0x1000  }
0x59: {  	[sflag:s0] =	ssyncset.done $0x0  }
0x5a: {  	s19 =	rddreg [dreg:$0xf];
	[sflag:s0] =	ssyncadd.s32 $0xFFFFF000  }
0x5b: {  	[spmem:s19] =	stream.linear.scatter [tilespmem:s2], [sflag:$0x2], $0x1000, $0x38;
	[tilespmem:$0x19800] =	vst v63  }
0x5c: {  	_ =	swait.ge [sflag:s0], $0x1000  }
0x5d: {  	[sflag:s0] =	ssyncset.done $0x0  }
0x5e: {  	s20 =	rddreg [dreg:$0x10];
	[sflag:s0] =	ssyncadd.s32 $0xFFFFF000  }
0x5f: {  	[spmem:s20] =	stream.linear.scatter [tilespmem:s2], [sflag:$0x2], $0x1000, $0x38;
	[tilespmem:$0x19800] =	vst v63  }
0x60: {  	_ =	swait.ge [sflag:s0], $0x1000  }
0x61: {  	[sflag:s0] =	ssyncset.done $0x0  }
0x62: {  	[sflag:s0] =	ssyncadd.s32 $0xFFFFF000  }
0x63: {  	[spmem:s21] =	stream.linear.scatter [tilespmem:s2], [sflag:$0x2], $0x1000, $0x38;
	[tilespmem:$0x19800] =	vst v63  }
0x64: {  	_ =	swait.ge [sflag:s0], $0x1000  }
0x65: {  	[sflag:s0] =	ssyncset.done $0x0  }
0x66: {  	[sflag:s0] =	ssyncadd.s32 $0xFFFFF000  }
0x67: {  	[spmem:s26] =	stream.linear.scatter [tilespmem:s2], [sflag:$0x2], $0x1000, $0x38;
	[tilespmem:$0x19800] =	vst v63  }
0x68: {  	_ =	swait.ge [sflag:s0], $0x1000  }
0x69: {  	[sflag:s0] =	ssyncset.done $0x0  }
0x6a: {  	[sflag:s0] =	ssyncadd.s32 $0xFFFFF000  }
0x6b: {  	[spmem:s28] =	stream.linear.scatter [tilespmem:s2], [sflag:$0x2], $0x1000, $0x38;
	[tilespmem:$0x19800] =	vst v63  }
0x6c: {  	_ =	swait.ge [sflag:s0], $0x1000  }
0x6d: {  	[sflag:s0] =	ssyncset.done $0x0  }
0x6e: {  	[sflag:s0] =	ssyncadd.s32 $0xFFFFF000  }
0x6f: {  	[spmem:s29] =	stream.linear.scatter [tilespmem:s2], [sflag:$0x2], $0x1000, $0x38;
	[tilespmem:$0x19800] =	vst v63  }
0x70: {  	_ =	swait.ge [sflag:s0], $0x1000  }
0x71: {  	[sflag:s0] =	ssyncset.done $0x0  }
0x72: {  	[sflag:s0] =	ssyncadd.s32 $0xFFFFF000  }
0x73: {  	[spmem:s30] =	stream.linear.scatter [tilespmem:s2], [sflag:$0x2], $0x1000, $0x38;
	[tilespmem:$0x19800] =	vst v63  }
0x74: {  	_ =	swait.ge [sflag:s0], $0x1000  }
0x75: {  	[sflag:s0] =	ssyncset.done $0x0  }
0x76: {  	[sflag:s0] =	ssyncadd.s32 $0xFFFFF000  }
0x77: {  	[spmem:s31] =	stream.linear.scatter [tilespmem:s2], [sflag:$0x2], $0x1000, $0x38;
	[tilespmem:$0x19800] =	vst v63  }
0x78: {  	_ =	swait.ge [sflag:s0], $0x1000  }
0x79: {  	[sflag:s0] =	ssyncset.done $0x0  }
0x7a: {  	[sflag:s0] =	ssyncadd.s32 $0xFFFFF000  }
0x7b: {  	s13 =	simm.s32 $0x0;
	s14 =	simm.s32 $0x0;
	[bflag:$0x0] =	sbarrier.arrive $0xFFFF  }
.LBB2_4:
0x7c: {  	s15 =	sshll.u32 s14, $0xA  }
0x7d: {  	s15 =	sadd.s32 s22, s15  }
0x7e: {  	s15 =	sshrl.u32 s15, $0x3  }
0x7f: {  	s16 =	sadd.s32 s5, s15  }
0x80: {  	[tilespmem:s13], [sflag:$0x2] =	stream.linear.gather [hbm4b:s16+s13], $0x400, $0x38;
	[tilespmem:$0x19800] =	vst v63  }
0x81: {  	_ =	swait.ge [sflag:s0], $0x400  }
0x82: {  	[sflag:s0] =	ssyncset.done $0x0  }
0x83: {  	s15 =	sadd.s32 s6, s15;
	[sflag:s0] =	ssyncadd.s32 $0xFFFFFC00  }
0x84: {  	[tilespmem:s8], [sflag:$0x2] =	stream.linear.gather [hbm4b:s15+s13], $0x400, $0x38;
	[tilespmem:$0x19800] =	vst v63  }
0x85: {  	_ =	swait.ge [sflag:s0], $0x400  }
0x86: {  	s20 =	sshll.u32 s14, $0xD;
	[sflag:s0] =	ssyncset.done $0x0  }
0x87: {  	s16 =	simm.s32 $0x0;
	s15 =	sadd.s32 s25, s20;
	[sflag:s0] =	ssyncadd.s32 $0xFFFFFC00  }
.LBB2_5:
0x88: {  	s17 =	sshll.u32 s16, $0x7  }
0x89: {  	[tilespmem:s10], [sflag:$0x1] =	stream.indirect.gather [hbm4b:s1+s9], $0x80, s17, s9, $0xb8;
	[tilespmem:$0x19800] =	vst v63  }
0x8a: {  	_ =	swait.ge [sflag:s11], $0x2000  }
0x8b: {  	s18 =	sshll.u32 s16, $0xA;
	[sflag:s11] =	ssyncset.done $0x0  }
0x8c: {  	s19 =	simm.s32 $0x0;
	s18 =	sadd.s32 s15, s18;
	[sflag:s11] =	ssyncadd.s32 $0xFFFFE000  }
0x8d: {  	[tilespmem:s12], [sflag:$0x2] =	stream.linear.gather [hbm4b:s18+s19], $0x2000, $0x38;
	[tilespmem:$0x19800] =	vst v63  }
0x8e: {  	_ =	swait.ge [sflag:s0], $0x2000  }
0x8f: {  	[sflag:s0] =	ssyncset.done $0x0  }
0x90: {  	s18 =	simm.s32 $0x0;
	[sflag:s0] =	ssyncadd.s32 $0xFFFFE000  }
0x91: {  	v8 =	vld [tilespmem:s18+$0x2800]  }
0x92: {  	v12 =	vld [tilespmem:s18+$0x2810]  }
0x93: {  	v6 =	vld [tilespmem:s18+$0x2820]  }
0x94: {  	v5 =	vld [tilespmem:s18+$0x2830]  }
0x95: {  	v4 =	vld [tilespmem:s18+$0x2840]  }
0x96: {  	v3 =	vld [tilespmem:s18+$0x2850]  }
0x97: {  	v2 =	vld [tilespmem:s18+$0x2860]  }
0x98: {  	v1 =	vld [tilespmem:s18+$0x2870]  }
0x99: {  	v13 =	vld [tilespmem:s18+$0x800]  }
0x9a: {  	v14 =	vld [tilespmem:s18+$0x810]  }
0x9b: {  	v11 =	vld [tilespmem:s18+$0x820]  }
0x9c: {  	v10 =	vld [tilespmem:s18+$0x830]  }
0x9d: {  	v9 =	vld [tilespmem:s18+$0x840]  }
0x9e: {  	v7 =	vld [tilespmem:s18+$0x850];
	v13 =	vmul.f32 v8, v13  }
0x9f: {  	s19 =	simm.s32 $0x200;
	v12 =	vmul.f32 v12, v14;
	v8 =	vld [tilespmem:s18+$0x860]  }
.LBB2_6:
0xa0: {  	s20 =	sshra.s32 s19, $0x2;
	p0 =	sne.s32 s19, $0x7E00;
	[tilespmem:s18+$0x800] =	vst v13;
	v6 =	vmul.f32 v6, v11;
	v11 =	vld [tilespmem:s18+$0x870]  }
0xa1: {  	v13 =	vld [tilespmem:s20+$0x2800];
	[tilespmem:s18+$0x810] =	vst v12;
	v5 =	vmul.f32 v5, v10  }
0xa2: {  	v12 =	vld [tilespmem:s20+$0x2810];
	[tilespmem:s18+$0x820] =	vst v6;
	v4 =	vmul.f32 v4, v9  }
0xa3: {  	v6 =	vld [tilespmem:s20+$0x2820];
	[tilespmem:s18+$0x830] =	vst v5;
	v3 =	vmul.f32 v3, v7  }
0xa4: {  	v5 =	vld [tilespmem:s20+$0x2830];
	[tilespmem:s18+$0x840] =	vst v4;
	v2 =	vmul.f32 v2, v8  }
0xa5: {  	v4 =	vld [tilespmem:s20+$0x2840];
	[tilespmem:s18+$0x850] =	vst v3;
	v1 =	vmul.f32 v1, v11  }
0xa6: {  	v3 =	vld [tilespmem:s20+$0x2850];
	[tilespmem:s18+$0x860] =	vst v2  }
0xa7: {  	v2 =	vld [tilespmem:s20+$0x2860];
	[tilespmem:s18+$0x870] =	vst v1;
	s18 =	smov.u32 s20  }
0xa8: {  	v1 =	vld [tilespmem:s18+$0x2870]  }
0xa9: {  	v7 =	vld [tilespmem:s18+$0x800]  }
0xaa: {  	v8 =	vld [tilespmem:s18+$0x810]  }
.Ltmp1:
0xab: {  	v11 =	vld [tilespmem:s18+$0x820];
	(pc) =	sbr.rel @p0 .LBB2_6-.Ltmp1, $4  }
0xac: {  	v10 =	vld [tilespmem:s18+$0x830]  }
0xad: {  	v9 =	vld [tilespmem:s18+$0x840]  }
0xae: {  	v13 =	vmul.f32 v13, v7;
	v7 =	vld [tilespmem:s18+$0x850]  }
0xaf: {  	s19 =	sadd.s32 $0x200, s19;
	v12 =	vmul.f32 v12, v8;
	v8 =	vld [tilespmem:s18+$0x860]  }
0xb0: {  	[tilespmem:s18+$0x800] =	vst v13;
	v6 =	vmul.f32 v6, v11;
	v63 =	vld [tilespmem:s18+$0x870]  }
0xb1: {  	[tilespmem:s18+$0x810] =	vst v12;
	v5 =	vmul.f32 v5, v10  }
0xb2: {  	[tilespmem:s18+$0x820] =	vst v6;
	v4 =	vmul.f32 v4, v9  }
0xb3: {  	[tilespmem:s18+$0x830] =	vst v5;
	v3 =	vmul.f32 v3, v7  }
0xb4: {  	[tilespmem:s18+$0x840] =	vst v4;
	v2 =	vmul.f32 v2, v8  }
0xb5: {  	s16 =	sadd.s32 $0x1, s16;
	[tilespmem:s18+$0x850] =	vst v3;
	v1 =	vmul.f32 v1, v63  }
0xb6: {  	p0 =	sne.s32 s16, $0x8;
	[tilespmem:s18+$0x860] =	vst v2  }
.Ltmp2:
0xb7: {  	s17 =	sadd.s32 $0x400, s17;
	[tilespmem:s18+$0x870] =	vst v1;
	(pc) =	sbr.rel @p0 .LBB2_5-.Ltmp2, $4  }
0xb8: {  	[spmem:s3] =	stream.indirect.scatter.add.f32 [tilespmem:s10], [sflag:$0x2], $0x80, s17, s9, $0xb8;
	[tilespmem:$0x19800] =	vst v63  }
0xb9: {  	_ =	swait.ge [sflag:s0], $0x2000  }
0xba: {  	[sflag:s0] =	ssyncset.done $0x0  }
0xbb: {  	[sflag:s0] =	ssyncadd.s32 $0xFFFFE000  }
0xbc: {  	s14 =	sadd.s32 $0x1, s14  }
0xbd: {  	p0 =	sne.s32 s14, $0x14  }
.Ltmp3:
0xbe: {  	_ = 	snop;
	(pc) =	sbr.rel @p0 .LBB2_4-.Ltmp3, $1  }
0xbf: {  	_ =	sdelay $0x3  }
0xc0: {  	s13 =	stileid.u32;
	s4 =	sadd.s32 $0x1, s4  }
0xc1: {  	[bflag:$0x0] =	sbarrier.arrive $0xFFFF;
	s13 =	sshll.u32 s13, $0x6;
	p0 =	sne.s32 s4, s24  }
.Ltmp4:
0xc2: {  	s14 =	sshrl.u32 s7, $0x3;
	s13 =	sor.u32 $0x1C02, s13;
	(pc) =	sbr.rel @p0 .LBB2_1-.Ltmp4, $4  }
0xc3: {  	[hbm:s23], [sflag:s13] =	dma.local [spmem:s14], $0x2800  }
0xc4: {  	_ =	swait.ge [sflag:s0], $0x2800  }
0xc5: {  	[sflag:s0] =	ssyncset.done $0x0  }
0xc6: {  	[sflag:s0] =	ssyncadd.s32 $0xFFFFD800  }
0xc7: {  	_ =	sfence.sel $0x180000  }
0xc8: {  	[bflag:$0x0] =	sbarrier.arrive $0xFFFF  }
0xc9: {  	_ =	strace $0x90000047  }
0xca: {  	s0 =	stileid.u32;
	[bflag:$0x2] =	sbarrier.arrive $0xFFFF  }
0xcb: {  	p0 =	sne.s32 s0, $0x0;
	s0 =	rddreg [dreg:$0x3]  }
0xcc: {  	s0 =	sadd.s32 @!p0 $0x100000, s0  }
0xcd: {  	[sflag:s0] =	ssyncadd.tile.s32 @!p0 $0x1;
	_ =	shalt  }
.Lfunc_end2:
_tile_overlayer_lowered:
.L_overlay_start_2:
0xce: {  	(tag) =	ssettag $0x2  }
0xcf: {  	s0 =	rddreg [dreg:$0x0];
	s2 =	stileid.u32  }
0xd0: {  	s1 =	rddreg [dreg:$0x1];
	p0 =	sne.s32 s2, $0x0  }
0xd1: {  	s3 =	rddreg [dreg:$0x2];
	[bflag:$0x3] =	sbarrier.arrive $0xFFFF;
	s2 =	simm.s32 @!p0 $0x1C02  }
0xd2: {  	[timem:s3], [sflag:s2] =	dma.local @!p0 [hbm:s0], s1  }
0xd3: {  	s0 =	simm.s32 @!p0 $0x2  }
0xd4: {  	_ =	swait.ge @!p0 [sflag:s0], s1  }
0xd5: {  	s1 =	ssub.s32 @!p0 $0x0, s1;
	[sflag:s0] =	ssyncset.done @!p0 $0x0  }
0xd6: {  	[sflag:s0] =	ssyncadd.s32 @!p0 s1  }
0xd7: {  	[bflag:$0x3] =	sbarrier.arrive $0xFFFF  }
0xd8: {  	_ =	shalt  }

</sc_bundles>
